<compile_context>
chip_gen: v7x
topology: tpu7x:2x2x1
jax: 0.10.2.dev20260603
libtpu: 0.0.44.dev20260713+nightly
codegen_flags: <defaults>
</compile_context>

<pallas_src>
import functools

import jax
import jax.numpy as jnp
from jax import lax
from jax.experimental import pallas as pl
from jax.experimental.pallas import tpu as pltpu
from jax.experimental.pallas import tpu_sc as plsc

B, N, C, K = 4, 1024, 256, 16
CP = 16
QW = 128
CW = 128
RB = 256
NB = 256
NTOT = B * N
NKTOT = B * N * K
GCH = 128

_F32 = jnp.float32
_S2 = 0.7071067811865476


def _g(y):
    return y * (1.0 + lax.erf(y))


def _prep_body(pw2_ref, mw1_ref, mb1_ref, pb2_ref, w_ref, wpc_ref, c0_ref):
    mw1c = mw1_ref[2 * C:3 * C, :]
    w_ref[...] = 0.5 * jnp.dot(pw2_ref[...], mw1c,
                               preferred_element_type=_F32)
    wpc_ref[...] = _S2 * (mw1_ref[0:C, :] - mw1_ref[C:2 * C, :])
    c0_ref[...] = _S2 * (mb1_ref[...] + jnp.dot(pb2_ref[...], mw1c,
                                                preferred_element_type=_F32))


def _ka_body(tok_ref, call_ref, cblk_ref, n1g_ref, n1b_ref, wpc_ref, wq_ref,
             c0_ref, p_ref, t_ref, c_ref, idx_ref):
    b = pl.program_id(0)
    r = pl.program_id(1)

    call = call_ref[0]
    crb = cblk_ref[0]

    x = tok_ref[0]
    mu = jnp.mean(x, axis=1, keepdims=True)
    var = jnp.mean((x - mu) ** 2, axis=1, keepdims=True)
    tn = (x - mu) / jnp.sqrt(var + 1e-5) * n1g_ref[...] + n1b_ref[...]
    p_ref[0] = jnp.dot(tn, wpc_ref[...], preferred_element_type=_F32) \
        + c0_ref[...]
    q = jnp.dot(tn, wq_ref[...], preferred_element_type=_F32)
    hi = lax.bitcast_convert_type(
        q[:, 0:QW].astype(jnp.bfloat16).astype(_F32), jnp.int32)
    lo = lax.bitcast_convert_type(
        q[:, QW:C].astype(jnp.bfloat16).astype(_F32), jnp.int32)
    t_ref[0] = hi | lax.shift_right_logical(lo, 16)
    c_ref[0] = jnp.concatenate(
        [crb, jnp.zeros((RB, CW - CP), _F32)], axis=1)
    sqc = jnp.sum(crb * crb, axis=1, keepdims=True)
    ones_row = jnp.ones((1, CP), _F32)
    sqr = lax.dot_general(ones_row, call * call,
                          (((1,), (1,)), ((), ())),
                          preferred_element_type=_F32)
    cct = lax.dot_general(crb, call, (((1,), (1,)), ((), ())),
                          preferred_element_type=_F32)
    d2 = sqc + sqr - 2.0 * cct

    rows = lax.broadcasted_iota(jnp.int32, (RB, N), 0) + r * RB
    cols = lax.broadcasted_iota(jnp.int32, (RB, N), 1)
    d2 = jnp.where(rows == cols, 1e9, d2)
    bits = lax.bitcast_convert_type(d2, jnp.int32)
    keys = (bits & jnp.int32(-1024)) | cols

    fw = N // 4
    x0, x1 = keys[:, 0:fw], keys[:, fw:2 * fw]
    x2, x3 = keys[:, 2 * fw:3 * fw], keys[:, 3 * fw:4 * fw]
    a0, a1 = jnp.minimum(x0, x1), jnp.maximum(x0, x1)
    a2, a3 = jnp.minimum(x2, x3), jnp.maximum(x2, x3)
    b0, b2 = jnp.minimum(a0, a2), jnp.maximum(a0, a2)
    b1, b3 = jnp.minimum(a1, a3), jnp.maximum(a1, a3)
    c1, c2 = jnp.minimum(b1, b2), jnp.maximum(b1, b2)
    cur, n1, n2, n3 = b0, c1, c2, b3

    imax = jnp.int32(2147483647)
    lane_k = lax.broadcasted_iota(jnp.int32, (RB, K), 1)
    acc = jnp.zeros((RB, K), jnp.int32)
    for t in range(K):
        m = jnp.min(cur, axis=1, keepdims=True)
        acc = jnp.where(lane_k == t, (m & 1023) + b * N, acc)
        eq = cur == m
        cur = jnp.where(eq, n1, cur)
        n1 = jnp.where(eq, n2, n1)
        n2 = jnp.where(eq, n3, n2)
        n3 = jnp.where(eq, imax, n3)
    idx_ref[0] = acc


@functools.lru_cache(maxsize=None)
def _make_sc_gather(nktot):
    info = plsc.get_sparse_core_info()
    nc, ns = info.num_cores, info.num_subcores
    nw = nc * ns
    b_per_w = nktot // nw
    nch = b_per_w // GCH
    mesh = plsc.VectorSubcoreMesh(core_axis_name="c", subcore_axis_name="s")

    @functools.partial(
        pl.kernel, mesh=mesh,
        out_type=[jax.ShapeDtypeStruct((nktot, QW), jnp.int32),
                  jax.ShapeDtypeStruct((nktot, CW), _F32)],
        scratch_types=[
            pltpu.VMEM((GCH,), jnp.int32),
            pltpu.VMEM((GCH,), jnp.int32),
            pltpu.VMEM((GCH, QW), jnp.int32),
            pltpu.VMEM((GCH, QW), jnp.int32),
            pltpu.VMEM((GCH, CW), _F32),
            pltpu.VMEM((GCH, CW), _F32),
            pltpu.SemaphoreType.DMA,
            pltpu.SemaphoreType.DMA,
            pltpu.SemaphoreType.DMA,
            pltpu.SemaphoreType.DMA,
        ],
    )
    def gather_k(qtab, ctab, idx, qg, cg, idx0, idx1, qb0, qb1, cb0, cb1,
                 sg0, sg1, so0, so1):
        wid = lax.axis_index("s") * nc + lax.axis_index("c")
        base = wid * b_per_w
        idxb, qb, cb = [idx0, idx1], [qb0, qb1], [cb0, cb1]
        sg, so = [sg0, sg1], [so0, so1]
        gq = [None, None]
        gc = [None, None]
        oq = [None, None]
        oc = [None, None]

        def start_out(j, off):
            gq[j].wait()
            gc[j].wait()
            oq[j] = pltpu.async_copy(qb[j], qg.at[pl.ds(off, GCH)], so[j])
            oc[j] = pltpu.async_copy(cb[j], cg.at[pl.ds(off, GCH)], so[j])

        for ch in range(nch):
            bi = ch % 2
            if oq[bi] is not None:
                oq[bi].wait()
                oc[bi].wait()
            pltpu.sync_copy(idx.at[pl.ds(base + ch * GCH, GCH)], idxb[bi])
            gq[bi] = pltpu.async_copy(qtab.at[idxb[bi]], qb[bi], sg[bi])
            gc[bi] = pltpu.async_copy(ctab.at[idxb[bi]], cb[bi], sg[bi])
            if ch >= 1:
                start_out((ch - 1) % 2, base + (ch - 1) * GCH)
        last = (nch - 1) % 2
        start_out(last, base + (nch - 1) * GCH)
        oq[0].wait()
        oc[0].wait()
        oq[1].wait()
        oc[1].wait()

    return gather_k


def _sc_gather(qtab, ctab, idxf):
    return _make_sc_gather(idxf.shape[0])(qtab, ctab, idxf)


def _kc_body(tok_ref, p_ref, cpd_ref, qg_ref, cg_ref, pw1p_ref, w_ref,
             mw2_ref, fw1_ref, fw2_ref, mb2_ref, n2g_ref, n2b_ref,
             fb1_ref, fb2_ref, out_ref):
    e3 = jnp.where(lax.broadcasted_iota(jnp.int32, (NB, CP), 1) == 3,
                   1.0, 0.0).astype(_F32)
    cg3 = cg_ref[:, 0:CP].reshape(NB, K, CP)
    dxyz = (cg3 - (cpd_ref[...] - e3)[:, None, :]).reshape(NB * K, CP)
    posh = _g(jnp.dot(dxyz, pw1p_ref[...], preferred_element_type=_F32))
    u = jnp.dot(posh, w_ref[...], preferred_element_type=_F32)
    v = qg_ref[...]
    qhi = lax.bitcast_convert_type(v & jnp.int32(-65536), _F32)
    qlo = lax.bitcast_convert_type(lax.shift_left(v, 16), _F32)
    qg = jnp.concatenate([qhi, qlo], axis=1)
    h3 = _g(u.reshape(NB, K, C) + qg.reshape(NB, K, C)
            + p_ref[...][:, None, :])
    hs = jnp.sum(h3, axis=1)
    t = tok_ref[...] + jnp.dot(hs, mw2_ref[...],
                               preferred_element_type=_F32) + mb2_ref[...]

    mu = jnp.mean(t, axis=1, keepdims=True)
    var = jnp.mean((t - mu) ** 2, axis=1, keepdims=True)
    h = (t - mu) / jnp.sqrt(var + 1e-5) * n2g_ref[...] + n2b_ref[...]
    f = _g(jnp.dot(h, fw1_ref[...], preferred_element_type=_F32)
           + fb1_ref[...])
    out_ref[...] = t + jnp.dot(f, fw2_ref[...],
                               preferred_element_type=_F32) + fb2_ref[...]


def kernel(tokens, centers, n1_g, n1_b, pw1, pb1, pw2, pb2, mw1, mb1, mw2,
           mb2, n2_g, n2_b, fw1, fb1, fw2, fb2):
    row = lambda v: v.reshape(1, -1)
    cpad = jnp.pad(centers, ((0, 0), (0, 0), (0, CP - 3)))
    pw1p = _S2 * jnp.pad(pw1, ((0, CP - 3), (0, 0)))
    pw1p = pw1p.at[3].set(_S2 * pb1)
    wq = _S2 * mw1[C:2 * C]
    mw2_s = (_S2 / K) * mw2
    fw1_s = _S2 * fw1
    fb1_s = _S2 * fb1
    fw2_s = _S2 * fw2

    w_fused, wpc, c0 = pl.pallas_call(
        _prep_body,
        out_shape=[jax.ShapeDtypeStruct((C, C), _F32),
                   jax.ShapeDtypeStruct((C, C), _F32),
                   jax.ShapeDtypeStruct((1, C), _F32)],
    )(pw2, mw1, row(mb1), row(pb2))

    BH = B // 2
    nth = BH * N
    nkh = nth * K

    def run_half(tok_h, cpad_h):
        full = lambda s: pl.BlockSpec(s, lambda b, r: (0, 0))
        p_arr, t_arr, c_tab, idx = pl.pallas_call(
            _ka_body,
            grid=(BH, N // RB),
            in_specs=[
                pl.BlockSpec((1, RB, C), lambda b, r: (b, r, 0)),
                pl.BlockSpec((1, N, CP), lambda b, r: (b, 0, 0)),
                pl.BlockSpec((1, RB, CP), lambda b, r: (b, r, 0)),
                full((1, C)), full((1, C)),
                full((C, C)), full((C, C)), full((1, C)),
            ],
            out_specs=[
                pl.BlockSpec((1, RB, C), lambda b, r: (b, r, 0)),
                pl.BlockSpec((1, RB, QW), lambda b, r: (b, r, 0)),
                pl.BlockSpec((1, RB, CW), lambda b, r: (b, r, 0)),
                pl.BlockSpec((1, RB, K), lambda b, r: (b, r, 0)),
            ],
            out_shape=[jax.ShapeDtypeStruct((BH, N, C), _F32),
                       jax.ShapeDtypeStruct((BH, N, QW), jnp.int32),
                       jax.ShapeDtypeStruct((BH, N, CW), _F32),
                       jax.ShapeDtypeStruct((BH, N, K), jnp.int32)],
        )(tok_h, cpad_h, cpad_h, row(n1_g), row(n1_b), wpc, wq, c0)

        qg, cg = _sc_gather(t_arr.reshape(nth, QW),
                            c_tab.reshape(nth, CW), idx.reshape(nkh))

        wfull = lambda s: pl.BlockSpec(s, lambda i: (0, 0))
        out = pl.pallas_call(
            _kc_body,
            grid=(nth // NB,),
            in_specs=[
                pl.BlockSpec((NB, C), lambda i: (i, 0)),
                pl.BlockSpec((NB, C), lambda i: (i, 0)),
                pl.BlockSpec((NB, CP), lambda i: (i, 0)),
                pl.BlockSpec((NB * K, QW), lambda i: (i, 0)),
                pl.BlockSpec((NB * K, CW), lambda i: (i, 0)),
                wfull((CP, C)), wfull((C, C)), wfull((C, C)),
                wfull((C, 4 * C)), wfull((4 * C, C)),
                wfull((1, C)), wfull((1, C)), wfull((1, C)),
                wfull((1, 4 * C)), wfull((1, C)),
            ],
            out_specs=pl.BlockSpec((NB, C), lambda i: (i, 0)),
            out_shape=jax.ShapeDtypeStruct((nth, C), _F32),
        )(tok_h.reshape(nth, C), p_arr.reshape(nth, C),
          cpad_h.reshape(nth, CP), qg, cg, pw1p, w_fused, mw2_s, fw1_s,
          fw2_s, row(mb2), row(n2_g), row(n2_b), row(fb1_s), row(fb2))
        return out

    parts = [run_half(tokens[i:i + BH], cpad[i:i + BH])
             for i in range(0, B, BH)]
    return jnp.concatenate(parts, axis=0).reshape(B, N, C)

# --- scband reference (transcript-rebuilt; emitter-appended) ---
"""Pipeline reference for scband-refiner-block-42348377538676 (READ-ONLY COPY).

The authoritative reference and input builder live on the scoring server;
editing this copy changes nothing except your own understanding.
"""

import jax, jax.numpy as jnp
import numpy as np

B, N, C, K = 4, 1024, 256, 16


def _ln(x, g, b):
    m = jnp.mean(x, axis=-1, keepdims=True)
    v = jnp.mean((x - m) ** 2, axis=-1, keepdims=True)
    return (x - m) / jnp.sqrt(v + 1e-5) * g + b


def _gelu(x):
    return jax.nn.gelu(x, approximate=False)


def _knn_indices(centers, k):
    # euclidean cdist via x^2 + y^2 - 2xy, self excluded by +1e6 on diagonal
    sq = jnp.sum(centers * centers, axis=-1)
    d2 = sq[:, :, None] + sq[:, None, :] - 2.0 * jnp.einsum('bnd,bmd->bnm', centers, centers)
    dist = jnp.sqrt(jnp.maximum(d2, 0.0))
    eye = jnp.eye(centers.shape[1], dtype=dist.dtype)[None]
    dist = dist + eye * 1000000.0
    _, idx = jax.lax.top_k(-dist, k)
    return idx


def _gather(x, idx):
    # x: [B, N, C], idx: [B, N, K] -> [B, N, K, C]
    return jax.vmap(lambda xb, ib: xb[ib])(x, idx)


def setup_inputs(seed: int = 0) -> dict:
    key = jax.random.key(seed)
    ks = [jax.random.fold_in(key, i) for i in range(10)]
    d = {}
    d['tokens'] = jax.random.normal(ks[0], (B, N, C), jnp.float32)
    d['centers'] = jax.random.normal(ks[1], (B, N, 3), jnp.float32)
    d['n1_g'] = jnp.ones((C,), jnp.float32)
    d['n1_b'] = jnp.zeros((C,), jnp.float32)
    d['pw1'] = jax.random.normal(ks[2], (3, C), jnp.float32) * 0.02
    d['pb1'] = jnp.zeros((C,), jnp.float32)
    d['pw2'] = jax.random.normal(ks[3], (C, C), jnp.float32) * 0.02
    d['pb2'] = jnp.zeros((C,), jnp.float32)
    d['mw1'] = jax.random.normal(ks[4], (3 * C, C), jnp.float32) * 0.02
    d['mb1'] = jnp.zeros((C,), jnp.float32)
    d['mw2'] = jax.random.normal(ks[5], (C, C), jnp.float32) * 0.02
    d['mb2'] = jnp.zeros((C,), jnp.float32)
    d['n2_g'] = jnp.ones((C,), jnp.float32)
    d['n2_b'] = jnp.zeros((C,), jnp.float32)
    d['fw1'] = jax.random.normal(ks[6], (C, 4 * C), jnp.float32) * 0.02
    d['fb1'] = jnp.zeros((4 * C,), jnp.float32)
    d['fw2'] = jax.random.normal(ks[7], (4 * C, C), jnp.float32) * 0.02
    d['fb2'] = jnp.zeros((C,), jnp.float32)
    return d


def reference(tokens, centers, n1_g, n1_b, pw1, pb1, pw2, pb2, mw1, mb1, mw2, mb2, n2_g, n2_b, fw1, fb1, fw2, fb2):
    tn = _ln(tokens, n1_g, n1_b)
    idx = _knn_indices(centers, K)
    neighbor_tokens = _gather(tn, idx)
    neighbor_centers = _gather(centers, idx)
    center_tokens = jnp.broadcast_to(tn[:, :, None, :], neighbor_tokens.shape)
    center_xyz = jnp.broadcast_to(centers[:, :, None, :], neighbor_centers.shape)
    pos_h = _gelu((neighbor_centers - center_xyz) @ pw1 + pb1)
    pos_feat = pos_h @ pw2 + pb2
    msg_in = jnp.concatenate([center_tokens, neighbor_tokens - center_tokens, pos_feat], axis=-1)
    msg = _gelu(msg_in @ mw1 + mb1) @ mw2 + mb2
    t = tokens + jnp.mean(msg, axis=2)
    h = _ln(t, n2_g, n2_b)
    h = _gelu(h @ fw1 + fb1) @ fw2 + fb2
    return t + h

if __name__ == "__main__":
    import jax
    _d = setup_inputs()
    print(jax.jit(kernel)(*tuple(_d.values())))

</pallas_src>

<mosaic_0001>
#map = affine_map<(d0, d1) -> (0, 0)>
#map1 = affine_map<(d0, d1) -> (0)>
module attributes {stable_mosaic.version = 14 : i64} {
  func.func @gather_k(%arg0: i32, %arg1: i32, %arg2: memref<2048x128xi32, #tpu.memory_space<hbm>>, %arg3: memref<2048x128xf32, #tpu.memory_space<hbm>>, %arg4: memref<32768xi32, #tpu.memory_space<hbm>>, %arg5: memref<32768x128xi32, #tpu.memory_space<hbm>>, %arg6: memref<32768x128xf32, #tpu.memory_space<hbm>>, %arg7: memref<128xi32, #tpu.memory_space<vmem>>, %arg8: memref<128xi32, #tpu.memory_space<vmem>>, %arg9: memref<128x128xi32, #tpu.memory_space<vmem>>, %arg10: memref<128x128xi32, #tpu.memory_space<vmem>>, %arg11: memref<128x128xf32, #tpu.memory_space<vmem>>, %arg12: memref<128x128xf32, #tpu.memory_space<vmem>>, %arg13: memref<!tpu.dma_semaphore, #tpu.memory_space<semaphore_mem>>, %arg14: memref<!tpu.dma_semaphore, #tpu.memory_space<semaphore_mem>>, %arg15: memref<!tpu.dma_semaphore, #tpu.memory_space<semaphore_mem>>, %arg16: memref<!tpu.dma_semaphore, #tpu.memory_space<semaphore_mem>>) attributes {dimension_semantics = [#tpu.dimension_semantics<core_parallel>, #tpu.dimension_semantics<subcore_parallel>], iteration_bounds = array<i64: 2, 16>, scalar_prefetch = 0 : i64, scratch_operands = 10 : i64, tpu.core_type = #tpu.core_type<sc_vector_subcore>, window_params = [{transform_indices = #map}, {transform_indices = #map}, {transform_indices = #map1}, {transform_indices = #map}, {transform_indices = #map}]} {
    %mul3A = arith.constant 2 : i32
    %mul3A_0 = arith.muli %arg1, %mul3A : i32
    %add3A = arith.addi %mul3A_0, %arg0 : i32
    %mul3A_1 = arith.constant 1024 : i32
    %mul3A_2 = arith.muli %add3A, %mul3A_1 : i32
    %add3A_3 = arith.constant 0 : i32
    %add3A_4 = arith.addi %mul3A_2, %add3A_3 : i32
    "tpu.region"() ({
      %run_scoped3A = tpu.sem_alloc : memref<!tpu.dma_semaphore, #tpu.memory_space<semaphore_mem>>
      %dma_start3A_257 = tpu.memref_slice %arg4[%add3A_4] : memref<32768xi32, #tpu.memory_space<hbm>> -> memref<128xi32, #tpu.memory_space<hbm>>
      %dma_start3A_258 = tpu.memref_slice %arg4[%add3A_4] : memref<32768xi32, #tpu.memory_space<hbm>> -> memref<128xi32, #tpu.memory_space<hbm>>
      tpu.enqueue_dma source(%dma_start3A_258 : memref<128xi32, #tpu.memory_space<hbm>>) target(%arg7 : memref<128xi32, #tpu.memory_space<vmem>>) target_semaphore(%run_scoped3A : memref<!tpu.dma_semaphore, #tpu.memory_space<semaphore_mem>>)
      %dma_wait3A_259 = tpu.memref_slice %arg4[%add3A_4] : memref<32768xi32, #tpu.memory_space<hbm>> -> memref<128xi32, #tpu.memory_space<hbm>>
      %dma_wait3A_260 = tpu.memref_slice %arg4[%add3A_4] : memref<32768xi32, #tpu.memory_space<hbm>> -> memref<128xi32, #tpu.memory_space<hbm>>
      tpu.wait_dma2 semaphore(%run_scoped3A : memref<!tpu.dma_semaphore, #tpu.memory_space<semaphore_mem>>) src(%dma_wait3A_260 : memref<128xi32, #tpu.memory_space<hbm>>) dst(%arg7 : memref<128xi32, #tpu.memory_space<vmem>>)
      tpu.yield
    }) : () -> ()
    %dma_start3A = arith.constant 0 : i32
    %dma_start3A_5 = arith.constant 0 : i32
    %dma_start3A_6 = tpu.memref_slice %arg2[%dma_start3A, %dma_start3A_5] : memref<2048x128xi32, #tpu.memory_space<hbm>> -> memref<2048x128xi32, #tpu.memory_space<hbm>>
    tpu.enqueue_indirect_dma source(%dma_start3A_6 : memref<2048x128xi32, #tpu.memory_space<hbm>>) target(%arg9 : memref<128x128xi32, #tpu.memory_space<vmem>>) offsets(%arg7 : memref<128xi32, #tpu.memory_space<vmem>>) semaphore(%arg13 : memref<!tpu.dma_semaphore, #tpu.memory_space<semaphore_mem>>)
    %dma_start3A_7 = arith.constant 0 : i32
    %dma_start3A_8 = arith.constant 0 : i32
    %dma_start3A_9 = tpu.memref_slice %arg3[%dma_start3A_7, %dma_start3A_8] : memref<2048x128xf32, #tpu.memory_space<hbm>> -> memref<2048x128xf32, #tpu.memory_space<hbm>>
    tpu.enqueue_indirect_dma source(%dma_start3A_9 : memref<2048x128xf32, #tpu.memory_space<hbm>>) target(%arg11 : memref<128x128xf32, #tpu.memory_space<vmem>>) offsets(%arg7 : memref<128xi32, #tpu.memory_space<vmem>>) semaphore(%arg13 : memref<!tpu.dma_semaphore, #tpu.memory_space<semaphore_mem>>)
    %add3A_10 = arith.constant 128 : i32
    %add3A_11 = arith.addi %mul3A_2, %add3A_10 : i32
    "tpu.region"() ({
      %run_scoped3A = tpu.sem_alloc : memref<!tpu.dma_semaphore, #tpu.memory_space<semaphore_mem>>
      %dma_start3A_257 = tpu.memref_slice %arg4[%add3A_11] : memref<32768xi32, #tpu.memory_space<hbm>> -> memref<128xi32, #tpu.memory_space<hbm>>
      %dma_start3A_258 = tpu.memref_slice %arg4[%add3A_11] : memref<32768xi32, #tpu.memory_space<hbm>> -> memref<128xi32, #tpu.memory_space<hbm>>
      tpu.enqueue_dma source(%dma_start3A_258 : memref<128xi32, #tpu.memory_space<hbm>>) target(%arg8 : memref<128xi32, #tpu.memory_space<vmem>>) target_semaphore(%run_scoped3A : memref<!tpu.dma_semaphore, #tpu.memory_space<semaphore_mem>>)
      %dma_wait3A_259 = tpu.memref_slice %arg4[%add3A_11] : memref<32768xi32, #tpu.memory_space<hbm>> -> memref<128xi32, #tpu.memory_space<hbm>>
      %dma_wait3A_260 = tpu.memref_slice %arg4[%add3A_11] : memref<32768xi32, #tpu.memory_space<hbm>> -> memref<128xi32, #tpu.memory_space<hbm>>
      tpu.wait_dma2 semaphore(%run_scoped3A : memref<!tpu.dma_semaphore, #tpu.memory_space<semaphore_mem>>) src(%dma_wait3A_260 : memref<128xi32, #tpu.memory_space<hbm>>) dst(%arg8 : memref<128xi32, #tpu.memory_space<vmem>>)
      tpu.yield
    }) : () -> ()
    %dma_start3A_12 = arith.constant 0 : i32
    %dma_start3A_13 = arith.constant 0 : i32
    %dma_start3A_14 = tpu.memref_slice %arg2[%dma_start3A_12, %dma_start3A_13] : memref<2048x128xi32, #tpu.memory_space<hbm>> -> memref<2048x128xi32, #tpu.memory_space<hbm>>
    tpu.enqueue_indirect_dma source(%dma_start3A_14 : memref<2048x128xi32, #tpu.memory_space<hbm>>) target(%arg10 : memref<128x128xi32, #tpu.memory_space<vmem>>) offsets(%arg8 : memref<128xi32, #tpu.memory_space<vmem>>) semaphore(%arg14 : memref<!tpu.dma_semaphore, #tpu.memory_space<semaphore_mem>>)
    %dma_start3A_15 = arith.constant 0 : i32
    %dma_start3A_16 = arith.constant 0 : i32
    %dma_start3A_17 = tpu.memref_slice %arg3[%dma_start3A_15, %dma_start3A_16] : memref<2048x128xf32, #tpu.memory_space<hbm>> -> memref<2048x128xf32, #tpu.memory_space<hbm>>
    tpu.enqueue_indirect_dma source(%dma_start3A_17 : memref<2048x128xf32, #tpu.memory_space<hbm>>) target(%arg12 : memref<128x128xf32, #tpu.memory_space<vmem>>) offsets(%arg8 : memref<128xi32, #tpu.memory_space<vmem>>) semaphore(%arg14 : memref<!tpu.dma_semaphore, #tpu.memory_space<semaphore_mem>>)
    %add3A_18 = arith.constant 0 : i32
    %add3A_19 = arith.addi %mul3A_2, %add3A_18 : i32
    %dma_wait3A = arith.constant 0 : i32
    %dma_wait3A_20 = arith.constant 0 : i32
    %dma_wait3A_21 = tpu.memref_slice %arg2[%dma_wait3A, %dma_wait3A_20] : memref<2048x128xi32, #tpu.memory_space<hbm>> -> memref<2048x128xi32, #tpu.memory_space<hbm>>
    tpu.wait_indirect_dma semaphore(%arg13 : memref<!tpu.dma_semaphore, #tpu.memory_space<semaphore_mem>>) src(%dma_wait3A_21 : memref<2048x128xi32, #tpu.memory_space<hbm>>) dst(%arg9 : memref<128x128xi32, #tpu.memory_space<vmem>>)
    %dma_wait3A_22 = arith.constant 0 : i32
    %dma_wait3A_23 = arith.constant 0 : i32
    %dma_wait3A_24 = tpu.memref_slice %arg3[%dma_wait3A_22, %dma_wait3A_23] : memref<2048x128xf32, #tpu.memory_space<hbm>> -> memref<2048x128xf32, #tpu.memory_space<hbm>>
    tpu.wait_indirect_dma semaphore(%arg13 : memref<!tpu.dma_semaphore, #tpu.memory_space<semaphore_mem>>) src(%dma_wait3A_24 : memref<2048x128xf32, #tpu.memory_space<hbm>>) dst(%arg11 : memref<128x128xf32, #tpu.memory_space<vmem>>)
    %dma_start3A_25 = arith.constant 0 : i32
    %dma_start3A_26 = tpu.memref_slice %arg5[%add3A_19, %dma_start3A_25] : memref<32768x128xi32, #tpu.memory_space<hbm>> -> memref<128x128xi32, #tpu.memory_space<hbm>>
    %dma_start3A_27 = arith.constant 0 : i32
    %dma_start3A_28 = tpu.memref_slice %arg5[%add3A_19, %dma_start3A_27] : memref<32768x128xi32, #tpu.memory_space<hbm>> -> memref<128x128xi32, #tpu.memory_space<hbm>>
    tpu.enqueue_dma source(%arg9 : memref<128x128xi32, #tpu.memory_space<vmem>>) target(%dma_start3A_28 : memref<128x128xi32, #tpu.memory_space<hbm>>) target_semaphore(%arg15 : memref<!tpu.dma_semaphore, #tpu.memory_space<semaphore_mem>>)
    %dma_start3A_29 = arith.constant 0 : i32
    %dma_start3A_30 = tpu.memref_slice %arg6[%add3A_19, %dma_start3A_29] : memref<32768x128xf32, #tpu.memory_space<hbm>> -> memref<128x128xf32, #tpu.memory_space<hbm>>
    %dma_start3A_31 = arith.constant 0 : i32
    %dma_start3A_32 = tpu.memref_slice %arg6[%add3A_19, %dma_start3A_31] : memref<32768x128xf32, #tpu.memory_space<hbm>> -> memref<128x128xf32, #tpu.memory_space<hbm>>
    tpu.enqueue_dma source(%arg11 : memref<128x128xf32, #tpu.memory_space<vmem>>) target(%dma_start3A_32 : memref<128x128xf32, #tpu.memory_space<hbm>>) target_semaphore(%arg15 : memref<!tpu.dma_semaphore, #tpu.memory_space<semaphore_mem>>)
    %dma_wait3A_33 = arith.constant 0 : i32
    %dma_wait3A_34 = tpu.memref_slice %arg5[%add3A_19, %dma_wait3A_33] : memref<32768x128xi32, #tpu.memory_space<hbm>> -> memref<128x128xi32, #tpu.memory_space<hbm>>
    %dma_wait3A_35 = arith.constant 0 : i32
    %dma_wait3A_36 = tpu.memref_slice %arg5[%add3A_19, %dma_wait3A_35] : memref<32768x128xi32, #tpu.memory_space<hbm>> -> memref<128x128xi32, #tpu.memory_space<hbm>>
    tpu.wait_dma2 semaphore(%arg15 : memref<!tpu.dma_semaphore, #tpu.memory_space<semaphore_mem>>) src(%arg9 : memref<128x128xi32, #tpu.memory_space<vmem>>) dst(%dma_wait3A_36 : memref<128x128xi32, #tpu.memory_space<hbm>>)
    %dma_wait3A_37 = arith.constant 0 : i32
    %dma_wait3A_38 = tpu.memref_slice %arg6[%add3A_19, %dma_wait3A_37] : memref<32768x128xf32, #tpu.memory_space<hbm>> -> memref<128x128xf32, #tpu.memory_space<hbm>>
    %dma_wait3A_39 = arith.constant 0 : i32
    %dma_wait3A_40 = tpu.memref_slice %arg6[%add3A_19, %dma_wait3A_39] : memref<32768x128xf32, #tpu.memory_space<hbm>> -> memref<128x128xf32, #tpu.memory_space<hbm>>
    tpu.wait_dma2 semaphore(%arg15 : memref<!tpu.dma_semaphore, #tpu.memory_space<semaphore_mem>>) src(%arg11 : memref<128x128xf32, #tpu.memory_space<vmem>>) dst(%dma_wait3A_40 : memref<128x128xf32, #tpu.memory_space<hbm>>)
    %add3A_41 = arith.constant 256 : i32
    %add3A_42 = arith.addi %mul3A_2, %add3A_41 : i32
    "tpu.region"() ({
      %run_scoped3A = tpu.sem_alloc : memref<!tpu.dma_semaphore, #tpu.memory_space<semaphore_mem>>
      %dma_start3A_257 = tpu.memref_slice %arg4[%add3A_42] : memref<32768xi32, #tpu.memory_space<hbm>> -> memref<128xi32, #tpu.memory_space<hbm>>
      %dma_start3A_258 = tpu.memref_slice %arg4[%add3A_42] : memref<32768xi32, #tpu.memory_space<hbm>> -> memref<128xi32, #tpu.memory_space<hbm>>
      tpu.enqueue_dma source(%dma_start3A_258 : memref<128xi32, #tpu.memory_space<hbm>>) target(%arg7 : memref<128xi32, #tpu.memory_space<vmem>>) target_semaphore(%run_scoped3A : memref<!tpu.dma_semaphore, #tpu.memory_space<semaphore_mem>>)
      %dma_wait3A_259 = tpu.memref_slice %arg4[%add3A_42] : memref<32768xi32, #tpu.memory_space<hbm>> -> memref<128xi32, #tpu.memory_space<hbm>>
      %dma_wait3A_260 = tpu.memref_slice %arg4[%add3A_42] : memref<32768xi32, #tpu.memory_space<hbm>> -> memref<128xi32, #tpu.memory_space<hbm>>
      tpu.wait_dma2 semaphore(%run_scoped3A : memref<!tpu.dma_semaphore, #tpu.memory_space<semaphore_mem>>) src(%dma_wait3A_260 : memref<128xi32, #tpu.memory_space<hbm>>) dst(%arg7 : memref<128xi32, #tpu.memory_space<vmem>>)
      tpu.yield
    }) : () -> ()
    %dma_start3A_43 = arith.constant 0 : i32
    %dma_start3A_44 = arith.constant 0 : i32
    %dma_start3A_45 = tpu.memref_slice %arg2[%dma_start3A_43, %dma_start3A_44] : memref<2048x128xi32, #tpu.memory_space<hbm>> -> memref<2048x128xi32, #tpu.memory_space<hbm>>
    tpu.enqueue_indirect_dma source(%dma_start3A_45 : memref<2048x128xi32, #tpu.memory_space<hbm>>) target(%arg9 : memref<128x128xi32, #tpu.memory_space<vmem>>) offsets(%arg7 : memref<128xi32, #tpu.memory_space<vmem>>) semaphore(%arg13 : memref<!tpu.dma_semaphore, #tpu.memory_space<semaphore_mem>>)
    %dma_start3A_46 = arith.constant 0 : i32
    %dma_start3A_47 = arith.constant 0 : i32
    %dma_start3A_48 = tpu.memref_slice %arg3[%dma_start3A_46, %dma_start3A_47] : memref<2048x128xf32, #tpu.memory_space<hbm>> -> memref<2048x128xf32, #tpu.memory_space<hbm>>
    tpu.enqueue_indirect_dma source(%dma_start3A_48 : memref<2048x128xf32, #tpu.memory_space<hbm>>) target(%arg11 : memref<128x128xf32, #tpu.memory_space<vmem>>) offsets(%arg7 : memref<128xi32, #tpu.memory_space<vmem>>) semaphore(%arg13 : memref<!tpu.dma_semaphore, #tpu.memory_space<semaphore_mem>>)
    %add3A_49 = arith.constant 128 : i32
    %add3A_50 = arith.addi %mul3A_2, %add3A_49 : i32
    %dma_wait3A_51 = arith.constant 0 : i32
    %dma_wait3A_52 = arith.constant 0 : i32
    %dma_wait3A_53 = tpu.memref_slice %arg2[%dma_wait3A_51, %dma_wait3A_52] : memref<2048x128xi32, #tpu.memory_space<hbm>> -> memref<2048x128xi32, #tpu.memory_space<hbm>>
    tpu.wait_indirect_dma semaphore(%arg14 : memref<!tpu.dma_semaphore, #tpu.memory_space<semaphore_mem>>) src(%dma_wait3A_53 : memref<2048x128xi32, #tpu.memory_space<hbm>>) dst(%arg10 : memref<128x128xi32, #tpu.memory_space<vmem>>)
    %dma_wait3A_54 = arith.constant 0 : i32
    %dma_wait3A_55 = arith.constant 0 : i32
    %dma_wait3A_56 = tpu.memref_slice %arg3[%dma_wait3A_54, %dma_wait3A_55] : memref<2048x128xf32, #tpu.memory_space<hbm>> -> memref<2048x128xf32, #tpu.memory_space<hbm>>
    tpu.wait_indirect_dma semaphore(%arg14 : memref<!tpu.dma_semaphore, #tpu.memory_space<semaphore_mem>>) src(%dma_wait3A_56 : memref<2048x128xf32, #tpu.memory_space<hbm>>) dst(%arg12 : memref<128x128xf32, #tpu.memory_space<vmem>>)
    %dma_start3A_57 = arith.constant 0 : i32
    %dma_start3A_58 = tpu.memref_slice %arg5[%add3A_50, %dma_start3A_57] : memref<32768x128xi32, #tpu.memory_space<hbm>> -> memref<128x128xi32, #tpu.memory_space<hbm>>
    %dma_start3A_59 = arith.constant 0 : i32
    %dma_start3A_60 = tpu.memref_slice %arg5[%add3A_50, %dma_start3A_59] : memref<32768x128xi32, #tpu.memory_space<hbm>> -> memref<128x128xi32, #tpu.memory_space<hbm>>
    tpu.enqueue_dma source(%arg10 : memref<128x128xi32, #tpu.memory_space<vmem>>) target(%dma_start3A_60 : memref<128x128xi32, #tpu.memory_space<hbm>>) target_semaphore(%arg16 : memref<!tpu.dma_semaphore, #tpu.memory_space<semaphore_mem>>)
    %dma_start3A_61 = arith.constant 0 : i32
    %dma_start3A_62 = tpu.memref_slice %arg6[%add3A_50, %dma_start3A_61] : memref<32768x128xf32, #tpu.memory_space<hbm>> -> memref<128x128xf32, #tpu.memory_space<hbm>>
    %dma_start3A_63 = arith.constant 0 : i32
    %dma_start3A_64 = tpu.memref_slice %arg6[%add3A_50, %dma_start3A_63] : memref<32768x128xf32, #tpu.memory_space<hbm>> -> memref<128x128xf32, #tpu.memory_space<hbm>>
    tpu.enqueue_dma source(%arg12 : memref<128x128xf32, #tpu.memory_space<vmem>>) target(%dma_start3A_64 : memref<128x128xf32, #tpu.memory_space<hbm>>) target_semaphore(%arg16 : memref<!tpu.dma_semaphore, #tpu.memory_space<semaphore_mem>>)
    %dma_wait3A_65 = arith.constant 0 : i32
    %dma_wait3A_66 = tpu.memref_slice %arg5[%add3A_50, %dma_wait3A_65] : memref<32768x128xi32, #tpu.memory_space<hbm>> -> memref<128x128xi32, #tpu.memory_space<hbm>>
    %dma_wait3A_67 = arith.constant 0 : i32
    %dma_wait3A_68 = tpu.memref_slice %arg5[%add3A_50, %dma_wait3A_67] : memref<32768x128xi32, #tpu.memory_space<hbm>> -> memref<128x128xi32, #tpu.memory_space<hbm>>
    tpu.wait_dma2 semaphore(%arg16 : memref<!tpu.dma_semaphore, #tpu.memory_space<semaphore_mem>>) src(%arg10 : memref<128x128xi32, #tpu.memory_space<vmem>>) dst(%dma_wait3A_68 : memref<128x128xi32, #tpu.memory_space<hbm>>)
    %dma_wait3A_69 = arith.constant 0 : i32
    %dma_wait3A_70 = tpu.memref_slice %arg6[%add3A_50, %dma_wait3A_69] : memref<32768x128xf32, #tpu.memory_space<hbm>> -> memref<128x128xf32, #tpu.memory_space<hbm>>
    %dma_wait3A_71 = arith.constant 0 : i32
    %dma_wait3A_72 = tpu.memref_slice %arg6[%add3A_50, %dma_wait3A_71] : memref<32768x128xf32, #tpu.memory_space<hbm>> -> memref<128x128xf32, #tpu.memory_space<hbm>>
    tpu.wait_dma2 semaphore(%arg16 : memref<!tpu.dma_semaphore, #tpu.memory_space<semaphore_mem>>) src(%arg12 : memref<128x128xf32, #tpu.memory_space<vmem>>) dst(%dma_wait3A_72 : memref<128x128xf32, #tpu.memory_space<hbm>>)
    %add3A_73 = arith.constant 384 : i32
    %add3A_74 = arith.addi %mul3A_2, %add3A_73 : i32
    "tpu.region"() ({
      %run_scoped3A = tpu.sem_alloc : memref<!tpu.dma_semaphore, #tpu.memory_space<semaphore_mem>>
      %dma_start3A_257 = tpu.memref_slice %arg4[%add3A_74] : memref<32768xi32, #tpu.memory_space<hbm>> -> memref<128xi32, #tpu.memory_space<hbm>>
      %dma_start3A_258 = tpu.memref_slice %arg4[%add3A_74] : memref<32768xi32, #tpu.memory_space<hbm>> -> memref<128xi32, #tpu.memory_space<hbm>>
      tpu.enqueue_dma source(%dma_start3A_258 : memref<128xi32, #tpu.memory_space<hbm>>) target(%arg8 : memref<128xi32, #tpu.memory_space<vmem>>) target_semaphore(%run_scoped3A : memref<!tpu.dma_semaphore, #tpu.memory_space<semaphore_mem>>)
      %dma_wait3A_259 = tpu.memref_slice %arg4[%add3A_74] : memref<32768xi32, #tpu.memory_space<hbm>> -> memref<128xi32, #tpu.memory_space<hbm>>
      %dma_wait3A_260 = tpu.memref_slice %arg4[%add3A_74] : memref<32768xi32, #tpu.memory_space<hbm>> -> memref<128xi32, #tpu.memory_space<hbm>>
      tpu.wait_dma2 semaphore(%run_scoped3A : memref<!tpu.dma_semaphore, #tpu.memory_space<semaphore_mem>>) src(%dma_wait3A_260 : memref<128xi32, #tpu.memory_space<hbm>>) dst(%arg8 : memref<128xi32, #tpu.memory_space<vmem>>)
      tpu.yield
    }) : () -> ()
    %dma_start3A_75 = arith.constant 0 : i32
    %dma_start3A_76 = arith.constant 0 : i32
    %dma_start3A_77 = tpu.memref_slice %arg2[%dma_start3A_75, %dma_start3A_76] : memref<2048x128xi32, #tpu.memory_space<hbm>> -> memref<2048x128xi32, #tpu.memory_space<hbm>>
    tpu.enqueue_indirect_dma source(%dma_start3A_77 : memref<2048x128xi32, #tpu.memory_space<hbm>>) target(%arg10 : memref<128x128xi32, #tpu.memory_space<vmem>>) offsets(%arg8 : memref<128xi32, #tpu.memory_space<vmem>>) semaphore(%arg14 : memref<!tpu.dma_semaphore, #tpu.memory_space<semaphore_mem>>)
    %dma_start3A_78 = arith.constant 0 : i32
    %dma_start3A_79 = arith.constant 0 : i32
    %dma_start3A_80 = tpu.memref_slice %arg3[%dma_start3A_78, %dma_start3A_79] : memref<2048x128xf32, #tpu.memory_space<hbm>> -> memref<2048x128xf32, #tpu.memory_space<hbm>>
    tpu.enqueue_indirect_dma source(%dma_start3A_80 : memref<2048x128xf32, #tpu.memory_space<hbm>>) target(%arg12 : memref<128x128xf32, #tpu.memory_space<vmem>>) offsets(%arg8 : memref<128xi32, #tpu.memory_space<vmem>>) semaphore(%arg14 : memref<!tpu.dma_semaphore, #tpu.memory_space<semaphore_mem>>)
    %add3A_81 = arith.constant 256 : i32
    %add3A_82 = arith.addi %mul3A_2, %add3A_81 : i32
    %dma_wait3A_83 = arith.constant 0 : i32
    %dma_wait3A_84 = arith.constant 0 : i32
    %dma_wait3A_85 = tpu.memref_slice %arg2[%dma_wait3A_83, %dma_wait3A_84] : memref<2048x128xi32, #tpu.memory_space<hbm>> -> memref<2048x128xi32, #tpu.memory_space<hbm>>
    tpu.wait_indirect_dma semaphore(%arg13 : memref<!tpu.dma_semaphore, #tpu.memory_space<semaphore_mem>>) src(%dma_wait3A_85 : memref<2048x128xi32, #tpu.memory_space<hbm>>) dst(%arg9 : memref<128x128xi32, #tpu.memory_space<vmem>>)
    %dma_wait3A_86 = arith.constant 0 : i32
    %dma_wait3A_87 = arith.constant 0 : i32
    %dma_wait3A_88 = tpu.memref_slice %arg3[%dma_wait3A_86, %dma_wait3A_87] : memref<2048x128xf32, #tpu.memory_space<hbm>> -> memref<2048x128xf32, #tpu.memory_space<hbm>>
    tpu.wait_indirect_dma semaphore(%arg13 : memref<!tpu.dma_semaphore, #tpu.memory_space<semaphore_mem>>) src(%dma_wait3A_88 : memref<2048x128xf32, #tpu.memory_space<hbm>>) dst(%arg11 : memref<128x128xf32, #tpu.memory_space<vmem>>)
    %dma_start3A_89 = arith.constant 0 : i32
    %dma_start3A_90 = tpu.memref_slice %arg5[%add3A_82, %dma_start3A_89] : memref<32768x128xi32, #tpu.memory_space<hbm>> -> memref<128x128xi32, #tpu.memory_space<hbm>>
    %dma_start3A_91 = arith.constant 0 : i32
    %dma_start3A_92 = tpu.memref_slice %arg5[%add3A_82, %dma_start3A_91] : memref<32768x128xi32, #tpu.memory_space<hbm>> -> memref<128x128xi32, #tpu.memory_space<hbm>>
    tpu.enqueue_dma source(%arg9 : memref<128x128xi32, #tpu.memory_space<vmem>>) target(%dma_start3A_92 : memref<128x128xi32, #tpu.memory_space<hbm>>) target_semaphore(%arg15 : memref<!tpu.dma_semaphore, #tpu.memory_space<semaphore_mem>>)
    %dma_start3A_93 = arith.constant 0 : i32
    %dma_start3A_94 = tpu.memref_slice %arg6[%add3A_82, %dma_start3A_93] : memref<32768x128xf32, #tpu.memory_space<hbm>> -> memref<128x128xf32, #tpu.memory_space<hbm>>
    %dma_start3A_95 = arith.constant 0 : i32
    %dma_start3A_96 = tpu.memref_slice %arg6[%add3A_82, %dma_start3A_95] : memref<32768x128xf32, #tpu.memory_space<hbm>> -> memref<128x128xf32, #tpu.memory_space<hbm>>
    tpu.enqueue_dma source(%arg11 : memref<128x128xf32, #tpu.memory_space<vmem>>) target(%dma_start3A_96 : memref<128x128xf32, #tpu.memory_space<hbm>>) target_semaphore(%arg15 : memref<!tpu.dma_semaphore, #tpu.memory_space<semaphore_mem>>)
    %dma_wait3A_97 = arith.constant 0 : i32
    %dma_wait3A_98 = tpu.memref_slice %arg5[%add3A_82, %dma_wait3A_97] : memref<32768x128xi32, #tpu.memory_space<hbm>> -> memref<128x128xi32, #tpu.memory_space<hbm>>
    %dma_wait3A_99 = arith.constant 0 : i32
    %dma_wait3A_100 = tpu.memref_slice %arg5[%add3A_82, %dma_wait3A_99] : memref<32768x128xi32, #tpu.memory_space<hbm>> -> memref<128x128xi32, #tpu.memory_space<hbm>>
    tpu.wait_dma2 semaphore(%arg15 : memref<!tpu.dma_semaphore, #tpu.memory_space<semaphore_mem>>) src(%arg9 : memref<128x128xi32, #tpu.memory_space<vmem>>) dst(%dma_wait3A_100 : memref<128x128xi32, #tpu.memory_space<hbm>>)
    %dma_wait3A_101 = arith.constant 0 : i32
    %dma_wait3A_102 = tpu.memref_slice %arg6[%add3A_82, %dma_wait3A_101] : memref<32768x128xf32, #tpu.memory_space<hbm>> -> memref<128x128xf32, #tpu.memory_space<hbm>>
    %dma_wait3A_103 = arith.constant 0 : i32
    %dma_wait3A_104 = tpu.memref_slice %arg6[%add3A_82, %dma_wait3A_103] : memref<32768x128xf32, #tpu.memory_space<hbm>> -> memref<128x128xf32, #tpu.memory_space<hbm>>
    tpu.wait_dma2 semaphore(%arg15 : memref<!tpu.dma_semaphore, #tpu.memory_space<semaphore_mem>>) src(%arg11 : memref<128x128xf32, #tpu.memory_space<vmem>>) dst(%dma_wait3A_104 : memref<128x128xf32, #tpu.memory_space<hbm>>)
    %add3A_105 = arith.constant 512 : i32
    %add3A_106 = arith.addi %mul3A_2, %add3A_105 : i32
    "tpu.region"() ({
      %run_scoped3A = tpu.sem_alloc : memref<!tpu.dma_semaphore, #tpu.memory_space<semaphore_mem>>
      %dma_start3A_257 = tpu.memref_slice %arg4[%add3A_106] : memref<32768xi32, #tpu.memory_space<hbm>> -> memref<128xi32, #tpu.memory_space<hbm>>
      %dma_start3A_258 = tpu.memref_slice %arg4[%add3A_106] : memref<32768xi32, #tpu.memory_space<hbm>> -> memref<128xi32, #tpu.memory_space<hbm>>
      tpu.enqueue_dma source(%dma_start3A_258 : memref<128xi32, #tpu.memory_space<hbm>>) target(%arg7 : memref<128xi32, #tpu.memory_space<vmem>>) target_semaphore(%run_scoped3A : memref<!tpu.dma_semaphore, #tpu.memory_space<semaphore_mem>>)
      %dma_wait3A_259 = tpu.memref_slice %arg4[%add3A_106] : memref<32768xi32, #tpu.memory_space<hbm>> -> memref<128xi32, #tpu.memory_space<hbm>>
      %dma_wait3A_260 = tpu.memref_slice %arg4[%add3A_106] : memref<32768xi32, #tpu.memory_space<hbm>> -> memref<128xi32, #tpu.memory_space<hbm>>
      tpu.wait_dma2 semaphore(%run_scoped3A : memref<!tpu.dma_semaphore, #tpu.memory_space<semaphore_mem>>) src(%dma_wait3A_260 : memref<128xi32, #tpu.memory_space<hbm>>) dst(%arg7 : memref<128xi32, #tpu.memory_space<vmem>>)
      tpu.yield
    }) : () -> ()
    %dma_start3A_107 = arith.constant 0 : i32
    %dma_start3A_108 = arith.constant 0 : i32
    %dma_start3A_109 = tpu.memref_slice %arg2[%dma_start3A_107, %dma_start3A_108] : memref<2048x128xi32, #tpu.memory_space<hbm>> -> memref<2048x128xi32, #tpu.memory_space<hbm>>
    tpu.enqueue_indirect_dma source(%dma_start3A_109 : memref<2048x128xi32, #tpu.memory_space<hbm>>) target(%arg9 : memref<128x128xi32, #tpu.memory_space<vmem>>) offsets(%arg7 : memref<128xi32, #tpu.memory_space<vmem>>) semaphore(%arg13 : memref<!tpu.dma_semaphore, #tpu.memory_space<semaphore_mem>>)
    %dma_start3A_110 = arith.constant 0 : i32
    %dma_start3A_111 = arith.constant 0 : i32
    %dma_start3A_112 = tpu.memref_slice %arg3[%dma_start3A_110, %dma_start3A_111] : memref<2048x128xf32, #tpu.memory_space<hbm>> -> memref<2048x128xf32, #tpu.memory_space<hbm>>
    tpu.enqueue_indirect_dma source(%dma_start3A_112 : memref<2048x128xf32, #tpu.memory_space<hbm>>) target(%arg11 : memref<128x128xf32, #tpu.memory_space<vmem>>) offsets(%arg7 : memref<128xi32, #tpu.memory_space<vmem>>) semaphore(%arg13 : memref<!tpu.dma_semaphore, #tpu.memory_space<semaphore_mem>>)
    %add3A_113 = arith.constant 384 : i32
    %add3A_114 = arith.addi %mul3A_2, %add3A_113 : i32
    %dma_wait3A_115 = arith.constant 0 : i32
    %dma_wait3A_116 = arith.constant 0 : i32
    %dma_wait3A_117 = tpu.memref_slice %arg2[%dma_wait3A_115, %dma_wait3A_116] : memref<2048x128xi32, #tpu.memory_space<hbm>> -> memref<2048x128xi32, #tpu.memory_space<hbm>>
    tpu.wait_indirect_dma semaphore(%arg14 : memref<!tpu.dma_semaphore, #tpu.memory_space<semaphore_mem>>) src(%dma_wait3A_117 : memref<2048x128xi32, #tpu.memory_space<hbm>>) dst(%arg10 : memref<128x128xi32, #tpu.memory_space<vmem>>)
    %dma_wait3A_118 = arith.constant 0 : i32
    %dma_wait3A_119 = arith.constant 0 : i32
    %dma_wait3A_120 = tpu.memref_slice %arg3[%dma_wait3A_118, %dma_wait3A_119] : memref<2048x128xf32, #tpu.memory_space<hbm>> -> memref<2048x128xf32, #tpu.memory_space<hbm>>
    tpu.wait_indirect_dma semaphore(%arg14 : memref<!tpu.dma_semaphore, #tpu.memory_space<semaphore_mem>>) src(%dma_wait3A_120 : memref<2048x128xf32, #tpu.memory_space<hbm>>) dst(%arg12 : memref<128x128xf32, #tpu.memory_space<vmem>>)
    %dma_start3A_121 = arith.constant 0 : i32
    %dma_start3A_122 = tpu.memref_slice %arg5[%add3A_114, %dma_start3A_121] : memref<32768x128xi32, #tpu.memory_space<hbm>> -> memref<128x128xi32, #tpu.memory_space<hbm>>
    %dma_start3A_123 = arith.constant 0 : i32
    %dma_start3A_124 = tpu.memref_slice %arg5[%add3A_114, %dma_start3A_123] : memref<32768x128xi32, #tpu.memory_space<hbm>> -> memref<128x128xi32, #tpu.memory_space<hbm>>
    tpu.enqueue_dma source(%arg10 : memref<128x128xi32, #tpu.memory_space<vmem>>) target(%dma_start3A_124 : memref<128x128xi32, #tpu.memory_space<hbm>>) target_semaphore(%arg16 : memref<!tpu.dma_semaphore, #tpu.memory_space<semaphore_mem>>)
    %dma_start3A_125 = arith.constant 0 : i32
    %dma_start3A_126 = tpu.memref_slice %arg6[%add3A_114, %dma_start3A_125] : memref<32768x128xf32, #tpu.memory_space<hbm>> -> memref<128x128xf32, #tpu.memory_space<hbm>>
    %dma_start3A_127 = arith.constant 0 : i32
    %dma_start3A_128 = tpu.memref_slice %arg6[%add3A_114, %dma_start3A_127] : memref<32768x128xf32, #tpu.memory_space<hbm>> -> memref<128x128xf32, #tpu.memory_space<hbm>>
    tpu.enqueue_dma source(%arg12 : memref<128x128xf32, #tpu.memory_space<vmem>>) target(%dma_start3A_128 : memref<128x128xf32, #tpu.memory_space<hbm>>) target_semaphore(%arg16 : memref<!tpu.dma_semaphore, #tpu.memory_space<semaphore_mem>>)
    %dma_wait3A_129 = arith.constant 0 : i32
    %dma_wait3A_130 = tpu.memref_slice %arg5[%add3A_114, %dma_wait3A_129] : memref<32768x128xi32, #tpu.memory_space<hbm>> -> memref<128x128xi32, #tpu.memory_space<hbm>>
    %dma_wait3A_131 = arith.constant 0 : i32
    %dma_wait3A_132 = tpu.memref_slice %arg5[%add3A_114, %dma_wait3A_131] : memref<32768x128xi32, #tpu.memory_space<hbm>> -> memref<128x128xi32, #tpu.memory_space<hbm>>
    tpu.wait_dma2 semaphore(%arg16 : memref<!tpu.dma_semaphore, #tpu.memory_space<semaphore_mem>>) src(%arg10 : memref<128x128xi32, #tpu.memory_space<vmem>>) dst(%dma_wait3A_132 : memref<128x128xi32, #tpu.memory_space<hbm>>)
    %dma_wait3A_133 = arith.constant 0 : i32
    %dma_wait3A_134 = tpu.memref_slice %arg6[%add3A_114, %dma_wait3A_133] : memref<32768x128xf32, #tpu.memory_space<hbm>> -> memref<128x128xf32, #tpu.memory_space<hbm>>
    %dma_wait3A_135 = arith.constant 0 : i32
    %dma_wait3A_136 = tpu.memref_slice %arg6[%add3A_114, %dma_wait3A_135] : memref<32768x128xf32, #tpu.memory_space<hbm>> -> memref<128x128xf32, #tpu.memory_space<hbm>>
    tpu.wait_dma2 semaphore(%arg16 : memref<!tpu.dma_semaphore, #tpu.memory_space<semaphore_mem>>) src(%arg12 : memref<128x128xf32, #tpu.memory_space<vmem>>) dst(%dma_wait3A_136 : memref<128x128xf32, #tpu.memory_space<hbm>>)
    %add3A_137 = arith.constant 640 : i32
    %add3A_138 = arith.addi %mul3A_2, %add3A_137 : i32
    "tpu.region"() ({
      %run_scoped3A = tpu.sem_alloc : memref<!tpu.dma_semaphore, #tpu.memory_space<semaphore_mem>>
      %dma_start3A_257 = tpu.memref_slice %arg4[%add3A_138] : memref<32768xi32, #tpu.memory_space<hbm>> -> memref<128xi32, #tpu.memory_space<hbm>>
      %dma_start3A_258 = tpu.memref_slice %arg4[%add3A_138] : memref<32768xi32, #tpu.memory_space<hbm>> -> memref<128xi32, #tpu.memory_space<hbm>>
      tpu.enqueue_dma source(%dma_start3A_258 : memref<128xi32, #tpu.memory_space<hbm>>) target(%arg8 : memref<128xi32, #tpu.memory_space<vmem>>) target_semaphore(%run_scoped3A : memref<!tpu.dma_semaphore, #tpu.memory_space<semaphore_mem>>)
      %dma_wait3A_259 = tpu.memref_slice %arg4[%add3A_138] : memref<32768xi32, #tpu.memory_space<hbm>> -> memref<128xi32, #tpu.memory_space<hbm>>
      %dma_wait3A_260 = tpu.memref_slice %arg4[%add3A_138] : memref<32768xi32, #tpu.memory_space<hbm>> -> memref<128xi32, #tpu.memory_space<hbm>>
      tpu.wait_dma2 semaphore(%run_scoped3A : memref<!tpu.dma_semaphore, #tpu.memory_space<semaphore_mem>>) src(%dma_wait3A_260 : memref<128xi32, #tpu.memory_space<hbm>>) dst(%arg8 : memref<128xi32, #tpu.memory_space<vmem>>)
      tpu.yield
    }) : () -> ()
    %dma_start3A_139 = arith.constant 0 : i32
    %dma_start3A_140 = arith.constant 0 : i32
    %dma_start3A_141 = tpu.memref_slice %arg2[%dma_start3A_139, %dma_start3A_140] : memref<2048x128xi32, #tpu.memory_space<hbm>> -> memref<2048x128xi32, #tpu.memory_space<hbm>>
    tpu.enqueue_indirect_dma source(%dma_start3A_141 : memref<2048x128xi32, #tpu.memory_space<hbm>>) target(%arg10 : memref<128x128xi32, #tpu.memory_space<vmem>>) offsets(%arg8 : memref<128xi32, #tpu.memory_space<vmem>>) semaphore(%arg14 : memref<!tpu.dma_semaphore, #tpu.memory_space<semaphore_mem>>)
    %dma_start3A_142 = arith.constant 0 : i32
    %dma_start3A_143 = arith.constant 0 : i32
    %dma_start3A_144 = tpu.memref_slice %arg3[%dma_start3A_142, %dma_start3A_143] : memref<2048x128xf32, #tpu.memory_space<hbm>> -> memref<2048x128xf32, #tpu.memory_space<hbm>>
    tpu.enqueue_indirect_dma source(%dma_start3A_144 : memref<2048x128xf32, #tpu.memory_space<hbm>>) target(%arg12 : memref<128x128xf32, #tpu.memory_space<vmem>>) offsets(%arg8 : memref<128xi32, #tpu.memory_space<vmem>>) semaphore(%arg14 : memref<!tpu.dma_semaphore, #tpu.memory_space<semaphore_mem>>)
    %add3A_145 = arith.constant 512 : i32
    %add3A_146 = arith.addi %mul3A_2, %add3A_145 : i32
    %dma_wait3A_147 = arith.constant 0 : i32
    %dma_wait3A_148 = arith.constant 0 : i32
    %dma_wait3A_149 = tpu.memref_slice %arg2[%dma_wait3A_147, %dma_wait3A_148] : memref<2048x128xi32, #tpu.memory_space<hbm>> -> memref<2048x128xi32, #tpu.memory_space<hbm>>
    tpu.wait_indirect_dma semaphore(%arg13 : memref<!tpu.dma_semaphore, #tpu.memory_space<semaphore_mem>>) src(%dma_wait3A_149 : memref<2048x128xi32, #tpu.memory_space<hbm>>) dst(%arg9 : memref<128x128xi32, #tpu.memory_space<vmem>>)
    %dma_wait3A_150 = arith.constant 0 : i32
    %dma_wait3A_151 = arith.constant 0 : i32
    %dma_wait3A_152 = tpu.memref_slice %arg3[%dma_wait3A_150, %dma_wait3A_151] : memref<2048x128xf32, #tpu.memory_space<hbm>> -> memref<2048x128xf32, #tpu.memory_space<hbm>>
    tpu.wait_indirect_dma semaphore(%arg13 : memref<!tpu.dma_semaphore, #tpu.memory_space<semaphore_mem>>) src(%dma_wait3A_152 : memref<2048x128xf32, #tpu.memory_space<hbm>>) dst(%arg11 : memref<128x128xf32, #tpu.memory_space<vmem>>)
    %dma_start3A_153 = arith.constant 0 : i32
    %dma_start3A_154 = tpu.memref_slice %arg5[%add3A_146, %dma_start3A_153] : memref<32768x128xi32, #tpu.memory_space<hbm>> -> memref<128x128xi32, #tpu.memory_space<hbm>>
    %dma_start3A_155 = arith.constant 0 : i32
    %dma_start3A_156 = tpu.memref_slice %arg5[%add3A_146, %dma_start3A_155] : memref<32768x128xi32, #tpu.memory_space<hbm>> -> memref<128x128xi32, #tpu.memory_space<hbm>>
    tpu.enqueue_dma source(%arg9 : memref<128x128xi32, #tpu.memory_space<vmem>>) target(%dma_start3A_156 : memref<128x128xi32, #tpu.memory_space<hbm>>) target_semaphore(%arg15 : memref<!tpu.dma_semaphore, #tpu.memory_space<semaphore_mem>>)
    %dma_start3A_157 = arith.constant 0 : i32
    %dma_start3A_158 = tpu.memref_slice %arg6[%add3A_146, %dma_start3A_157] : memref<32768x128xf32, #tpu.memory_space<hbm>> -> memref<128x128xf32, #tpu.memory_space<hbm>>
    %dma_start3A_159 = arith.constant 0 : i32
    %dma_start3A_160 = tpu.memref_slice %arg6[%add3A_146, %dma_start3A_159] : memref<32768x128xf32, #tpu.memory_space<hbm>> -> memref<128x128xf32, #tpu.memory_space<hbm>>
    tpu.enqueue_dma source(%arg11 : memref<128x128xf32, #tpu.memory_space<vmem>>) target(%dma_start3A_160 : memref<128x128xf32, #tpu.memory_space<hbm>>) target_semaphore(%arg15 : memref<!tpu.dma_semaphore, #tpu.memory_space<semaphore_mem>>)
    %dma_wait3A_161 = arith.constant 0 : i32
    %dma_wait3A_162 = tpu.memref_slice %arg5[%add3A_146, %dma_wait3A_161] : memref<32768x128xi32, #tpu.memory_space<hbm>> -> memref<128x128xi32, #tpu.memory_space<hbm>>
    %dma_wait3A_163 = arith.constant 0 : i32
    %dma_wait3A_164 = tpu.memref_slice %arg5[%add3A_146, %dma_wait3A_163] : memref<32768x128xi32, #tpu.memory_space<hbm>> -> memref<128x128xi32, #tpu.memory_space<hbm>>
    tpu.wait_dma2 semaphore(%arg15 : memref<!tpu.dma_semaphore, #tpu.memory_space<semaphore_mem>>) src(%arg9 : memref<128x128xi32, #tpu.memory_space<vmem>>) dst(%dma_wait3A_164 : memref<128x128xi32, #tpu.memory_space<hbm>>)
    %dma_wait3A_165 = arith.constant 0 : i32
    %dma_wait3A_166 = tpu.memref_slice %arg6[%add3A_146, %dma_wait3A_165] : memref<32768x128xf32, #tpu.memory_space<hbm>> -> memref<128x128xf32, #tpu.memory_space<hbm>>
    %dma_wait3A_167 = arith.constant 0 : i32
    %dma_wait3A_168 = tpu.memref_slice %arg6[%add3A_146, %dma_wait3A_167] : memref<32768x128xf32, #tpu.memory_space<hbm>> -> memref<128x128xf32, #tpu.memory_space<hbm>>
    tpu.wait_dma2 semaphore(%arg15 : memref<!tpu.dma_semaphore, #tpu.memory_space<semaphore_mem>>) src(%arg11 : memref<128x128xf32, #tpu.memory_space<vmem>>) dst(%dma_wait3A_168 : memref<128x128xf32, #tpu.memory_space<hbm>>)
    %add3A_169 = arith.constant 768 : i32
    %add3A_170 = arith.addi %mul3A_2, %add3A_169 : i32
    "tpu.region"() ({
      %run_scoped3A = tpu.sem_alloc : memref<!tpu.dma_semaphore, #tpu.memory_space<semaphore_mem>>
      %dma_start3A_257 = tpu.memref_slice %arg4[%add3A_170] : memref<32768xi32, #tpu.memory_space<hbm>> -> memref<128xi32, #tpu.memory_space<hbm>>
      %dma_start3A_258 = tpu.memref_slice %arg4[%add3A_170] : memref<32768xi32, #tpu.memory_space<hbm>> -> memref<128xi32, #tpu.memory_space<hbm>>
      tpu.enqueue_dma source(%dma_start3A_258 : memref<128xi32, #tpu.memory_space<hbm>>) target(%arg7 : memref<128xi32, #tpu.memory_space<vmem>>) target_semaphore(%run_scoped3A : memref<!tpu.dma_semaphore, #tpu.memory_space<semaphore_mem>>)
      %dma_wait3A_259 = tpu.memref_slice %arg4[%add3A_170] : memref<32768xi32, #tpu.memory_space<hbm>> -> memref<128xi32, #tpu.memory_space<hbm>>
      %dma_wait3A_260 = tpu.memref_slice %arg4[%add3A_170] : memref<32768xi32, #tpu.memory_space<hbm>> -> memref<128xi32, #tpu.memory_space<hbm>>
      tpu.wait_dma2 semaphore(%run_scoped3A : memref<!tpu.dma_semaphore, #tpu.memory_space<semaphore_mem>>) src(%dma_wait3A_260 : memref<128xi32, #tpu.memory_space<hbm>>) dst(%arg7 : memref<128xi32, #tpu.memory_space<vmem>>)
      tpu.yield
    }) : () -> ()
    %dma_start3A_171 = arith.constant 0 : i32
    %dma_start3A_172 = arith.constant 0 : i32
    %dma_start3A_173 = tpu.memref_slice %arg2[%dma_start3A_171, %dma_start3A_172] : memref<2048x128xi32, #tpu.memory_space<hbm>> -> memref<2048x128xi32, #tpu.memory_space<hbm>>
    tpu.enqueue_indirect_dma source(%dma_start3A_173 : memref<2048x128xi32, #tpu.memory_space<hbm>>) target(%arg9 : memref<128x128xi32, #tpu.memory_space<vmem>>) offsets(%arg7 : memref<128xi32, #tpu.memory_space<vmem>>) semaphore(%arg13 : memref<!tpu.dma_semaphore, #tpu.memory_space<semaphore_mem>>)
    %dma_start3A_174 = arith.constant 0 : i32
    %dma_start3A_175 = arith.constant 0 : i32
    %dma_start3A_176 = tpu.memref_slice %arg3[%dma_start3A_174, %dma_start3A_175] : memref<2048x128xf32, #tpu.memory_space<hbm>> -> memref<2048x128xf32, #tpu.memory_space<hbm>>
    tpu.enqueue_indirect_dma source(%dma_start3A_176 : memref<2048x128xf32, #tpu.memory_space<hbm>>) target(%arg11 : memref<128x128xf32, #tpu.memory_space<vmem>>) offsets(%arg7 : memref<128xi32, #tpu.memory_space<vmem>>) semaphore(%arg13 : memref<!tpu.dma_semaphore, #tpu.memory_space<semaphore_mem>>)
    %add3A_177 = arith.constant 640 : i32
    %add3A_178 = arith.addi %mul3A_2, %add3A_177 : i32
    %dma_wait3A_179 = arith.constant 0 : i32
    %dma_wait3A_180 = arith.constant 0 : i32
    %dma_wait3A_181 = tpu.memref_slice %arg2[%dma_wait3A_179, %dma_wait3A_180] : memref<2048x128xi32, #tpu.memory_space<hbm>> -> memref<2048x128xi32, #tpu.memory_space<hbm>>
    tpu.wait_indirect_dma semaphore(%arg14 : memref<!tpu.dma_semaphore, #tpu.memory_space<semaphore_mem>>) src(%dma_wait3A_181 : memref<2048x128xi32, #tpu.memory_space<hbm>>) dst(%arg10 : memref<128x128xi32, #tpu.memory_space<vmem>>)
    %dma_wait3A_182 = arith.constant 0 : i32
    %dma_wait3A_183 = arith.constant 0 : i32
    %dma_wait3A_184 = tpu.memref_slice %arg3[%dma_wait3A_182, %dma_wait3A_183] : memref<2048x128xf32, #tpu.memory_space<hbm>> -> memref<2048x128xf32, #tpu.memory_space<hbm>>
    tpu.wait_indirect_dma semaphore(%arg14 : memref<!tpu.dma_semaphore, #tpu.memory_space<semaphore_mem>>) src(%dma_wait3A_184 : memref<2048x128xf32, #tpu.memory_space<hbm>>) dst(%arg12 : memref<128x128xf32, #tpu.memory_space<vmem>>)
    %dma_start3A_185 = arith.constant 0 : i32
    %dma_start3A_186 = tpu.memref_slice %arg5[%add3A_178, %dma_start3A_185] : memref<32768x128xi32, #tpu.memory_space<hbm>> -> memref<128x128xi32, #tpu.memory_space<hbm>>
    %dma_start3A_187 = arith.constant 0 : i32
    %dma_start3A_188 = tpu.memref_slice %arg5[%add3A_178, %dma_start3A_187] : memref<32768x128xi32, #tpu.memory_space<hbm>> -> memref<128x128xi32, #tpu.memory_space<hbm>>
    tpu.enqueue_dma source(%arg10 : memref<128x128xi32, #tpu.memory_space<vmem>>) target(%dma_start3A_188 : memref<128x128xi32, #tpu.memory_space<hbm>>) target_semaphore(%arg16 : memref<!tpu.dma_semaphore, #tpu.memory_space<semaphore_mem>>)
    %dma_start3A_189 = arith.constant 0 : i32
    %dma_start3A_190 = tpu.memref_slice %arg6[%add3A_178, %dma_start3A_189] : memref<32768x128xf32, #tpu.memory_space<hbm>> -> memref<128x128xf32, #tpu.memory_space<hbm>>
    %dma_start3A_191 = arith.constant 0 : i32
    %dma_start3A_192 = tpu.memref_slice %arg6[%add3A_178, %dma_start3A_191] : memref<32768x128xf32, #tpu.memory_space<hbm>> -> memref<128x128xf32, #tpu.memory_space<hbm>>
    tpu.enqueue_dma source(%arg12 : memref<128x128xf32, #tpu.memory_space<vmem>>) target(%dma_start3A_192 : memref<128x128xf32, #tpu.memory_space<hbm>>) target_semaphore(%arg16 : memref<!tpu.dma_semaphore, #tpu.memory_space<semaphore_mem>>)
    %dma_wait3A_193 = arith.constant 0 : i32
    %dma_wait3A_194 = tpu.memref_slice %arg5[%add3A_178, %dma_wait3A_193] : memref<32768x128xi32, #tpu.memory_space<hbm>> -> memref<128x128xi32, #tpu.memory_space<hbm>>
    %dma_wait3A_195 = arith.constant 0 : i32
    %dma_wait3A_196 = tpu.memref_slice %arg5[%add3A_178, %dma_wait3A_195] : memref<32768x128xi32, #tpu.memory_space<hbm>> -> memref<128x128xi32, #tpu.memory_space<hbm>>
    tpu.wait_dma2 semaphore(%arg16 : memref<!tpu.dma_semaphore, #tpu.memory_space<semaphore_mem>>) src(%arg10 : memref<128x128xi32, #tpu.memory_space<vmem>>) dst(%dma_wait3A_196 : memref<128x128xi32, #tpu.memory_space<hbm>>)
    %dma_wait3A_197 = arith.constant 0 : i32
    %dma_wait3A_198 = tpu.memref_slice %arg6[%add3A_178, %dma_wait3A_197] : memref<32768x128xf32, #tpu.memory_space<hbm>> -> memref<128x128xf32, #tpu.memory_space<hbm>>
    %dma_wait3A_199 = arith.constant 0 : i32
    %dma_wait3A_200 = tpu.memref_slice %arg6[%add3A_178, %dma_wait3A_199] : memref<32768x128xf32, #tpu.memory_space<hbm>> -> memref<128x128xf32, #tpu.memory_space<hbm>>
    tpu.wait_dma2 semaphore(%arg16 : memref<!tpu.dma_semaphore, #tpu.memory_space<semaphore_mem>>) src(%arg12 : memref<128x128xf32, #tpu.memory_space<vmem>>) dst(%dma_wait3A_200 : memref<128x128xf32, #tpu.memory_space<hbm>>)
    %add3A_201 = arith.constant 896 : i32
    %add3A_202 = arith.addi %mul3A_2, %add3A_201 : i32
    "tpu.region"() ({
      %run_scoped3A = tpu.sem_alloc : memref<!tpu.dma_semaphore, #tpu.memory_space<semaphore_mem>>
      %dma_start3A_257 = tpu.memref_slice %arg4[%add3A_202] : memref<32768xi32, #tpu.memory_space<hbm>> -> memref<128xi32, #tpu.memory_space<hbm>>
      %dma_start3A_258 = tpu.memref_slice %arg4[%add3A_202] : memref<32768xi32, #tpu.memory_space<hbm>> -> memref<128xi32, #tpu.memory_space<hbm>>
      tpu.enqueue_dma source(%dma_start3A_258 : memref<128xi32, #tpu.memory_space<hbm>>) target(%arg8 : memref<128xi32, #tpu.memory_space<vmem>>) target_semaphore(%run_scoped3A : memref<!tpu.dma_semaphore, #tpu.memory_space<semaphore_mem>>)
      %dma_wait3A_259 = tpu.memref_slice %arg4[%add3A_202] : memref<32768xi32, #tpu.memory_space<hbm>> -> memref<128xi32, #tpu.memory_space<hbm>>
      %dma_wait3A_260 = tpu.memref_slice %arg4[%add3A_202] : memref<32768xi32, #tpu.memory_space<hbm>> -> memref<128xi32, #tpu.memory_space<hbm>>
      tpu.wait_dma2 semaphore(%run_scoped3A : memref<!tpu.dma_semaphore, #tpu.memory_space<semaphore_mem>>) src(%dma_wait3A_260 : memref<128xi32, #tpu.memory_space<hbm>>) dst(%arg8 : memref<128xi32, #tpu.memory_space<vmem>>)
      tpu.yield
    }) : () -> ()
    %dma_start3A_203 = arith.constant 0 : i32
    %dma_start3A_204 = arith.constant 0 : i32
    %dma_start3A_205 = tpu.memref_slice %arg2[%dma_start3A_203, %dma_start3A_204] : memref<2048x128xi32, #tpu.memory_space<hbm>> -> memref<2048x128xi32, #tpu.memory_space<hbm>>
    tpu.enqueue_indirect_dma source(%dma_start3A_205 : memref<2048x128xi32, #tpu.memory_space<hbm>>) target(%arg10 : memref<128x128xi32, #tpu.memory_space<vmem>>) offsets(%arg8 : memref<128xi32, #tpu.memory_space<vmem>>) semaphore(%arg14 : memref<!tpu.dma_semaphore, #tpu.memory_space<semaphore_mem>>)
    %dma_start3A_206 = arith.constant 0 : i32
    %dma_start3A_207 = arith.constant 0 : i32
    %dma_start3A_208 = tpu.memref_slice %arg3[%dma_start3A_206, %dma_start3A_207] : memref<2048x128xf32, #tpu.memory_space<hbm>> -> memref<2048x128xf32, #tpu.memory_space<hbm>>
    tpu.enqueue_indirect_dma source(%dma_start3A_208 : memref<2048x128xf32, #tpu.memory_space<hbm>>) target(%arg12 : memref<128x128xf32, #tpu.memory_space<vmem>>) offsets(%arg8 : memref<128xi32, #tpu.memory_space<vmem>>) semaphore(%arg14 : memref<!tpu.dma_semaphore, #tpu.memory_space<semaphore_mem>>)
    %add3A_209 = arith.constant 768 : i32
    %add3A_210 = arith.addi %mul3A_2, %add3A_209 : i32
    %dma_wait3A_211 = arith.constant 0 : i32
    %dma_wait3A_212 = arith.constant 0 : i32
    %dma_wait3A_213 = tpu.memref_slice %arg2[%dma_wait3A_211, %dma_wait3A_212] : memref<2048x128xi32, #tpu.memory_space<hbm>> -> memref<2048x128xi32, #tpu.memory_space<hbm>>
    tpu.wait_indirect_dma semaphore(%arg13 : memref<!tpu.dma_semaphore, #tpu.memory_space<semaphore_mem>>) src(%dma_wait3A_213 : memref<2048x128xi32, #tpu.memory_space<hbm>>) dst(%arg9 : memref<128x128xi32, #tpu.memory_space<vmem>>)
    %dma_wait3A_214 = arith.constant 0 : i32
    %dma_wait3A_215 = arith.constant 0 : i32
    %dma_wait3A_216 = tpu.memref_slice %arg3[%dma_wait3A_214, %dma_wait3A_215] : memref<2048x128xf32, #tpu.memory_space<hbm>> -> memref<2048x128xf32, #tpu.memory_space<hbm>>
    tpu.wait_indirect_dma semaphore(%arg13 : memref<!tpu.dma_semaphore, #tpu.memory_space<semaphore_mem>>) src(%dma_wait3A_216 : memref<2048x128xf32, #tpu.memory_space<hbm>>) dst(%arg11 : memref<128x128xf32, #tpu.memory_space<vmem>>)
    %dma_start3A_217 = arith.constant 0 : i32
    %dma_start3A_218 = tpu.memref_slice %arg5[%add3A_210, %dma_start3A_217] : memref<32768x128xi32, #tpu.memory_space<hbm>> -> memref<128x128xi32, #tpu.memory_space<hbm>>
    %dma_start3A_219 = arith.constant 0 : i32
    %dma_start3A_220 = tpu.memref_slice %arg5[%add3A_210, %dma_start3A_219] : memref<32768x128xi32, #tpu.memory_space<hbm>> -> memref<128x128xi32, #tpu.memory_space<hbm>>
    tpu.enqueue_dma source(%arg9 : memref<128x128xi32, #tpu.memory_space<vmem>>) target(%dma_start3A_220 : memref<128x128xi32, #tpu.memory_space<hbm>>) target_semaphore(%arg15 : memref<!tpu.dma_semaphore, #tpu.memory_space<semaphore_mem>>)
    %dma_start3A_221 = arith.constant 0 : i32
    %dma_start3A_222 = tpu.memref_slice %arg6[%add3A_210, %dma_start3A_221] : memref<32768x128xf32, #tpu.memory_space<hbm>> -> memref<128x128xf32, #tpu.memory_space<hbm>>
    %dma_start3A_223 = arith.constant 0 : i32
    %dma_start3A_224 = tpu.memref_slice %arg6[%add3A_210, %dma_start3A_223] : memref<32768x128xf32, #tpu.memory_space<hbm>> -> memref<128x128xf32, #tpu.memory_space<hbm>>
    tpu.enqueue_dma source(%arg11 : memref<128x128xf32, #tpu.memory_space<vmem>>) target(%dma_start3A_224 : memref<128x128xf32, #tpu.memory_space<hbm>>) target_semaphore(%arg15 : memref<!tpu.dma_semaphore, #tpu.memory_space<semaphore_mem>>)
    %add3A_225 = arith.constant 896 : i32
    %add3A_226 = arith.addi %mul3A_2, %add3A_225 : i32
    %dma_wait3A_227 = arith.constant 0 : i32
    %dma_wait3A_228 = arith.constant 0 : i32
    %dma_wait3A_229 = tpu.memref_slice %arg2[%dma_wait3A_227, %dma_wait3A_228] : memref<2048x128xi32, #tpu.memory_space<hbm>> -> memref<2048x128xi32, #tpu.memory_space<hbm>>
    tpu.wait_indirect_dma semaphore(%arg14 : memref<!tpu.dma_semaphore, #tpu.memory_space<semaphore_mem>>) src(%dma_wait3A_229 : memref<2048x128xi32, #tpu.memory_space<hbm>>) dst(%arg10 : memref<128x128xi32, #tpu.memory_space<vmem>>)
    %dma_wait3A_230 = arith.constant 0 : i32
    %dma_wait3A_231 = arith.constant 0 : i32
    %dma_wait3A_232 = tpu.memref_slice %arg3[%dma_wait3A_230, %dma_wait3A_231] : memref<2048x128xf32, #tpu.memory_space<hbm>> -> memref<2048x128xf32, #tpu.memory_space<hbm>>
    tpu.wait_indirect_dma semaphore(%arg14 : memref<!tpu.dma_semaphore, #tpu.memory_space<semaphore_mem>>) src(%dma_wait3A_232 : memref<2048x128xf32, #tpu.memory_space<hbm>>) dst(%arg12 : memref<128x128xf32, #tpu.memory_space<vmem>>)
    %dma_start3A_233 = arith.constant 0 : i32
    %dma_start3A_234 = tpu.memref_slice %arg5[%add3A_226, %dma_start3A_233] : memref<32768x128xi32, #tpu.memory_space<hbm>> -> memref<128x128xi32, #tpu.memory_space<hbm>>
    %dma_start3A_235 = arith.constant 0 : i32
    %dma_start3A_236 = tpu.memref_slice %arg5[%add3A_226, %dma_start3A_235] : memref<32768x128xi32, #tpu.memory_space<hbm>> -> memref<128x128xi32, #tpu.memory_space<hbm>>
    tpu.enqueue_dma source(%arg10 : memref<128x128xi32, #tpu.memory_space<vmem>>) target(%dma_start3A_236 : memref<128x128xi32, #tpu.memory_space<hbm>>) target_semaphore(%arg16 : memref<!tpu.dma_semaphore, #tpu.memory_space<semaphore_mem>>)
    %dma_start3A_237 = arith.constant 0 : i32
    %dma_start3A_238 = tpu.memref_slice %arg6[%add3A_226, %dma_start3A_237] : memref<32768x128xf32, #tpu.memory_space<hbm>> -> memref<128x128xf32, #tpu.memory_space<hbm>>
    %dma_start3A_239 = arith.constant 0 : i32
    %dma_start3A_240 = tpu.memref_slice %arg6[%add3A_226, %dma_start3A_239] : memref<32768x128xf32, #tpu.memory_space<hbm>> -> memref<128x128xf32, #tpu.memory_space<hbm>>
    tpu.enqueue_dma source(%arg12 : memref<128x128xf32, #tpu.memory_space<vmem>>) target(%dma_start3A_240 : memref<128x128xf32, #tpu.memory_space<hbm>>) target_semaphore(%arg16 : memref<!tpu.dma_semaphore, #tpu.memory_space<semaphore_mem>>)
    %dma_wait3A_241 = arith.constant 0 : i32
    %dma_wait3A_242 = tpu.memref_slice %arg5[%add3A_210, %dma_wait3A_241] : memref<32768x128xi32, #tpu.memory_space<hbm>> -> memref<128x128xi32, #tpu.memory_space<hbm>>
    %dma_wait3A_243 = arith.constant 0 : i32
    %dma_wait3A_244 = tpu.memref_slice %arg5[%add3A_210, %dma_wait3A_243] : memref<32768x128xi32, #tpu.memory_space<hbm>> -> memref<128x128xi32, #tpu.memory_space<hbm>>
    tpu.wait_dma2 semaphore(%arg15 : memref<!tpu.dma_semaphore, #tpu.memory_space<semaphore_mem>>) src(%arg9 : memref<128x128xi32, #tpu.memory_space<vmem>>) dst(%dma_wait3A_244 : memref<128x128xi32, #tpu.memory_space<hbm>>)
    %dma_wait3A_245 = arith.constant 0 : i32
    %dma_wait3A_246 = tpu.memref_slice %arg6[%add3A_210, %dma_wait3A_245] : memref<32768x128xf32, #tpu.memory_space<hbm>> -> memref<128x128xf32, #tpu.memory_space<hbm>>
    %dma_wait3A_247 = arith.constant 0 : i32
    %dma_wait3A_248 = tpu.memref_slice %arg6[%add3A_210, %dma_wait3A_247] : memref<32768x128xf32, #tpu.memory_space<hbm>> -> memref<128x128xf32, #tpu.memory_space<hbm>>
    tpu.wait_dma2 semaphore(%arg15 : memref<!tpu.dma_semaphore, #tpu.memory_space<semaphore_mem>>) src(%arg11 : memref<128x128xf32, #tpu.memory_space<vmem>>) dst(%dma_wait3A_248 : memref<128x128xf32, #tpu.memory_space<hbm>>)
    %dma_wait3A_249 = arith.constant 0 : i32
    %dma_wait3A_250 = tpu.memref_slice %arg5[%add3A_226, %dma_wait3A_249] : memref<32768x128xi32, #tpu.memory_space<hbm>> -> memref<128x128xi32, #tpu.memory_space<hbm>>
    %dma_wait3A_251 = arith.constant 0 : i32
    %dma_wait3A_252 = tpu.memref_slice %arg5[%add3A_226, %dma_wait3A_251] : memref<32768x128xi32, #tpu.memory_space<hbm>> -> memref<128x128xi32, #tpu.memory_space<hbm>>
    tpu.wait_dma2 semaphore(%arg16 : memref<!tpu.dma_semaphore, #tpu.memory_space<semaphore_mem>>) src(%arg10 : memref<128x128xi32, #tpu.memory_space<vmem>>) dst(%dma_wait3A_252 : memref<128x128xi32, #tpu.memory_space<hbm>>)
    %dma_wait3A_253 = arith.constant 0 : i32
    %dma_wait3A_254 = tpu.memref_slice %arg6[%add3A_226, %dma_wait3A_253] : memref<32768x128xf32, #tpu.memory_space<hbm>> -> memref<128x128xf32, #tpu.memory_space<hbm>>
    %dma_wait3A_255 = arith.constant 0 : i32
    %dma_wait3A_256 = tpu.memref_slice %arg6[%add3A_226, %dma_wait3A_255] : memref<32768x128xf32, #tpu.memory_space<hbm>> -> memref<128x128xf32, #tpu.memory_space<hbm>>
    tpu.wait_dma2 semaphore(%arg16 : memref<!tpu.dma_semaphore, #tpu.memory_space<semaphore_mem>>) src(%arg12 : memref<128x128xf32, #tpu.memory_space<vmem>>) dst(%dma_wait3A_256 : memref<128x128xf32, #tpu.memory_space<hbm>>)
    return
  }
}

#map = affine_map<(d0, d1) -> (0, 0)>
#map1 = affine_map<(d0, d1) -> (0)>
module attributes {stable_mosaic.version = 14 : i64} {
  func.func @gather_k(%arg0: i32, %arg1: i32, %arg2: memref<2048x128xi32, #tpu.memory_space<hbm>>, %arg3: memref<2048x128xf32, #tpu.memory_space<hbm>>, %arg4: memref<32768xi32, #tpu.memory_space<hbm>>, %arg5: memref<32768x128xi32, #tpu.memory_space<hbm>>, %arg6: memref<32768x128xf32, #tpu.memory_space<hbm>>, %arg7: memref<128xi32, #tpu.memory_space<vmem>>, %arg8: memref<128xi32, #tpu.memory_space<vmem>>, %arg9: memref<128x128xi32, #tpu.memory_space<vmem>>, %arg10: memref<128x128xi32, #tpu.memory_space<vmem>>, %arg11: memref<128x128xf32, #tpu.memory_space<vmem>>, %arg12: memref<128x128xf32, #tpu.memory_space<vmem>>, %arg13: memref<!tpu.dma_semaphore, #tpu.memory_space<semaphore_mem>>, %arg14: memref<!tpu.dma_semaphore, #tpu.memory_space<semaphore_mem>>, %arg15: memref<!tpu.dma_semaphore, #tpu.memory_space<semaphore_mem>>, %arg16: memref<!tpu.dma_semaphore, #tpu.memory_space<semaphore_mem>>) attributes {dimension_semantics = [#tpu.dimension_semantics<core_parallel>, #tpu.dimension_semantics<subcore_parallel>], iteration_bounds = array<i64: 2, 16>, scalar_prefetch = 0 : i64, scratch_operands = 10 : i64, tpu.core_type = #tpu.core_type<sc_vector_subcore>, window_params = [{transform_indices = #map}, {transform_indices = #map}, {transform_indices = #map1}, {transform_indices = #map}, {transform_indices = #map}]} {
    %mul3A = arith.constant 2 : i32
    %mul3A_0 = arith.muli %arg1, %mul3A : i32
    %add3A = arith.addi %mul3A_0, %arg0 : i32
    %mul3A_1 = arith.constant 1024 : i32
    %mul3A_2 = arith.muli %add3A, %mul3A_1 : i32
    %add3A_3 = arith.constant 0 : i32
    %add3A_4 = arith.addi %mul3A_2, %add3A_3 : i32
    "tpu.region"() ({
      %run_scoped3A = tpu.sem_alloc : memref<!tpu.dma_semaphore, #tpu.memory_space<semaphore_mem>>
      %dma_start3A_257 = tpu.memref_slice %arg4[%add3A_4] : memref<32768xi32, #tpu.memory_space<hbm>> -> memref<128xi32, #tpu.memory_space<hbm>>
      %dma_start3A_258 = tpu.memref_slice %arg4[%add3A_4] : memref<32768xi32, #tpu.memory_space<hbm>> -> memref<128xi32, #tpu.memory_space<hbm>>
      tpu.enqueue_dma source(%dma_start3A_258 : memref<128xi32, #tpu.memory_space<hbm>>) target(%arg7 : memref<128xi32, #tpu.memory_space<vmem>>) target_semaphore(%run_scoped3A : memref<!tpu.dma_semaphore, #tpu.memory_space<semaphore_mem>>)
      %dma_wait3A_259 = tpu.memref_slice %arg4[%add3A_4] : memref<32768xi32, #tpu.memory_space<hbm>> -> memref<128xi32, #tpu.memory_space<hbm>>
      %dma_wait3A_260 = tpu.memref_slice %arg4[%add3A_4] : memref<32768xi32, #tpu.memory_space<hbm>> -> memref<128xi32, #tpu.memory_space<hbm>>
      tpu.wait_dma2 semaphore(%run_scoped3A : memref<!tpu.dma_semaphore, #tpu.memory_space<semaphore_mem>>) src(%dma_wait3A_260 : memref<128xi32, #tpu.memory_space<hbm>>) dst(%arg7 : memref<128xi32, #tpu.memory_space<vmem>>)
      tpu.yield
    }) : () -> ()
    %dma_start3A = arith.constant 0 : i32
    %dma_start3A_5 = arith.constant 0 : i32
    %dma_start3A_6 = tpu.memref_slice %arg2[%dma_start3A, %dma_start3A_5] : memref<2048x128xi32, #tpu.memory_space<hbm>> -> memref<2048x128xi32, #tpu.memory_space<hbm>>
    tpu.enqueue_indirect_dma source(%dma_start3A_6 : memref<2048x128xi32, #tpu.memory_space<hbm>>) target(%arg9 : memref<128x128xi32, #tpu.memory_space<vmem>>) offsets(%arg7 : memref<128xi32, #tpu.memory_space<vmem>>) semaphore(%arg13 : memref<!tpu.dma_semaphore, #tpu.memory_space<semaphore_mem>>)
    %dma_start3A_7 = arith.constant 0 : i32
    %dma_start3A_8 = arith.constant 0 : i32
    %dma_start3A_9 = tpu.memref_slice %arg3[%dma_start3A_7, %dma_start3A_8] : memref<2048x128xf32, #tpu.memory_space<hbm>> -> memref<2048x128xf32, #tpu.memory_space<hbm>>
    tpu.enqueue_indirect_dma source(%dma_start3A_9 : memref<2048x128xf32, #tpu.memory_space<hbm>>) target(%arg11 : memref<128x128xf32, #tpu.memory_space<vmem>>) offsets(%arg7 : memref<128xi32, #tpu.memory_space<vmem>>) semaphore(%arg13 : memref<!tpu.dma_semaphore, #tpu.memory_space<semaphore_mem>>)
    %add3A_10 = arith.constant 128 : i32
    %add3A_11 = arith.addi %mul3A_2, %add3A_10 : i32
    "tpu.region"() ({
      %run_scoped3A = tpu.sem_alloc : memref<!tpu.dma_semaphore, #tpu.memory_space<semaphore_mem>>
      %dma_start3A_257 = tpu.memref_slice %arg4[%add3A_11] : memref<32768xi32, #tpu.memory_space<hbm>> -> memref<128xi32, #tpu.memory_space<hbm>>
      %dma_start3A_258 = tpu.memref_slice %arg4[%add3A_11] : memref<32768xi32, #tpu.memory_space<hbm>> -> memref<128xi32, #tpu.memory_space<hbm>>
      tpu.enqueue_dma source(%dma_start3A_258 : memref<128xi32, #tpu.memory_space<hbm>>) target(%arg8 : memref<128xi32, #tpu.memory_space<vmem>>) target_semaphore(%run_scoped3A : memref<!tpu.dma_semaphore, #tpu.memory_space<semaphore_mem>>)
      %dma_wait3A_259 = tpu.memref_slice %arg4[%add3A_11] : memref<32768xi32, #tpu.memory_space<hbm>> -> memref<128xi32, #tpu.memory_space<hbm>>
      %dma_wait3A_260 = tpu.memref_slice %arg4[%add3A_11] : memref<32768xi32, #tpu.memory_space<hbm>> -> memref<128xi32, #tpu.memory_space<hbm>>
      tpu.wait_dma2 semaphore(%run_scoped3A : memref<!tpu.dma_semaphore, #tpu.memory_space<semaphore_mem>>) src(%dma_wait3A_260 : memref<128xi32, #tpu.memory_space<hbm>>) dst(%arg8 : memref<128xi32, #tpu.memory_space<vmem>>)
      tpu.yield
    }) : () -> ()
    %dma_start3A_12 = arith.constant 0 : i32
    %dma_start3A_13 = arith.constant 0 : i32
    %dma_start3A_14 = tpu.memref_slice %arg2[%dma_start3A_12, %dma_start3A_13] : memref<2048x128xi32, #tpu.memory_space<hbm>> -> memref<2048x128xi32, #tpu.memory_space<hbm>>
    tpu.enqueue_indirect_dma source(%dma_start3A_14 : memref<2048x128xi32, #tpu.memory_space<hbm>>) target(%arg10 : memref<128x128xi32, #tpu.memory_space<vmem>>) offsets(%arg8 : memref<128xi32, #tpu.memory_space<vmem>>) semaphore(%arg14 : memref<!tpu.dma_semaphore, #tpu.memory_space<semaphore_mem>>)
    %dma_start3A_15 = arith.constant 0 : i32
    %dma_start3A_16 = arith.constant 0 : i32
    %dma_start3A_17 = tpu.memref_slice %arg3[%dma_start3A_15, %dma_start3A_16] : memref<2048x128xf32, #tpu.memory_space<hbm>> -> memref<2048x128xf32, #tpu.memory_space<hbm>>
    tpu.enqueue_indirect_dma source(%dma_start3A_17 : memref<2048x128xf32, #tpu.memory_space<hbm>>) target(%arg12 : memref<128x128xf32, #tpu.memory_space<vmem>>) offsets(%arg8 : memref<128xi32, #tpu.memory_space<vmem>>) semaphore(%arg14 : memref<!tpu.dma_semaphore, #tpu.memory_space<semaphore_mem>>)
    %add3A_18 = arith.constant 0 : i32
    %add3A_19 = arith.addi %mul3A_2, %add3A_18 : i32
    %dma_wait3A = arith.constant 0 : i32
    %dma_wait3A_20 = arith.constant 0 : i32
    %dma_wait3A_21 = tpu.memref_slice %arg2[%dma_wait3A, %dma_wait3A_20] : memref<2048x128xi32, #tpu.memory_space<hbm>> -> memref<2048x128xi32, #tpu.memory_space<hbm>>
    tpu.wait_indirect_dma semaphore(%arg13 : memref<!tpu.dma_semaphore, #tpu.memory_space<semaphore_mem>>) src(%dma_wait3A_21 : memref<2048x128xi32, #tpu.memory_space<hbm>>) dst(%arg9 : memref<128x128xi32, #tpu.memory_space<vmem>>)
    %dma_wait3A_22 = arith.constant 0 : i32
    %dma_wait3A_23 = arith.constant 0 : i32
    %dma_wait3A_24 = tpu.memref_slice %arg3[%dma_wait3A_22, %dma_wait3A_23] : memref<2048x128xf32, #tpu.memory_space<hbm>> -> memref<2048x128xf32, #tpu.memory_space<hbm>>
    tpu.wait_indirect_dma semaphore(%arg13 : memref<!tpu.dma_semaphore, #tpu.memory_space<semaphore_mem>>) src(%dma_wait3A_24 : memref<2048x128xf32, #tpu.memory_space<hbm>>) dst(%arg11 : memref<128x128xf32, #tpu.memory_space<vmem>>)
    %dma_start3A_25 = arith.constant 0 : i32
    %dma_start3A_26 = tpu.memref_slice %arg5[%add3A_19, %dma_start3A_25] : memref<32768x128xi32, #tpu.memory_space<hbm>> -> memref<128x128xi32, #tpu.memory_space<hbm>>
    %dma_start3A_27 = arith.constant 0 : i32
    %dma_start3A_28 = tpu.memref_slice %arg5[%add3A_19, %dma_start3A_27] : memref<32768x128xi32, #tpu.memory_space<hbm>> -> memref<128x128xi32, #tpu.memory_space<hbm>>
    tpu.enqueue_dma source(%arg9 : memref<128x128xi32, #tpu.memory_space<vmem>>) target(%dma_start3A_28 : memref<128x128xi32, #tpu.memory_space<hbm>>) target_semaphore(%arg15 : memref<!tpu.dma_semaphore, #tpu.memory_space<semaphore_mem>>)
    %dma_start3A_29 = arith.constant 0 : i32
    %dma_start3A_30 = tpu.memref_slice %arg6[%add3A_19, %dma_start3A_29] : memref<32768x128xf32, #tpu.memory_space<hbm>> -> memref<128x128xf32, #tpu.memory_space<hbm>>
    %dma_start3A_31 = arith.constant 0 : i32
    %dma_start3A_32 = tpu.memref_slice %arg6[%add3A_19, %dma_start3A_31] : memref<32768x128xf32, #tpu.memory_space<hbm>> -> memref<128x128xf32, #tpu.memory_space<hbm>>
    tpu.enqueue_dma source(%arg11 : memref<128x128xf32, #tpu.memory_space<vmem>>) target(%dma_start3A_32 : memref<128x128xf32, #tpu.memory_space<hbm>>) target_semaphore(%arg15 : memref<!tpu.dma_semaphore, #tpu.memory_space<semaphore_mem>>)
    %dma_wait3A_33 = arith.constant 0 : i32
    %dma_wait3A_34 = tpu.memref_slice %arg5[%add3A_19, %dma_wait3A_33] : memref<32768x128xi32, #tpu.memory_space<hbm>> -> memref<128x128xi32, #tpu.memory_space<hbm>>
    %dma_wait3A_35 = arith.constant 0 : i32
    %dma_wait3A_36 = tpu.memref_slice %arg5[%add3A_19, %dma_wait3A_35] : memref<32768x128xi32, #tpu.memory_space<hbm>> -> memref<128x128xi32, #tpu.memory_space<hbm>>
    tpu.wait_dma2 semaphore(%arg15 : memref<!tpu.dma_semaphore, #tpu.memory_space<semaphore_mem>>) src(%arg9 : memref<128x128xi32, #tpu.memory_space<vmem>>) dst(%dma_wait3A_36 : memref<128x128xi32, #tpu.memory_space<hbm>>)
    %dma_wait3A_37 = arith.constant 0 : i32
    %dma_wait3A_38 = tpu.memref_slice %arg6[%add3A_19, %dma_wait3A_37] : memref<32768x128xf32, #tpu.memory_space<hbm>> -> memref<128x128xf32, #tpu.memory_space<hbm>>
    %dma_wait3A_39 = arith.constant 0 : i32
    %dma_wait3A_40 = tpu.memref_slice %arg6[%add3A_19, %dma_wait3A_39] : memref<32768x128xf32, #tpu.memory_space<hbm>> -> memref<128x128xf32, #tpu.memory_space<hbm>>
    tpu.wait_dma2 semaphore(%arg15 : memref<!tpu.dma_semaphore, #tpu.memory_space<semaphore_mem>>) src(%arg11 : memref<128x128xf32, #tpu.memory_space<vmem>>) dst(%dma_wait3A_40 : memref<128x128xf32, #tpu.memory_space<hbm>>)
    %add3A_41 = arith.constant 256 : i32
    %add3A_42 = arith.addi %mul3A_2, %add3A_41 : i32
    "tpu.region"() ({
      %run_scoped3A = tpu.sem_alloc : memref<!tpu.dma_semaphore, #tpu.memory_space<semaphore_mem>>
      %dma_start3A_257 = tpu.memref_slice %arg4[%add3A_42] : memref<32768xi32, #tpu.memory_space<hbm>> -> memref<128xi32, #tpu.memory_space<hbm>>
      %dma_start3A_258 = tpu.memref_slice %arg4[%add3A_42] : memref<32768xi32, #tpu.memory_space<hbm>> -> memref<128xi32, #tpu.memory_space<hbm>>
      tpu.enqueue_dma source(%dma_start3A_258 : memref<128xi32, #tpu.memory_space<hbm>>) target(%arg7 : memref<128xi32, #tpu.memory_space<vmem>>) target_semaphore(%run_scoped3A : memref<!tpu.dma_semaphore, #tpu.memory_space<semaphore_mem>>)
      %dma_wait3A_259 = tpu.memref_slice %arg4[%add3A_42] : memref<32768xi32, #tpu.memory_space<hbm>> -> memref<128xi32, #tpu.memory_space<hbm>>
      %dma_wait3A_260 = tpu.memref_slice %arg4[%add3A_42] : memref<32768xi32, #tpu.memory_space<hbm>> -> memref<128xi32, #tpu.memory_space<hbm>>
      tpu.wait_dma2 semaphore(%run_scoped3A : memref<!tpu.dma_semaphore, #tpu.memory_space<semaphore_mem>>) src(%dma_wait3A_260 : memref<128xi32, #tpu.memory_space<hbm>>) dst(%arg7 : memref<128xi32, #tpu.memory_space<vmem>>)
      tpu.yield
    }) : () -> ()
    %dma_start3A_43 = arith.constant 0 : i32
    %dma_start3A_44 = arith.constant 0 : i32
    %dma_start3A_45 = tpu.memref_slice %arg2[%dma_start3A_43, %dma_start3A_44] : memref<2048x128xi32, #tpu.memory_space<hbm>> -> memref<2048x128xi32, #tpu.memory_space<hbm>>
    tpu.enqueue_indirect_dma source(%dma_start3A_45 : memref<2048x128xi32, #tpu.memory_space<hbm>>) target(%arg9 : memref<128x128xi32, #tpu.memory_space<vmem>>) offsets(%arg7 : memref<128xi32, #tpu.memory_space<vmem>>) semaphore(%arg13 : memref<!tpu.dma_semaphore, #tpu.memory_space<semaphore_mem>>)
    %dma_start3A_46 = arith.constant 0 : i32
    %dma_start3A_47 = arith.constant 0 : i32
    %dma_start3A_48 = tpu.memref_slice %arg3[%dma_start3A_46, %dma_start3A_47] : memref<2048x128xf32, #tpu.memory_space<hbm>> -> memref<2048x128xf32, #tpu.memory_space<hbm>>
    tpu.enqueue_indirect_dma source(%dma_start3A_48 : memref<2048x128xf32, #tpu.memory_space<hbm>>) target(%arg11 : memref<128x128xf32, #tpu.memory_space<vmem>>) offsets(%arg7 : memref<128xi32, #tpu.memory_space<vmem>>) semaphore(%arg13 : memref<!tpu.dma_semaphore, #tpu.memory_space<semaphore_mem>>)
    %add3A_49 = arith.constant 128 : i32
    %add3A_50 = arith.addi %mul3A_2, %add3A_49 : i32
    %dma_wait3A_51 = arith.constant 0 : i32
    %dma_wait3A_52 = arith.constant 0 : i32
    %dma_wait3A_53 = tpu.memref_slice %arg2[%dma_wait3A_51, %dma_wait3A_52] : memref<2048x128xi32, #tpu.memory_space<hbm>> -> memref<2048x128xi32, #tpu.memory_space<hbm>>
    tpu.wait_indirect_dma semaphore(%arg14 : memref<!tpu.dma_semaphore, #tpu.memory_space<semaphore_mem>>) src(%dma_wait3A_53 : memref<2048x128xi32, #tpu.memory_space<hbm>>) dst(%arg10 : memref<128x128xi32, #tpu.memory_space<vmem>>)
    %dma_wait3A_54 = arith.constant 0 : i32
    %dma_wait3A_55 = arith.constant 0 : i32
    %dma_wait3A_56 = tpu.memref_slice %arg3[%dma_wait3A_54, %dma_wait3A_55] : memref<2048x128xf32, #tpu.memory_space<hbm>> -> memref<2048x128xf32, #tpu.memory_space<hbm>>
    tpu.wait_indirect_dma semaphore(%arg14 : memref<!tpu.dma_semaphore, #tpu.memory_space<semaphore_mem>>) src(%dma_wait3A_56 : memref<2048x128xf32, #tpu.memory_space<hbm>>) dst(%arg12 : memref<128x128xf32, #tpu.memory_space<vmem>>)
    %dma_start3A_57 = arith.constant 0 : i32
    %dma_start3A_58 = tpu.memref_slice %arg5[%add3A_50, %dma_start3A_57] : memref<32768x128xi32, #tpu.memory_space<hbm>> -> memref<128x128xi32, #tpu.memory_space<hbm>>
    %dma_start3A_59 = arith.constant 0 : i32
    %dma_start3A_60 = tpu.memref_slice %arg5[%add3A_50, %dma_start3A_59] : memref<32768x128xi32, #tpu.memory_space<hbm>> -> memref<128x128xi32, #tpu.memory_space<hbm>>
    tpu.enqueue_dma source(%arg10 : memref<128x128xi32, #tpu.memory_space<vmem>>) target(%dma_start3A_60 : memref<128x128xi32, #tpu.memory_space<hbm>>) target_semaphore(%arg16 : memref<!tpu.dma_semaphore, #tpu.memory_space<semaphore_mem>>)
    %dma_start3A_61 = arith.constant 0 : i32
    %dma_start3A_62 = tpu.memref_slice %arg6[%add3A_50, %dma_start3A_61] : memref<32768x128xf32, #tpu.memory_space<hbm>> -> memref<128x128xf32, #tpu.memory_space<hbm>>
    %dma_start3A_63 = arith.constant 0 : i32
    %dma_start3A_64 = tpu.memref_slice %arg6[%add3A_50, %dma_start3A_63] : memref<32768x128xf32, #tpu.memory_space<hbm>> -> memref<128x128xf32, #tpu.memory_space<hbm>>
    tpu.enqueue_dma source(%arg12 : memref<128x128xf32, #tpu.memory_space<vmem>>) target(%dma_start3A_64 : memref<128x128xf32, #tpu.memory_space<hbm>>) target_semaphore(%arg16 : memref<!tpu.dma_semaphore, #tpu.memory_space<semaphore_mem>>)
    %dma_wait3A_65 = arith.constant 0 : i32
    %dma_wait3A_66 = tpu.memref_slice %arg5[%add3A_50, %dma_wait3A_65] : memref<32768x128xi32, #tpu.memory_space<hbm>> -> memref<128x128xi32, #tpu.memory_space<hbm>>
    %dma_wait3A_67 = arith.constant 0 : i32
    %dma_wait3A_68 = tpu.memref_slice %arg5[%add3A_50, %dma_wait3A_67] : memref<32768x128xi32, #tpu.memory_space<hbm>> -> memref<128x128xi32, #tpu.memory_space<hbm>>
    tpu.wait_dma2 semaphore(%arg16 : memref<!tpu.dma_semaphore, #tpu.memory_space<semaphore_mem>>) src(%arg10 : memref<128x128xi32, #tpu.memory_space<vmem>>) dst(%dma_wait3A_68 : memref<128x128xi32, #tpu.memory_space<hbm>>)
    %dma_wait3A_69 = arith.constant 0 : i32
    %dma_wait3A_70 = tpu.memref_slice %arg6[%add3A_50, %dma_wait3A_69] : memref<32768x128xf32, #tpu.memory_space<hbm>> -> memref<128x128xf32, #tpu.memory_space<hbm>>
    %dma_wait3A_71 = arith.constant 0 : i32
    %dma_wait3A_72 = tpu.memref_slice %arg6[%add3A_50, %dma_wait3A_71] : memref<32768x128xf32, #tpu.memory_space<hbm>> -> memref<128x128xf32, #tpu.memory_space<hbm>>
    tpu.wait_dma2 semaphore(%arg16 : memref<!tpu.dma_semaphore, #tpu.memory_space<semaphore_mem>>) src(%arg12 : memref<128x128xf32, #tpu.memory_space<vmem>>) dst(%dma_wait3A_72 : memref<128x128xf32, #tpu.memory_space<hbm>>)
    %add3A_73 = arith.constant 384 : i32
    %add3A_74 = arith.addi %mul3A_2, %add3A_73 : i32
    "tpu.region"() ({
      %run_scoped3A = tpu.sem_alloc : memref<!tpu.dma_semaphore, #tpu.memory_space<semaphore_mem>>
      %dma_start3A_257 = tpu.memref_slice %arg4[%add3A_74] : memref<32768xi32, #tpu.memory_space<hbm>> -> memref<128xi32, #tpu.memory_space<hbm>>
      %dma_start3A_258 = tpu.memref_slice %arg4[%add3A_74] : memref<32768xi32, #tpu.memory_space<hbm>> -> memref<128xi32, #tpu.memory_space<hbm>>
      tpu.enqueue_dma source(%dma_start3A_258 : memref<128xi32, #tpu.memory_space<hbm>>) target(%arg8 : memref<128xi32, #tpu.memory_space<vmem>>) target_semaphore(%run_scoped3A : memref<!tpu.dma_semaphore, #tpu.memory_space<semaphore_mem>>)
      %dma_wait3A_259 = tpu.memref_slice %arg4[%add3A_74] : memref<32768xi32, #tpu.memory_space<hbm>> -> memref<128xi32, #tpu.memory_space<hbm>>
      %dma_wait3A_260 = tpu.memref_slice %arg4[%add3A_74] : memref<32768xi32, #tpu.memory_space<hbm>> -> memref<128xi32, #tpu.memory_space<hbm>>
      tpu.wait_dma2 semaphore(%run_scoped3A : memref<!tpu.dma_semaphore, #tpu.memory_space<semaphore_mem>>) src(%dma_wait3A_260 : memref<128xi32, #tpu.memory_space<hbm>>) dst(%arg8 : memref<128xi32, #tpu.memory_space<vmem>>)
      tpu.yield
    }) : () -> ()
    %dma_start3A_75 = arith.constant 0 : i32
    %dma_start3A_76 = arith.constant 0 : i32
    %dma_start3A_77 = tpu.memref_slice %arg2[%dma_start3A_75, %dma_start3A_76] : memref<2048x128xi32, #tpu.memory_space<hbm>> -> memref<2048x128xi32, #tpu.memory_space<hbm>>
    tpu.enqueue_indirect_dma source(%dma_start3A_77 : memref<2048x128xi32, #tpu.memory_space<hbm>>) target(%arg10 : memref<128x128xi32, #tpu.memory_space<vmem>>) offsets(%arg8 : memref<128xi32, #tpu.memory_space<vmem>>) semaphore(%arg14 : memref<!tpu.dma_semaphore, #tpu.memory_space<semaphore_mem>>)
    %dma_start3A_78 = arith.constant 0 : i32
    %dma_start3A_79 = arith.constant 0 : i32
    %dma_start3A_80 = tpu.memref_slice %arg3[%dma_start3A_78, %dma_start3A_79] : memref<2048x128xf32, #tpu.memory_space<hbm>> -> memref<2048x128xf32, #tpu.memory_space<hbm>>
    tpu.enqueue_indirect_dma source(%dma_start3A_80 : memref<2048x128xf32, #tpu.memory_space<hbm>>) target(%arg12 : memref<128x128xf32, #tpu.memory_space<vmem>>) offsets(%arg8 : memref<128xi32, #tpu.memory_space<vmem>>) semaphore(%arg14 : memref<!tpu.dma_semaphore, #tpu.memory_space<semaphore_mem>>)
    %add3A_81 = arith.constant 256 : i32
    %add3A_82 = arith.addi %mul3A_2, %add3A_81 : i32
    %dma_wait3A_83 = arith.constant 0 : i32
    %dma_wait3A_84 = arith.constant 0 : i32
    %dma_wait3A_85 = tpu.memref_slice %arg2[%dma_wait3A_83, %dma_wait3A_84] : memref<2048x128xi32, #tpu.memory_space<hbm>> -> memref<2048x128xi32, #tpu.memory_space<hbm>>
    tpu.wait_indirect_dma semaphore(%arg13 : memref<!tpu.dma_semaphore, #tpu.memory_space<semaphore_mem>>) src(%dma_wait3A_85 : memref<2048x128xi32, #tpu.memory_space<hbm>>) dst(%arg9 : memref<128x128xi32, #tpu.memory_space<vmem>>)
    %dma_wait3A_86 = arith.constant 0 : i32
    %dma_wait3A_87 = arith.constant 0 : i32
    %dma_wait3A_88 = tpu.memref_slice %arg3[%dma_wait3A_86, %dma_wait3A_87] : memref<2048x128xf32, #tpu.memory_space<hbm>> -> memref<2048x128xf32, #tpu.memory_space<hbm>>
    tpu.wait_indirect_dma semaphore(%arg13 : memref<!tpu.dma_semaphore, #tpu.memory_space<semaphore_mem>>) src(%dma_wait3A_88 : memref<2048x128xf32, #tpu.memory_space<hbm>>) dst(%arg11 : memref<128x128xf32, #tpu.memory_space<vmem>>)
    %dma_start3A_89 = arith.constant 0 : i32
    %dma_start3A_90 = tpu.memref_slice %arg5[%add3A_82, %dma_start3A_89] : memref<32768x128xi32, #tpu.memory_space<hbm>> -> memref<128x128xi32, #tpu.memory_space<hbm>>
    %dma_start3A_91 = arith.constant 0 : i32
    %dma_start3A_92 = tpu.memref_slice %arg5[%add3A_82, %dma_start3A_91] : memref<32768x128xi32, #tpu.memory_space<hbm>> -> memref<128x128xi32, #tpu.memory_space<hbm>>
    tpu.enqueue_dma source(%arg9 : memref<128x128xi32, #tpu.memory_space<vmem>>) target(%dma_start3A_92 : memref<128x128xi32, #tpu.memory_space<hbm>>) target_semaphore(%arg15 : memref<!tpu.dma_semaphore, #tpu.memory_space<semaphore_mem>>)
    %dma_start3A_93 = arith.constant 0 : i32
    %dma_start3A_94 = tpu.memref_slice %arg6[%add3A_82, %dma_start3A_93] : memref<32768x128xf32, #tpu.memory_space<hbm>> -> memref<128x128xf32, #tpu.memory_space<hbm>>
    %dma_start3A_95 = arith.constant 0 : i32
    %dma_start3A_96 = tpu.memref_slice %arg6[%add3A_82, %dma_start3A_95] : memref<32768x128xf32, #tpu.memory_space<hbm>> -> memref<128x128xf32, #tpu.memory_space<hbm>>
    tpu.enqueue_dma source(%arg11 : memref<128x128xf32, #tpu.memory_space<vmem>>) target(%dma_start3A_96 : memref<128x128xf32, #tpu.memory_space<hbm>>) target_semaphore(%arg15 : memref<!tpu.dma_semaphore, #tpu.memory_space<semaphore_mem>>)
    %dma_wait3A_97 = arith.constant 0 : i32
    %dma_wait3A_98 = tpu.memref_slice %arg5[%add3A_82, %dma_wait3A_97] : memref<32768x128xi32, #tpu.memory_space<hbm>> -> memref<128x128xi32, #tpu.memory_space<hbm>>
    %dma_wait3A_99 = arith.constant 0 : i32
    %dma_wait3A_100 = tpu.memref_slice %arg5[%add3A_82, %dma_wait3A_99] : memref<32768x128xi32, #tpu.memory_space<hbm>> -> memref<128x128xi32, #tpu.memory_space<hbm>>
    tpu.wait_dma2 semaphore(%arg15 : memref<!tpu.dma_semaphore, #tpu.memory_space<semaphore_mem>>) src(%arg9 : memref<128x128xi32, #tpu.memory_space<vmem>>) dst(%dma_wait3A_100 : memref<128x128xi32, #tpu.memory_space<hbm>>)
    %dma_wait3A_101 = arith.constant 0 : i32
    %dma_wait3A_102 = tpu.memref_slice %arg6[%add3A_82, %dma_wait3A_101] : memref<32768x128xf32, #tpu.memory_space<hbm>> -> memref<128x128xf32, #tpu.memory_space<hbm>>
    %dma_wait3A_103 = arith.constant 0 : i32
    %dma_wait3A_104 = tpu.memref_slice %arg6[%add3A_82, %dma_wait3A_103] : memref<32768x128xf32, #tpu.memory_space<hbm>> -> memref<128x128xf32, #tpu.memory_space<hbm>>
    tpu.wait_dma2 semaphore(%arg15 : memref<!tpu.dma_semaphore, #tpu.memory_space<semaphore_mem>>) src(%arg11 : memref<128x128xf32, #tpu.memory_space<vmem>>) dst(%dma_wait3A_104 : memref<128x128xf32, #tpu.memory_space<hbm>>)
    %add3A_105 = arith.constant 512 : i32
    %add3A_106 = arith.addi %mul3A_2, %add3A_105 : i32
    "tpu.region"() ({
      %run_scoped3A = tpu.sem_alloc : memref<!tpu.dma_semaphore, #tpu.memory_space<semaphore_mem>>
      %dma_start3A_257 = tpu.memref_slice %arg4[%add3A_106] : memref<32768xi32, #tpu.memory_space<hbm>> -> memref<128xi32, #tpu.memory_space<hbm>>
      %dma_start3A_258 = tpu.memref_slice %arg4[%add3A_106] : memref<32768xi32, #tpu.memory_space<hbm>> -> memref<128xi32, #tpu.memory_space<hbm>>
      tpu.enqueue_dma source(%dma_start3A_258 : memref<128xi32, #tpu.memory_space<hbm>>) target(%arg7 : memref<128xi32, #tpu.memory_space<vmem>>) target_semaphore(%run_scoped3A : memref<!tpu.dma_semaphore, #tpu.memory_space<semaphore_mem>>)
      %dma_wait3A_259 = tpu.memref_slice %arg4[%add3A_106] : memref<32768xi32, #tpu.memory_space<hbm>> -> memref<128xi32, #tpu.memory_space<hbm>>
      %dma_wait3A_260 = tpu.memref_slice %arg4[%add3A_106] : memref<32768xi32, #tpu.memory_space<hbm>> -> memref<128xi32, #tpu.memory_space<hbm>>
      tpu.wait_dma2 semaphore(%run_scoped3A : memref<!tpu.dma_semaphore, #tpu.memory_space<semaphore_mem>>) src(%dma_wait3A_260 : memref<128xi32, #tpu.memory_space<hbm>>) dst(%arg7 : memref<128xi32, #tpu.memory_space<vmem>>)
      tpu.yield
    }) : () -> ()
    %dma_start3A_107 = arith.constant 0 : i32
    %dma_start3A_108 = arith.constant 0 : i32
    %dma_start3A_109 = tpu.memref_slice %arg2[%dma_start3A_107, %dma_start3A_108] : memref<2048x128xi32, #tpu.memory_space<hbm>> -> memref<2048x128xi32, #tpu.memory_space<hbm>>
    tpu.enqueue_indirect_dma source(%dma_start3A_109 : memref<2048x128xi32, #tpu.memory_space<hbm>>) target(%arg9 : memref<128x128xi32, #tpu.memory_space<vmem>>) offsets(%arg7 : memref<128xi32, #tpu.memory_space<vmem>>) semaphore(%arg13 : memref<!tpu.dma_semaphore, #tpu.memory_space<semaphore_mem>>)
    %dma_start3A_110 = arith.constant 0 : i32
    %dma_start3A_111 = arith.constant 0 : i32
    %dma_start3A_112 = tpu.memref_slice %arg3[%dma_start3A_110, %dma_start3A_111] : memref<2048x128xf32, #tpu.memory_space<hbm>> -> memref<2048x128xf32, #tpu.memory_space<hbm>>
    tpu.enqueue_indirect_dma source(%dma_start3A_112 : memref<2048x128xf32, #tpu.memory_space<hbm>>) target(%arg11 : memref<128x128xf32, #tpu.memory_space<vmem>>) offsets(%arg7 : memref<128xi32, #tpu.memory_space<vmem>>) semaphore(%arg13 : memref<!tpu.dma_semaphore, #tpu.memory_space<semaphore_mem>>)
    %add3A_113 = arith.constant 384 : i32
    %add3A_114 = arith.addi %mul3A_2, %add3A_113 : i32
    %dma_wait3A_115 = arith.constant 0 : i32
    %dma_wait3A_116 = arith.constant 0 : i32
    %dma_wait3A_117 = tpu.memref_slice %arg2[%dma_wait3A_115, %dma_wait3A_116] : memref<2048x128xi32, #tpu.memory_space<hbm>> -> memref<2048x128xi32, #tpu.memory_space<hbm>>
    tpu.wait_indirect_dma semaphore(%arg14 : memref<!tpu.dma_semaphore, #tpu.memory_space<semaphore_mem>>) src(%dma_wait3A_117 : memref<2048x128xi32, #tpu.memory_space<hbm>>) dst(%arg10 : memref<128x128xi32, #tpu.memory_space<vmem>>)
    %dma_wait3A_118 = arith.constant 0 : i32
    %dma_wait3A_119 = arith.constant 0 : i32
    %dma_wait3A_120 = tpu.memref_slice %arg3[%dma_wait3A_118, %dma_wait3A_119] : memref<2048x128xf32, #tpu.memory_space<hbm>> -> memref<2048x128xf32, #tpu.memory_space<hbm>>
    tpu.wait_indirect_dma semaphore(%arg14 : memref<!tpu.dma_semaphore, #tpu.memory_space<semaphore_mem>>) src(%dma_wait3A_120 : memref<2048x128xf32, #tpu.memory_space<hbm>>) dst(%arg12 : memref<128x128xf32, #tpu.memory_space<vmem>>)
    %dma_start3A_121 = arith.constant 0 : i32
    %dma_start3A_122 = tpu.memref_slice %arg5[%add3A_114, %dma_start3A_121] : memref<32768x128xi32, #tpu.memory_space<hbm>> -> memref<128x128xi32, #tpu.memory_space<hbm>>
    %dma_start3A_123 = arith.constant 0 : i32
    %dma_start3A_124 = tpu.memref_slice %arg5[%add3A_114, %dma_start3A_123] : memref<32768x128xi32, #tpu.memory_space<hbm>> -> memref<128x128xi32, #tpu.memory_space<hbm>>
    tpu.enqueue_dma source(%arg10 : memref<128x128xi32, #tpu.memory_space<vmem>>) target(%dma_start3A_124 : memref<128x128xi32, #tpu.memory_space<hbm>>) target_semaphore(%arg16 : memref<!tpu.dma_semaphore, #tpu.memory_space<semaphore_mem>>)
    %dma_start3A_125 = arith.constant 0 : i32
    %dma_start3A_126 = tpu.memref_slice %arg6[%add3A_114, %dma_start3A_125] : memref<32768x128xf32, #tpu.memory_space<hbm>> -> memref<128x128xf32, #tpu.memory_space<hbm>>
    %dma_start3A_127 = arith.constant 0 : i32
    %dma_start3A_128 = tpu.memref_slice %arg6[%add3A_114, %dma_start3A_127] : memref<32768x128xf32, #tpu.memory_space<hbm>> -> memref<128x128xf32, #tpu.memory_space<hbm>>
    tpu.enqueue_dma source(%arg12 : memref<128x128xf32, #tpu.memory_space<vmem>>) target(%dma_start3A_128 : memref<128x128xf32, #tpu.memory_space<hbm>>) target_semaphore(%arg16 : memref<!tpu.dma_semaphore, #tpu.memory_space<semaphore_mem>>)
    %dma_wait3A_129 = arith.constant 0 : i32
    %dma_wait3A_130 = tpu.memref_slice %arg5[%add3A_114, %dma_wait3A_129] : memref<32768x128xi32, #tpu.memory_space<hbm>> -> memref<128x128xi32, #tpu.memory_space<hbm>>
    %dma_wait3A_131 = arith.constant 0 : i32
    %dma_wait3A_132 = tpu.memref_slice %arg5[%add3A_114, %dma_wait3A_131] : memref<32768x128xi32, #tpu.memory_space<hbm>> -> memref<128x128xi32, #tpu.memory_space<hbm>>
    tpu.wait_dma2 semaphore(%arg16 : memref<!tpu.dma_semaphore, #tpu.memory_space<semaphore_mem>>) src(%arg10 : memref<128x128xi32, #tpu.memory_space<vmem>>) dst(%dma_wait3A_132 : memref<128x128xi32, #tpu.memory_space<hbm>>)
    %dma_wait3A_133 = arith.constant 0 : i32
    %dma_wait3A_134 = tpu.memref_slice %arg6[%add3A_114, %dma_wait3A_133] : memref<32768x128xf32, #tpu.memory_space<hbm>> -> memref<128x128xf32, #tpu.memory_space<hbm>>
    %dma_wait3A_135 = arith.constant 0 : i32
    %dma_wait3A_136 = tpu.memref_slice %arg6[%add3A_114, %dma_wait3A_135] : memref<32768x128xf32, #tpu.memory_space<hbm>> -> memref<128x128xf32, #tpu.memory_space<hbm>>
    tpu.wait_dma2 semaphore(%arg16 : memref<!tpu.dma_semaphore, #tpu.memory_space<semaphore_mem>>) src(%arg12 : memref<128x128xf32, #tpu.memory_space<vmem>>) dst(%dma_wait3A_136 : memref<128x128xf32, #tpu.memory_space<hbm>>)
    %add3A_137 = arith.constant 640 : i32
    %add3A_138 = arith.addi %mul3A_2, %add3A_137 : i32
    "tpu.region"() ({
      %run_scoped3A = tpu.sem_alloc : memref<!tpu.dma_semaphore, #tpu.memory_space<semaphore_mem>>
      %dma_start3A_257 = tpu.memref_slice %arg4[%add3A_138] : memref<32768xi32, #tpu.memory_space<hbm>> -> memref<128xi32, #tpu.memory_space<hbm>>
      %dma_start3A_258 = tpu.memref_slice %arg4[%add3A_138] : memref<32768xi32, #tpu.memory_space<hbm>> -> memref<128xi32, #tpu.memory_space<hbm>>
      tpu.enqueue_dma source(%dma_start3A_258 : memref<128xi32, #tpu.memory_space<hbm>>) target(%arg8 : memref<128xi32, #tpu.memory_space<vmem>>) target_semaphore(%run_scoped3A : memref<!tpu.dma_semaphore, #tpu.memory_space<semaphore_mem>>)
      %dma_wait3A_259 = tpu.memref_slice %arg4[%add3A_138] : memref<32768xi32, #tpu.memory_space<hbm>> -> memref<128xi32, #tpu.memory_space<hbm>>
      %dma_wait3A_260 = tpu.memref_slice %arg4[%add3A_138] : memref<32768xi32, #tpu.memory_space<hbm>> -> memref<128xi32, #tpu.memory_space<hbm>>
      tpu.wait_dma2 semaphore(%run_scoped3A : memref<!tpu.dma_semaphore, #tpu.memory_space<semaphore_mem>>) src(%dma_wait3A_260 : memref<128xi32, #tpu.memory_space<hbm>>) dst(%arg8 : memref<128xi32, #tpu.memory_space<vmem>>)
      tpu.yield
    }) : () -> ()
    %dma_start3A_139 = arith.constant 0 : i32
    %dma_start3A_140 = arith.constant 0 : i32
    %dma_start3A_141 = tpu.memref_slice %arg2[%dma_start3A_139, %dma_start3A_140] : memref<2048x128xi32, #tpu.memory_space<hbm>> -> memref<2048x128xi32, #tpu.memory_space<hbm>>
    tpu.enqueue_indirect_dma source(%dma_start3A_141 : memref<2048x128xi32, #tpu.memory_space<hbm>>) target(%arg10 : memref<128x128xi32, #tpu.memory_space<vmem>>) offsets(%arg8 : memref<128xi32, #tpu.memory_space<vmem>>) semaphore(%arg14 : memref<!tpu.dma_semaphore, #tpu.memory_space<semaphore_mem>>)
    %dma_start3A_142 = arith.constant 0 : i32
    %dma_start3A_143 = arith.constant 0 : i32
    %dma_start3A_144 = tpu.memref_slice %arg3[%dma_start3A_142, %dma_start3A_143] : memref<2048x128xf32, #tpu.memory_space<hbm>> -> memref<2048x128xf32, #tpu.memory_space<hbm>>
    tpu.enqueue_indirect_dma source(%dma_start3A_144 : memref<2048x128xf32, #tpu.memory_space<hbm>>) target(%arg12 : memref<128x128xf32, #tpu.memory_space<vmem>>) offsets(%arg8 : memref<128xi32, #tpu.memory_space<vmem>>) semaphore(%arg14 : memref<!tpu.dma_semaphore, #tpu.memory_space<semaphore_mem>>)
    %add3A_145 = arith.constant 512 : i32
    %add3A_146 = arith.addi %mul3A_2, %add3A_145 : i32
    %dma_wait3A_147 = arith.constant 0 : i32
    %dma_wait3A_148 = arith.constant 0 : i32
    %dma_wait3A_149 = tpu.memref_slice %arg2[%dma_wait3A_147, %dma_wait3A_148] : memref<2048x128xi32, #tpu.memory_space<hbm>> -> memref<2048x128xi32, #tpu.memory_space<hbm>>
    tpu.wait_indirect_dma semaphore(%arg13 : memref<!tpu.dma_semaphore, #tpu.memory_space<semaphore_mem>>) src(%dma_wait3A_149 : memref<2048x128xi32, #tpu.memory_space<hbm>>) dst(%arg9 : memref<128x128xi32, #tpu.memory_space<vmem>>)
    %dma_wait3A_150 = arith.constant 0 : i32
    %dma_wait3A_151 = arith.constant 0 : i32
    %dma_wait3A_152 = tpu.memref_slice %arg3[%dma_wait3A_150, %dma_wait3A_151] : memref<2048x128xf32, #tpu.memory_space<hbm>> -> memref<2048x128xf32, #tpu.memory_space<hbm>>
    tpu.wait_indirect_dma semaphore(%arg13 : memref<!tpu.dma_semaphore, #tpu.memory_space<semaphore_mem>>) src(%dma_wait3A_152 : memref<2048x128xf32, #tpu.memory_space<hbm>>) dst(%arg11 : memref<128x128xf32, #tpu.memory_space<vmem>>)
    %dma_start3A_153 = arith.constant 0 : i32
    %dma_start3A_154 = tpu.memref_slice %arg5[%add3A_146, %dma_start3A_153] : memref<32768x128xi32, #tpu.memory_space<hbm>> -> memref<128x128xi32, #tpu.memory_space<hbm>>
    %dma_start3A_155 = arith.constant 0 : i32
    %dma_start3A_156 = tpu.memref_slice %arg5[%add3A_146, %dma_start3A_155] : memref<32768x128xi32, #tpu.memory_space<hbm>> -> memref<128x128xi32, #tpu.memory_space<hbm>>
    tpu.enqueue_dma source(%arg9 : memref<128x128xi32, #tpu.memory_space<vmem>>) target(%dma_start3A_156 : memref<128x128xi32, #tpu.memory_space<hbm>>) target_semaphore(%arg15 : memref<!tpu.dma_semaphore, #tpu.memory_space<semaphore_mem>>)
    %dma_start3A_157 = arith.constant 0 : i32
    %dma_start3A_158 = tpu.memref_slice %arg6[%add3A_146, %dma_start3A_157] : memref<32768x128xf32, #tpu.memory_space<hbm>> -> memref<128x128xf32, #tpu.memory_space<hbm>>
    %dma_start3A_159 = arith.constant 0 : i32
    %dma_start3A_160 = tpu.memref_slice %arg6[%add3A_146, %dma_start3A_159] : memref<32768x128xf32, #tpu.memory_space<hbm>> -> memref<128x128xf32, #tpu.memory_space<hbm>>
    tpu.enqueue_dma source(%arg11 : memref<128x128xf32, #tpu.memory_space<vmem>>) target(%dma_start3A_160 : memref<128x128xf32, #tpu.memory_space<hbm>>) target_semaphore(%arg15 : memref<!tpu.dma_semaphore, #tpu.memory_space<semaphore_mem>>)
    %dma_wait3A_161 = arith.constant 0 : i32
    %dma_wait3A_162 = tpu.memref_slice %arg5[%add3A_146, %dma_wait3A_161] : memref<32768x128xi32, #tpu.memory_space<hbm>> -> memref<128x128xi32, #tpu.memory_space<hbm>>
    %dma_wait3A_163 = arith.constant 0 : i32
    %dma_wait3A_164 = tpu.memref_slice %arg5[%add3A_146, %dma_wait3A_163] : memref<32768x128xi32, #tpu.memory_space<hbm>> -> memref<128x128xi32, #tpu.memory_space<hbm>>
    tpu.wait_dma2 semaphore(%arg15 : memref<!tpu.dma_semaphore, #tpu.memory_space<semaphore_mem>>) src(%arg9 : memref<128x128xi32, #tpu.memory_space<vmem>>) dst(%dma_wait3A_164 : memref<128x128xi32, #tpu.memory_space<hbm>>)
    %dma_wait3A_165 = arith.constant 0 : i32
    %dma_wait3A_166 = tpu.memref_slice %arg6[%add3A_146, %dma_wait3A_165] : memref<32768x128xf32, #tpu.memory_space<hbm>> -> memref<128x128xf32, #tpu.memory_space<hbm>>
    %dma_wait3A_167 = arith.constant 0 : i32
    %dma_wait3A_168 = tpu.memref_slice %arg6[%add3A_146, %dma_wait3A_167] : memref<32768x128xf32, #tpu.memory_space<hbm>> -> memref<128x128xf32, #tpu.memory_space<hbm>>
    tpu.wait_dma2 semaphore(%arg15 : memref<!tpu.dma_semaphore, #tpu.memory_space<semaphore_mem>>) src(%arg11 : memref<128x128xf32, #tpu.memory_space<vmem>>) dst(%dma_wait3A_168 : memref<128x128xf32, #tpu.memory_space<hbm>>)
    %add3A_169 = arith.constant 768 : i32
    %add3A_170 = arith.addi %mul3A_2, %add3A_169 : i32
    "tpu.region"() ({
      %run_scoped3A = tpu.sem_alloc : memref<!tpu.dma_semaphore, #tpu.memory_space<semaphore_mem>>
      %dma_start3A_257 = tpu.memref_slice %arg4[%add3A_170] : memref<32768xi32, #tpu.memory_space<hbm>> -> memref<128xi32, #tpu.memory_space<hbm>>
      %dma_start3A_258 = tpu.memref_slice %arg4[%add3A_170] : memref<32768xi32, #tpu.memory_space<hbm>> -> memref<128xi32, #tpu.memory_space<hbm>>
      tpu.enqueue_dma source(%dma_start3A_258 : memref<128xi32, #tpu.memory_space<hbm>>) target(%arg7 : memref<128xi32, #tpu.memory_space<vmem>>) target_semaphore(%run_scoped3A : memref<!tpu.dma_semaphore, #tpu.memory_space<semaphore_mem>>)
      %dma_wait3A_259 = tpu.memref_slice %arg4[%add3A_170] : memref<32768xi32, #tpu.memory_space<hbm>> -> memref<128xi32, #tpu.memory_space<hbm>>
      %dma_wait3A_260 = tpu.memref_slice %arg4[%add3A_170] : memref<32768xi32, #tpu.memory_space<hbm>> -> memref<128xi32, #tpu.memory_space<hbm>>
      tpu.wait_dma2 semaphore(%run_scoped3A : memref<!tpu.dma_semaphore, #tpu.memory_space<semaphore_mem>>) src(%dma_wait3A_260 : memref<128xi32, #tpu.memory_space<hbm>>) dst(%arg7 : memref<128xi32, #tpu.memory_space<vmem>>)
      tpu.yield
    }) : () -> ()
    %dma_start3A_171 = arith.constant 0 : i32
    %dma_start3A_172 = arith.constant 0 : i32
    %dma_start3A_173 = tpu.memref_slice %arg2[%dma_start3A_171, %dma_start3A_172] : memref<2048x128xi32, #tpu.memory_space<hbm>> -> memref<2048x128xi32, #tpu.memory_space<hbm>>
    tpu.enqueue_indirect_dma source(%dma_start3A_173 : memref<2048x128xi32, #tpu.memory_space<hbm>>) target(%arg9 : memref<128x128xi32, #tpu.memory_space<vmem>>) offsets(%arg7 : memref<128xi32, #tpu.memory_space<vmem>>) semaphore(%arg13 : memref<!tpu.dma_semaphore, #tpu.memory_space<semaphore_mem>>)
    %dma_start3A_174 = arith.constant 0 : i32
    %dma_start3A_175 = arith.constant 0 : i32
    %dma_start3A_176 = tpu.memref_slice %arg3[%dma_start3A_174, %dma_start3A_175] : memref<2048x128xf32, #tpu.memory_space<hbm>> -> memref<2048x128xf32, #tpu.memory_space<hbm>>
    tpu.enqueue_indirect_dma source(%dma_start3A_176 : memref<2048x128xf32, #tpu.memory_space<hbm>>) target(%arg11 : memref<128x128xf32, #tpu.memory_space<vmem>>) offsets(%arg7 : memref<128xi32, #tpu.memory_space<vmem>>) semaphore(%arg13 : memref<!tpu.dma_semaphore, #tpu.memory_space<semaphore_mem>>)
    %add3A_177 = arith.constant 640 : i32
    %add3A_178 = arith.addi %mul3A_2, %add3A_177 : i32
    %dma_wait3A_179 = arith.constant 0 : i32
    %dma_wait3A_180 = arith.constant 0 : i32
    %dma_wait3A_181 = tpu.memref_slice %arg2[%dma_wait3A_179, %dma_wait3A_180] : memref<2048x128xi32, #tpu.memory_space<hbm>> -> memref<2048x128xi32, #tpu.memory_space<hbm>>
    tpu.wait_indirect_dma semaphore(%arg14 : memref<!tpu.dma_semaphore, #tpu.memory_space<semaphore_mem>>) src(%dma_wait3A_181 : memref<2048x128xi32, #tpu.memory_space<hbm>>) dst(%arg10 : memref<128x128xi32, #tpu.memory_space<vmem>>)
    %dma_wait3A_182 = arith.constant 0 : i32
    %dma_wait3A_183 = arith.constant 0 : i32
    %dma_wait3A_184 = tpu.memref_slice %arg3[%dma_wait3A_182, %dma_wait3A_183] : memref<2048x128xf32, #tpu.memory_space<hbm>> -> memref<2048x128xf32, #tpu.memory_space<hbm>>
    tpu.wait_indirect_dma semaphore(%arg14 : memref<!tpu.dma_semaphore, #tpu.memory_space<semaphore_mem>>) src(%dma_wait3A_184 : memref<2048x128xf32, #tpu.memory_space<hbm>>) dst(%arg12 : memref<128x128xf32, #tpu.memory_space<vmem>>)
    %dma_start3A_185 = arith.constant 0 : i32
    %dma_start3A_186 = tpu.memref_slice %arg5[%add3A_178, %dma_start3A_185] : memref<32768x128xi32, #tpu.memory_space<hbm>> -> memref<128x128xi32, #tpu.memory_space<hbm>>
    %dma_start3A_187 = arith.constant 0 : i32
    %dma_start3A_188 = tpu.memref_slice %arg5[%add3A_178, %dma_start3A_187] : memref<32768x128xi32, #tpu.memory_space<hbm>> -> memref<128x128xi32, #tpu.memory_space<hbm>>
    tpu.enqueue_dma source(%arg10 : memref<128x128xi32, #tpu.memory_space<vmem>>) target(%dma_start3A_188 : memref<128x128xi32, #tpu.memory_space<hbm>>) target_semaphore(%arg16 : memref<!tpu.dma_semaphore, #tpu.memory_space<semaphore_mem>>)
    %dma_start3A_189 = arith.constant 0 : i32
    %dma_start3A_190 = tpu.memref_slice %arg6[%add3A_178, %dma_start3A_189] : memref<32768x128xf32, #tpu.memory_space<hbm>> -> memref<128x128xf32, #tpu.memory_space<hbm>>
    %dma_start3A_191 = arith.constant 0 : i32
    %dma_start3A_192 = tpu.memref_slice %arg6[%add3A_178, %dma_start3A_191] : memref<32768x128xf32, #tpu.memory_space<hbm>> -> memref<128x128xf32, #tpu.memory_space<hbm>>
    tpu.enqueue_dma source(%arg12 : memref<128x128xf32, #tpu.memory_space<vmem>>) target(%dma_start3A_192 : memref<128x128xf32, #tpu.memory_space<hbm>>) target_semaphore(%arg16 : memref<!tpu.dma_semaphore, #tpu.memory_space<semaphore_mem>>)
    %dma_wait3A_193 = arith.constant 0 : i32
    %dma_wait3A_194 = tpu.memref_slice %arg5[%add3A_178, %dma_wait3A_193] : memref<32768x128xi32, #tpu.memory_space<hbm>> -> memref<128x128xi32, #tpu.memory_space<hbm>>
    %dma_wait3A_195 = arith.constant 0 : i32
    %dma_wait3A_196 = tpu.memref_slice %arg5[%add3A_178, %dma_wait3A_195] : memref<32768x128xi32, #tpu.memory_space<hbm>> -> memref<128x128xi32, #tpu.memory_space<hbm>>
    tpu.wait_dma2 semaphore(%arg16 : memref<!tpu.dma_semaphore, #tpu.memory_space<semaphore_mem>>) src(%arg10 : memref<128x128xi32, #tpu.memory_space<vmem>>) dst(%dma_wait3A_196 : memref<128x128xi32, #tpu.memory_space<hbm>>)
    %dma_wait3A_197 = arith.constant 0 : i32
    %dma_wait3A_198 = tpu.memref_slice %arg6[%add3A_178, %dma_wait3A_197] : memref<32768x128xf32, #tpu.memory_space<hbm>> -> memref<128x128xf32, #tpu.memory_space<hbm>>
    %dma_wait3A_199 = arith.constant 0 : i32
    %dma_wait3A_200 = tpu.memref_slice %arg6[%add3A_178, %dma_wait3A_199] : memref<32768x128xf32, #tpu.memory_space<hbm>> -> memref<128x128xf32, #tpu.memory_space<hbm>>
    tpu.wait_dma2 semaphore(%arg16 : memref<!tpu.dma_semaphore, #tpu.memory_space<semaphore_mem>>) src(%arg12 : memref<128x128xf32, #tpu.memory_space<vmem>>) dst(%dma_wait3A_200 : memref<128x128xf32, #tpu.memory_space<hbm>>)
    %add3A_201 = arith.constant 896 : i32
    %add3A_202 = arith.addi %mul3A_2, %add3A_201 : i32
    "tpu.region"() ({
      %run_scoped3A = tpu.sem_alloc : memref<!tpu.dma_semaphore, #tpu.memory_space<semaphore_mem>>
      %dma_start3A_257 = tpu.memref_slice %arg4[%add3A_202] : memref<32768xi32, #tpu.memory_space<hbm>> -> memref<128xi32, #tpu.memory_space<hbm>>
      %dma_start3A_258 = tpu.memref_slice %arg4[%add3A_202] : memref<32768xi32, #tpu.memory_space<hbm>> -> memref<128xi32, #tpu.memory_space<hbm>>
      tpu.enqueue_dma source(%dma_start3A_258 : memref<128xi32, #tpu.memory_space<hbm>>) target(%arg8 : memref<128xi32, #tpu.memory_space<vmem>>) target_semaphore(%run_scoped3A : memref<!tpu.dma_semaphore, #tpu.memory_space<semaphore_mem>>)
      %dma_wait3A_259 = tpu.memref_slice %arg4[%add3A_202] : memref<32768xi32, #tpu.memory_space<hbm>> -> memref<128xi32, #tpu.memory_space<hbm>>
      %dma_wait3A_260 = tpu.memref_slice %arg4[%add3A_202] : memref<32768xi32, #tpu.memory_space<hbm>> -> memref<128xi32, #tpu.memory_space<hbm>>
      tpu.wait_dma2 semaphore(%run_scoped3A : memref<!tpu.dma_semaphore, #tpu.memory_space<semaphore_mem>>) src(%dma_wait3A_260 : memref<128xi32, #tpu.memory_space<hbm>>) dst(%arg8 : memref<128xi32, #tpu.memory_space<vmem>>)
      tpu.yield
    }) : () -> ()
    %dma_start3A_203 = arith.constant 0 : i32
    %dma_start3A_204 = arith.constant 0 : i32
    %dma_start3A_205 = tpu.memref_slice %arg2[%dma_start3A_203, %dma_start3A_204] : memref<2048x128xi32, #tpu.memory_space<hbm>> -> memref<2048x128xi32, #tpu.memory_space<hbm>>
    tpu.enqueue_indirect_dma source(%dma_start3A_205 : memref<2048x128xi32, #tpu.memory_space<hbm>>) target(%arg10 : memref<128x128xi32, #tpu.memory_space<vmem>>) offsets(%arg8 : memref<128xi32, #tpu.memory_space<vmem>>) semaphore(%arg14 : memref<!tpu.dma_semaphore, #tpu.memory_space<semaphore_mem>>)
    %dma_start3A_206 = arith.constant 0 : i32
    %dma_start3A_207 = arith.constant 0 : i32
    %dma_start3A_208 = tpu.memref_slice %arg3[%dma_start3A_206, %dma_start3A_207] : memref<2048x128xf32, #tpu.memory_space<hbm>> -> memref<2048x128xf32, #tpu.memory_space<hbm>>
    tpu.enqueue_indirect_dma source(%dma_start3A_208 : memref<2048x128xf32, #tpu.memory_space<hbm>>) target(%arg12 : memref<128x128xf32, #tpu.memory_space<vmem>>) offsets(%arg8 : memref<128xi32, #tpu.memory_space<vmem>>) semaphore(%arg14 : memref<!tpu.dma_semaphore, #tpu.memory_space<semaphore_mem>>)
    %add3A_209 = arith.constant 768 : i32
    %add3A_210 = arith.addi %mul3A_2, %add3A_209 : i32
    %dma_wait3A_211 = arith.constant 0 : i32
    %dma_wait3A_212 = arith.constant 0 : i32
    %dma_wait3A_213 = tpu.memref_slice %arg2[%dma_wait3A_211, %dma_wait3A_212] : memref<2048x128xi32, #tpu.memory_space<hbm>> -> memref<2048x128xi32, #tpu.memory_space<hbm>>
    tpu.wait_indirect_dma semaphore(%arg13 : memref<!tpu.dma_semaphore, #tpu.memory_space<semaphore_mem>>) src(%dma_wait3A_213 : memref<2048x128xi32, #tpu.memory_space<hbm>>) dst(%arg9 : memref<128x128xi32, #tpu.memory_space<vmem>>)
    %dma_wait3A_214 = arith.constant 0 : i32
    %dma_wait3A_215 = arith.constant 0 : i32
    %dma_wait3A_216 = tpu.memref_slice %arg3[%dma_wait3A_214, %dma_wait3A_215] : memref<2048x128xf32, #tpu.memory_space<hbm>> -> memref<2048x128xf32, #tpu.memory_space<hbm>>
    tpu.wait_indirect_dma semaphore(%arg13 : memref<!tpu.dma_semaphore, #tpu.memory_space<semaphore_mem>>) src(%dma_wait3A_216 : memref<2048x128xf32, #tpu.memory_space<hbm>>) dst(%arg11 : memref<128x128xf32, #tpu.memory_space<vmem>>)
    %dma_start3A_217 = arith.constant 0 : i32
    %dma_start3A_218 = tpu.memref_slice %arg5[%add3A_210, %dma_start3A_217] : memref<32768x128xi32, #tpu.memory_space<hbm>> -> memref<128x128xi32, #tpu.memory_space<hbm>>
    %dma_start3A_219 = arith.constant 0 : i32
    %dma_start3A_220 = tpu.memref_slice %arg5[%add3A_210, %dma_start3A_219] : memref<32768x128xi32, #tpu.memory_space<hbm>> -> memref<128x128xi32, #tpu.memory_space<hbm>>
    tpu.enqueue_dma source(%arg9 : memref<128x128xi32, #tpu.memory_space<vmem>>) target(%dma_start3A_220 : memref<128x128xi32, #tpu.memory_space<hbm>>) target_semaphore(%arg15 : memref<!tpu.dma_semaphore, #tpu.memory_space<semaphore_mem>>)
    %dma_start3A_221 = arith.constant 0 : i32
    %dma_start3A_222 = tpu.memref_slice %arg6[%add3A_210, %dma_start3A_221] : memref<32768x128xf32, #tpu.memory_space<hbm>> -> memref<128x128xf32, #tpu.memory_space<hbm>>
    %dma_start3A_223 = arith.constant 0 : i32
    %dma_start3A_224 = tpu.memref_slice %arg6[%add3A_210, %dma_start3A_223] : memref<32768x128xf32, #tpu.memory_space<hbm>> -> memref<128x128xf32, #tpu.memory_space<hbm>>
    tpu.enqueue_dma source(%arg11 : memref<128x128xf32, #tpu.memory_space<vmem>>) target(%dma_start3A_224 : memref<128x128xf32, #tpu.memory_space<hbm>>) target_semaphore(%arg15 : memref<!tpu.dma_semaphore, #tpu.memory_space<semaphore_mem>>)
    %add3A_225 = arith.constant 896 : i32
    %add3A_226 = arith.addi %mul3A_2, %add3A_225 : i32
    %dma_wait3A_227 = arith.constant 0 : i32
    %dma_wait3A_228 = arith.constant 0 : i32
    %dma_wait3A_229 = tpu.memref_slice %arg2[%dma_wait3A_227, %dma_wait3A_228] : memref<2048x128xi32, #tpu.memory_space<hbm>> -> memref<2048x128xi32, #tpu.memory_space<hbm>>
    tpu.wait_indirect_dma semaphore(%arg14 : memref<!tpu.dma_semaphore, #tpu.memory_space<semaphore_mem>>) src(%dma_wait3A_229 : memref<2048x128xi32, #tpu.memory_space<hbm>>) dst(%arg10 : memref<128x128xi32, #tpu.memory_space<vmem>>)
    %dma_wait3A_230 = arith.constant 0 : i32
    %dma_wait3A_231 = arith.constant 0 : i32
    %dma_wait3A_232 = tpu.memref_slice %arg3[%dma_wait3A_230, %dma_wait3A_231] : memref<2048x128xf32, #tpu.memory_space<hbm>> -> memref<2048x128xf32, #tpu.memory_space<hbm>>
    tpu.wait_indirect_dma semaphore(%arg14 : memref<!tpu.dma_semaphore, #tpu.memory_space<semaphore_mem>>) src(%dma_wait3A_232 : memref<2048x128xf32, #tpu.memory_space<hbm>>) dst(%arg12 : memref<128x128xf32, #tpu.memory_space<vmem>>)
    %dma_start3A_233 = arith.constant 0 : i32
    %dma_start3A_234 = tpu.memref_slice %arg5[%add3A_226, %dma_start3A_233] : memref<32768x128xi32, #tpu.memory_space<hbm>> -> memref<128x128xi32, #tpu.memory_space<hbm>>
    %dma_start3A_235 = arith.constant 0 : i32
    %dma_start3A_236 = tpu.memref_slice %arg5[%add3A_226, %dma_start3A_235] : memref<32768x128xi32, #tpu.memory_space<hbm>> -> memref<128x128xi32, #tpu.memory_space<hbm>>
    tpu.enqueue_dma source(%arg10 : memref<128x128xi32, #tpu.memory_space<vmem>>) target(%dma_start3A_236 : memref<128x128xi32, #tpu.memory_space<hbm>>) target_semaphore(%arg16 : memref<!tpu.dma_semaphore, #tpu.memory_space<semaphore_mem>>)
    %dma_start3A_237 = arith.constant 0 : i32
    %dma_start3A_238 = tpu.memref_slice %arg6[%add3A_226, %dma_start3A_237] : memref<32768x128xf32, #tpu.memory_space<hbm>> -> memref<128x128xf32, #tpu.memory_space<hbm>>
    %dma_start3A_239 = arith.constant 0 : i32
    %dma_start3A_240 = tpu.memref_slice %arg6[%add3A_226, %dma_start3A_239] : memref<32768x128xf32, #tpu.memory_space<hbm>> -> memref<128x128xf32, #tpu.memory_space<hbm>>
    tpu.enqueue_dma source(%arg12 : memref<128x128xf32, #tpu.memory_space<vmem>>) target(%dma_start3A_240 : memref<128x128xf32, #tpu.memory_space<hbm>>) target_semaphore(%arg16 : memref<!tpu.dma_semaphore, #tpu.memory_space<semaphore_mem>>)
    %dma_wait3A_241 = arith.constant 0 : i32
    %dma_wait3A_242 = tpu.memref_slice %arg5[%add3A_210, %dma_wait3A_241] : memref<32768x128xi32, #tpu.memory_space<hbm>> -> memref<128x128xi32, #tpu.memory_space<hbm>>
    %dma_wait3A_243 = arith.constant 0 : i32
    %dma_wait3A_244 = tpu.memref_slice %arg5[%add3A_210, %dma_wait3A_243] : memref<32768x128xi32, #tpu.memory_space<hbm>> -> memref<128x128xi32, #tpu.memory_space<hbm>>
    tpu.wait_dma2 semaphore(%arg15 : memref<!tpu.dma_semaphore, #tpu.memory_space<semaphore_mem>>) src(%arg9 : memref<128x128xi32, #tpu.memory_space<vmem>>) dst(%dma_wait3A_244 : memref<128x128xi32, #tpu.memory_space<hbm>>)
    %dma_wait3A_245 = arith.constant 0 : i32
    %dma_wait3A_246 = tpu.memref_slice %arg6[%add3A_210, %dma_wait3A_245] : memref<32768x128xf32, #tpu.memory_space<hbm>> -> memref<128x128xf32, #tpu.memory_space<hbm>>
    %dma_wait3A_247 = arith.constant 0 : i32
    %dma_wait3A_248 = tpu.memref_slice %arg6[%add3A_210, %dma_wait3A_247] : memref<32768x128xf32, #tpu.memory_space<hbm>> -> memref<128x128xf32, #tpu.memory_space<hbm>>
    tpu.wait_dma2 semaphore(%arg15 : memref<!tpu.dma_semaphore, #tpu.memory_space<semaphore_mem>>) src(%arg11 : memref<128x128xf32, #tpu.memory_space<vmem>>) dst(%dma_wait3A_248 : memref<128x128xf32, #tpu.memory_space<hbm>>)
    %dma_wait3A_249 = arith.constant 0 : i32
    %dma_wait3A_250 = tpu.memref_slice %arg5[%add3A_226, %dma_wait3A_249] : memref<32768x128xi32, #tpu.memory_space<hbm>> -> memref<128x128xi32, #tpu.memory_space<hbm>>
    %dma_wait3A_251 = arith.constant 0 : i32
    %dma_wait3A_252 = tpu.memref_slice %arg5[%add3A_226, %dma_wait3A_251] : memref<32768x128xi32, #tpu.memory_space<hbm>> -> memref<128x128xi32, #tpu.memory_space<hbm>>
    tpu.wait_dma2 semaphore(%arg16 : memref<!tpu.dma_semaphore, #tpu.memory_space<semaphore_mem>>) src(%arg10 : memref<128x128xi32, #tpu.memory_space<vmem>>) dst(%dma_wait3A_252 : memref<128x128xi32, #tpu.memory_space<hbm>>)
    %dma_wait3A_253 = arith.constant 0 : i32
    %dma_wait3A_254 = tpu.memref_slice %arg6[%add3A_226, %dma_wait3A_253] : memref<32768x128xf32, #tpu.memory_space<hbm>> -> memref<128x128xf32, #tpu.memory_space<hbm>>
    %dma_wait3A_255 = arith.constant 0 : i32
    %dma_wait3A_256 = tpu.memref_slice %arg6[%add3A_226, %dma_wait3A_255] : memref<32768x128xf32, #tpu.memory_space<hbm>> -> memref<128x128xf32, #tpu.memory_space<hbm>>
    tpu.wait_dma2 semaphore(%arg16 : memref<!tpu.dma_semaphore, #tpu.memory_space<semaphore_mem>>) src(%arg12 : memref<128x128xf32, #tpu.memory_space<vmem>>) dst(%dma_wait3A_256 : memref<128x128xf32, #tpu.memory_space<hbm>>)
    return
  }
}

module attributes {stable_mosaic.version = 14 : i64} {
  func.func @_prep_body(%arg0: memref<256x256xf32, #tpu.memory_space<vmem>>, %arg1: memref<768x256xf32, #tpu.memory_space<vmem>>, %arg2: memref<1x256xf32, #tpu.memory_space<vmem>>, %arg3: memref<1x256xf32, #tpu.memory_space<vmem>>, %arg4: memref<256x256xf32, #tpu.memory_space<vmem>>, %arg5: memref<256x256xf32, #tpu.memory_space<vmem>>, %arg6: memref<1x256xf32, #tpu.memory_space<vmem>>) attributes {dimension_semantics = [], scalar_prefetch = 0 : i64, scratch_operands = 0 : i64, tpu.core_type = #tpu.core_type<tc>} {
    %get3A = arith.constant 512 : index
    %get3A_0 = arith.constant 0 : index
    %get3A_1 = vector.load %arg1[%get3A, %get3A_0] : memref<768x256xf32, #tpu.memory_space<vmem>>, vector<256x256xf32>
    %get3A_2 = arith.constant 0 : index
    %get3A_3 = arith.constant 0 : index
    %get3A_4 = vector.load %arg0[%get3A_2, %get3A_3] : memref<256x256xf32, #tpu.memory_space<vmem>>, vector<256x256xf32>
    %dot_general3A = arith.constant dense<0.000000e+00> : vector<256x256xf32>
    %dot_general3A_5 = tpu.matmul %get3A_4, %get3A_1, %dot_general3A {dimension_numbers = #tpu.dot_dimension_numbers<[1], [0], [0], [1], [0, 0, 1, 1], [], []>, transpose_lhs_hint = false} : vector<256x256xf32>, vector<256x256xf32>, vector<256x256xf32> -> vector<256x256xf32>
    %mul3A = arith.constant 5.000000e-01 : f32
    %mul3A_6 = vector.broadcast %mul3A : f32 to vector<256x256xf32>
    %mul3A_7 = arith.mulf %mul3A_6, %dot_general3A_5 : vector<256x256xf32>
    %swap3A = arith.constant 0 : index
    %swap3A_8 = arith.constant 0 : index
    %swap3A_9 = vector.load %arg4[%swap3A, %swap3A_8] : memref<256x256xf32, #tpu.memory_space<vmem>>, vector<256x256xf32>
    tpu.vector_store %arg4[%swap3A, %swap3A_8], %mul3A_7 {strides = array<i32>} : memref<256x256xf32, #tpu.memory_space<vmem>>, vector<256x256xf32>,
    %get3A_10 = arith.constant 0 : index
    %get3A_11 = arith.constant 0 : index
    %get3A_12 = vector.load %arg1[%get3A_10, %get3A_11] : memref<768x256xf32, #tpu.memory_space<vmem>>, vector<256x256xf32>
    %get3A_13 = arith.constant 256 : index
    %get3A_14 = arith.constant 0 : index
    %get3A_15 = vector.load %arg1[%get3A_13, %get3A_14] : memref<768x256xf32, #tpu.memory_space<vmem>>, vector<256x256xf32>
    %sub3A = arith.subf %get3A_12, %get3A_15 : vector<256x256xf32>
    %mul3A_16 = arith.constant 0.707106769 : f32
    %mul3A_17 = vector.broadcast %mul3A_16 : f32 to vector<256x256xf32>
    %mul3A_18 = arith.mulf %mul3A_17, %sub3A : vector<256x256xf32>
    %swap3A_19 = arith.constant 0 : index
    %swap3A_20 = arith.constant 0 : index
    %swap3A_21 = vector.load %arg5[%swap3A_19, %swap3A_20] : memref<256x256xf32, #tpu.memory_space<vmem>>, vector<256x256xf32>
    tpu.vector_store %arg5[%swap3A_19, %swap3A_20], %mul3A_18 {strides = array<i32>} : memref<256x256xf32, #tpu.memory_space<vmem>>, vector<256x256xf32>,
    %get3A_22 = arith.constant 0 : index
    %get3A_23 = arith.constant 0 : index
    %get3A_24 = vector.load %arg2[%get3A_22, %get3A_23] : memref<1x256xf32, #tpu.memory_space<vmem>>, vector<1x256xf32>
    %get3A_25 = arith.constant 0 : index
    %get3A_26 = arith.constant 0 : index
    %get3A_27 = vector.load %arg3[%get3A_25, %get3A_26] : memref<1x256xf32, #tpu.memory_space<vmem>>, vector<1x256xf32>
    %dot_general3A_28 = arith.constant dense<0.000000e+00> : vector<1x256xf32>
    %dot_general3A_29 = tpu.matmul %get3A_27, %get3A_1, %dot_general3A_28 {dimension_numbers = #tpu.dot_dimension_numbers<[1], [0], [0], [1], [0, 0, 1, 1], [], []>, transpose_lhs_hint = false} : vector<1x256xf32>, vector<256x256xf32>, vector<1x256xf32> -> vector<1x256xf32>
    %add3A = arith.addf %get3A_24, %dot_general3A_29 : vector<1x256xf32>
    %mul3A_30 = arith.constant 0.707106769 : f32
    %mul3A_31 = vector.broadcast %mul3A_30 : f32 to vector<1x256xf32>
    %mul3A_32 = arith.mulf %mul3A_31, %add3A : vector<1x256xf32>
    %swap3A_33 = arith.constant 0 : index
    %swap3A_34 = arith.constant 0 : index
    %swap3A_35 = vector.load %arg6[%swap3A_33, %swap3A_34] : memref<1x256xf32, #tpu.memory_space<vmem>>, vector<1x256xf32>
    tpu.vector_store %arg6[%swap3A_33, %swap3A_34], %mul3A_32 {strides = array<i32>} : memref<1x256xf32, #tpu.memory_space<vmem>>, vector<1x256xf32>,
    return
  }
}

module attributes {stable_mosaic.version = 14 : i64} {
  func.func @_ka_body(%arg0: i32, %arg1: i32, %arg2: memref<1x256x256xf32, #tpu.memory_space<vmem>>, %arg3: memref<1x1024x16xf32, #tpu.memory_space<vmem>>, %arg4: memref<1x256x16xf32, #tpu.memory_space<vmem>>, %arg5: memref<1x256xf32, #tpu.memory_space<vmem>>, %arg6: memref<1x256xf32, #tpu.memory_space<vmem>>, %arg7: memref<256x256xf32, #tpu.memory_space<vmem>>, %arg8: memref<256x256xf32, #tpu.memory_space<vmem>>, %arg9: memref<1x256xf32, #tpu.memory_space<vmem>>, %arg10: memref<1x256x256xf32, #tpu.memory_space<vmem>>, %arg11: memref<1x256x128xi32, #tpu.memory_space<vmem>>, %arg12: memref<1x256x128xf32, #tpu.memory_space<vmem>>, %arg13: memref<1x256x16xi32, #tpu.memory_space<vmem>>) attributes {dimension_semantics = [#tpu.dimension_semantics<arbitrary>, #tpu.dimension_semantics<arbitrary>], iteration_bounds = array<i64: 2, 4>, scalar_prefetch = 0 : i64, scratch_operands = 0 : i64, tpu.core_type = #tpu.core_type<tc>, window_params = [{transform_indices = @transform_0, window_bounds = array<i64: 1, 256, 256>}, {transform_indices = @transform_1, window_bounds = array<i64: 1, 1024, 16>}, {transform_indices = @transform_2, window_bounds = array<i64: 1, 256, 16>}, {pipeline_mode = #tpu.pipeline_mode<synchronous>, transform_indices = @transform_3, window_bounds = array<i64: 1, 256>}, {pipeline_mode = #tpu.pipeline_mode<synchronous>, transform_indices = @transform_4, window_bounds = array<i64: 1, 256>}, {pipeline_mode = #tpu.pipeline_mode<synchronous>, transform_indices = @transform_5, window_bounds = array<i64: 256, 256>}, {pipeline_mode = #tpu.pipeline_mode<synchronous>, transform_indices = @transform_6, window_bounds = array<i64: 256, 256>}, {pipeline_mode = #tpu.pipeline_mode<synchronous>, transform_indices = @transform_7, window_bounds = array<i64: 1, 256>}, {transform_indices = @transform_8, window_bounds = array<i64: 1, 256, 256>}, {transform_indices = @transform_9, window_bounds = array<i64: 1, 256, 128>}, {transform_indices = @transform_10, window_bounds = array<i64: 1, 256, 128>}, {transform_indices = @transform_11, window_bounds = array<i64: 1, 256, 16>}]} {
    %get3A = arith.constant 0 : index
    %get3A_0 = arith.constant 0 : index
    %get3A_1 = arith.constant 0 : index
    %get3A_2 = vector.load %arg3[%get3A, %get3A_0, %get3A_1] : memref<1x1024x16xf32, #tpu.memory_space<vmem>>, vector<1x1024x16xf32>
    %get3A_3 = vector.shape_cast %get3A_2 : vector<1x1024x16xf32> to vector<1024x16xf32>
    %get3A_4 = arith.constant 0 : index
    %get3A_5 = arith.constant 0 : index
    %get3A_6 = arith.constant 0 : index
    %get3A_7 = vector.load %arg4[%get3A_4, %get3A_5, %get3A_6] : memref<1x256x16xf32, #tpu.memory_space<vmem>>, vector<1x256x16xf32>
    %get3A_8 = vector.shape_cast %get3A_7 : vector<1x256x16xf32> to vector<256x16xf32>
    %get3A_9 = arith.constant 0 : index
    %get3A_10 = arith.constant 0 : index
    %get3A_11 = arith.constant 0 : index
    %get3A_12 = vector.load %arg2[%get3A_9, %get3A_10, %get3A_11] : memref<1x256x256xf32, #tpu.memory_space<vmem>>, vector<1x256x256xf32>
    %get3A_13 = vector.shape_cast %get3A_12 : vector<1x256x256xf32> to vector<256x256xf32>
    %reduce_sum3A = arith.constant dense<0.000000e+00> : vector<256xf32>
    %reduce_sum3A_14 = vector.multi_reduction <add>, %get3A_13, %reduce_sum3A [1] : vector<256x256xf32> to vector<256xf32>
    %broadcast_in_dim3A = vector.shape_cast %reduce_sum3A_14 : vector<256xf32> to vector<256x1xf32>
    %div3A = arith.constant 2.560000e+02 : f32
    %div3A_15 = vector.broadcast %div3A : f32 to vector<256x1xf32>
    %div3A_16 = arith.divf %broadcast_in_dim3A, %div3A_15 : vector<256x1xf32>
    %sub3A = vector.broadcast %div3A_16 : vector<256x1xf32> to vector<256x256xf32>
    %sub3A_17 = arith.subf %get3A_13, %sub3A : vector<256x256xf32>
    %integer_pow3A = arith.mulf %sub3A_17, %sub3A_17 : vector<256x256xf32>
    %reduce_sum3A_18 = arith.constant dense<0.000000e+00> : vector<256xf32>
    %reduce_sum3A_19 = vector.multi_reduction <add>, %integer_pow3A, %reduce_sum3A_18 [1] : vector<256x256xf32> to vector<256xf32>
    %broadcast_in_dim3A_20 = vector.shape_cast %reduce_sum3A_19 : vector<256xf32> to vector<256x1xf32>
    %div3A_21 = arith.constant 2.560000e+02 : f32
    %div3A_22 = vector.broadcast %div3A_21 : f32 to vector<256x1xf32>
    %div3A_23 = arith.divf %broadcast_in_dim3A_20, %div3A_22 : vector<256x1xf32>
    %sub3A_24 = vector.broadcast %div3A_16 : vector<256x1xf32> to vector<256x256xf32>
    %sub3A_25 = arith.subf %get3A_13, %sub3A_24 : vector<256x256xf32>
    %add3A = arith.constant 9.99999974E-6 : f32
    %add3A_26 = vector.broadcast %add3A : f32 to vector<256x1xf32>
    %add3A_27 = arith.addf %div3A_23, %add3A_26 : vector<256x1xf32>
    %sqrt3A = math.sqrt %add3A_27 : vector<256x1xf32>
    %div3A_28 = vector.broadcast %sqrt3A : vector<256x1xf32> to vector<256x256xf32>
    %div3A_29 = arith.divf %sub3A_25, %div3A_28 : vector<256x256xf32>
    %get3A_30 = arith.constant 0 : index
    %get3A_31 = arith.constant 0 : index
    %get3A_32 = vector.load %arg5[%get3A_30, %get3A_31] : memref<1x256xf32, #tpu.memory_space<vmem>>, vector<1x256xf32>
    %mul3A = vector.broadcast %get3A_32 : vector<1x256xf32> to vector<256x256xf32>
    %mul3A_33 = arith.mulf %div3A_29, %mul3A : vector<256x256xf32>
    %get3A_34 = arith.constant 0 : index
    %get3A_35 = arith.constant 0 : index
    %get3A_36 = vector.load %arg6[%get3A_34, %get3A_35] : memref<1x256xf32, #tpu.memory_space<vmem>>, vector<1x256xf32>
    %add3A_37 = vector.broadcast %get3A_36 : vector<1x256xf32> to vector<256x256xf32>
    %add3A_38 = arith.addf %mul3A_33, %add3A_37 : vector<256x256xf32>
    %get3A_39 = arith.constant 0 : index
    %get3A_40 = arith.constant 0 : index
    %get3A_41 = vector.load %arg7[%get3A_39, %get3A_40] : memref<256x256xf32, #tpu.memory_space<vmem>>, vector<256x256xf32>
    %dot_general3A = arith.constant dense<0.000000e+00> : vector<256x256xf32>
    %dot_general3A_42 = tpu.matmul %add3A_38, %get3A_41, %dot_general3A {dimension_numbers = #tpu.dot_dimension_numbers<[1], [0], [0], [1], [0, 0, 1, 1], [], []>, transpose_lhs_hint = false} : vector<256x256xf32>, vector<256x256xf32>, vector<256x256xf32> -> vector<256x256xf32>
    %get3A_43 = arith.constant 0 : index
    %get3A_44 = arith.constant 0 : index
    %get3A_45 = vector.load %arg9[%get3A_43, %get3A_44] : memref<1x256xf32, #tpu.memory_space<vmem>>, vector<1x256xf32>
    %add3A_46 = vector.broadcast %get3A_45 : vector<1x256xf32> to vector<256x256xf32>
    %add3A_47 = arith.addf %dot_general3A_42, %add3A_46 : vector<256x256xf32>
    %swap3A = arith.constant 0 : index
    %swap3A_48 = arith.constant 0 : index
    %swap3A_49 = arith.constant 0 : index
    %swap3A_50 = vector.load %arg10[%swap3A, %swap3A_48, %swap3A_49] : memref<1x256x256xf32, #tpu.memory_space<vmem>>, vector<1x256x256xf32>
    %swap3A_51 = vector.shape_cast %swap3A_50 : vector<1x256x256xf32> to vector<256x256xf32>
    %swap3A_52 = vector.shape_cast %add3A_47 : vector<256x256xf32> to vector<1x256x256xf32>
    tpu.vector_store %arg10[%swap3A, %swap3A_48, %swap3A_49], %swap3A_52 {strides = array<i32>} : memref<1x256x256xf32, #tpu.memory_space<vmem>>, vector<1x256x256xf32>,
    %get3A_53 = arith.constant 0 : index
    %get3A_54 = arith.constant 0 : index
    %get3A_55 = vector.load %arg8[%get3A_53, %get3A_54] : memref<256x256xf32, #tpu.memory_space<vmem>>, vector<256x256xf32>
    %dot_general3A_56 = arith.constant dense<0.000000e+00> : vector<256x256xf32>
    %dot_general3A_57 = tpu.matmul %add3A_38, %get3A_55, %dot_general3A_56 {dimension_numbers = #tpu.dot_dimension_numbers<[1], [0], [0], [1], [0, 0, 1, 1], [], []>, transpose_lhs_hint = false} : vector<256x256xf32>, vector<256x256xf32>, vector<256x256xf32> -> vector<256x256xf32>
    %slice3A = vector.extract_strided_slice %dot_general3A_57 {offsets = [0, 0], sizes = [256, 128], strides = [1, 1]} : vector<256x256xf32> to vector<256x128xf32>
    %convert_element_type3A = arith.truncf %slice3A : vector<256x128xf32> to vector<256x128xbf16>
    %convert_element_type3A_58 = arith.extf %convert_element_type3A : vector<256x128xbf16> to vector<256x128xf32>
    %bitcast_convert_type3A = tpu.bitcast %convert_element_type3A_58 : vector<256x128xf32> -> vector<256x128xi32>
    %slice3A_59 = vector.extract_strided_slice %dot_general3A_57 {offsets = [0, 128], sizes = [256, 128], strides = [1, 1]} : vector<256x256xf32> to vector<256x128xf32>
    %convert_element_type3A_60 = arith.truncf %slice3A_59 : vector<256x128xf32> to vector<256x128xbf16>
    %convert_element_type3A_61 = arith.extf %convert_element_type3A_60 : vector<256x128xbf16> to vector<256x128xf32>
    %bitcast_convert_type3A_62 = tpu.bitcast %convert_element_type3A_61 : vector<256x128xf32> -> vector<256x128xi32>
    %shift_right_logical3A = arith.constant 16 : i32
    %shift_right_logical3A_63 = vector.broadcast %shift_right_logical3A : i32 to vector<256x128xi32>
    %shift_right_logical3A_64 = arith.shrui %bitcast_convert_type3A_62, %shift_right_logical3A_63 : vector<256x128xi32>
    %or3A = arith.ori %bitcast_convert_type3A, %shift_right_logical3A_64 : vector<256x128xi32>
    %swap3A_65 = arith.constant 0 : index
    %swap3A_66 = arith.constant 0 : index
    %swap3A_67 = arith.constant 0 : index
    %swap3A_68 = vector.load %arg11[%swap3A_65, %swap3A_66, %swap3A_67] : memref<1x256x128xi32, #tpu.memory_space<vmem>>, vector<1x256x128xi32>
    %swap3A_69 = vector.shape_cast %swap3A_68 : vector<1x256x128xi32> to vector<256x128xi32>
    %swap3A_70 = vector.shape_cast %or3A : vector<256x128xi32> to vector<1x256x128xi32>
    tpu.vector_store %arg11[%swap3A_65, %swap3A_66, %swap3A_67], %swap3A_70 {strides = array<i32>} : memref<1x256x128xi32, #tpu.memory_space<vmem>>, vector<1x256x128xi32>,
    %broadcast_in_dim3A_71 = arith.constant 0.000000e+00 : f32
    %broadcast_in_dim3A_72 = vector.broadcast %broadcast_in_dim3A_71 : f32 to vector<256x112xf32>
    %concatenate3A = tpu.concatenate %get3A_8, %broadcast_in_dim3A_72 in 1 : vector<256x16xf32>, vector<256x112xf32> -> vector<256x128xf32>
    %swap3A_73 = arith.constant 0 : index
    %swap3A_74 = arith.constant 0 : index
    %swap3A_75 = arith.constant 0 : index
    %swap3A_76 = vector.load %arg12[%swap3A_73, %swap3A_74, %swap3A_75] : memref<1x256x128xf32, #tpu.memory_space<vmem>>, vector<1x256x128xf32>
    %swap3A_77 = vector.shape_cast %swap3A_76 : vector<1x256x128xf32> to vector<256x128xf32>
    %swap3A_78 = vector.shape_cast %concatenate3A : vector<256x128xf32> to vector<1x256x128xf32>
    tpu.vector_store %arg12[%swap3A_73, %swap3A_74, %swap3A_75], %swap3A_78 {strides = array<i32>} : memref<1x256x128xf32, #tpu.memory_space<vmem>>, vector<1x256x128xf32>,
    %mul3A_79 = arith.mulf %get3A_8, %get3A_8 : vector<256x16xf32>
    %reduce_sum3A_80 = arith.constant dense<0.000000e+00> : vector<256xf32>
    %reduce_sum3A_81 = vector.multi_reduction <add>, %mul3A_79, %reduce_sum3A_80 [1] : vector<256x16xf32> to vector<256xf32>
    %broadcast_in_dim3A_82 = vector.shape_cast %reduce_sum3A_81 : vector<256xf32> to vector<256x1xf32>
    %broadcast_in_dim3A_83 = arith.constant 1.000000e+00 : f32
    %broadcast_in_dim3A_84 = vector.broadcast %broadcast_in_dim3A_83 : f32 to vector<1x16xf32>
    %mul3A_85 = arith.mulf %get3A_3, %get3A_3 : vector<1024x16xf32>
    %dot_general3A_86 = arith.constant dense<0.000000e+00> : vector<1x1024xf32>
    %dot_general3A_87 = tpu.matmul %broadcast_in_dim3A_84, %mul3A_85, %dot_general3A_86 {dimension_numbers = #tpu.dot_dimension_numbers<[1], [1], [0], [0], [0, 0, 1, 0], [], []>, transpose_lhs_hint = false} : vector<1x16xf32>, vector<1024x16xf32>, vector<1x1024xf32> -> vector<1x1024xf32>
    %dot_general3A_88 = arith.constant dense<0.000000e+00> : vector<256x1024xf32>
    %dot_general3A_89 = tpu.matmul %get3A_8, %get3A_3, %dot_general3A_88 {dimension_numbers = #tpu.dot_dimension_numbers<[1], [1], [0], [0], [0, 0, 1, 0], [], []>, transpose_lhs_hint = false} : vector<256x16xf32>, vector<1024x16xf32>, vector<256x1024xf32> -> vector<256x1024xf32>
    %add3A_90 = vector.broadcast %broadcast_in_dim3A_82 : vector<256x1xf32> to vector<256x1024xf32>
    %add3A_91 = vector.broadcast %dot_general3A_87 : vector<1x1024xf32> to vector<256x1024xf32>
    %add3A_92 = arith.addf %add3A_90, %add3A_91 : vector<256x1024xf32>
    %mul3A_93 = arith.constant 2.000000e+00 : f32
    %mul3A_94 = vector.broadcast %mul3A_93 : f32 to vector<256x1024xf32>
    %mul3A_95 = arith.mulf %mul3A_94, %dot_general3A_89 : vector<256x1024xf32>
    %sub3A_96 = arith.subf %add3A_92, %mul3A_95 : vector<256x1024xf32>
    %iota3A = tpu.iota {dimensions = array<i32: 0>} : vector<256x1024xi32>
    %mul3A_97 = arith.constant 256 : i32
    %mul3A_98 = arith.muli %arg1, %mul3A_97 : i32
    %add3A_99 = vector.broadcast %mul3A_98 : i32 to vector<256x1024xi32>
    %add3A_100 = arith.addi %iota3A, %add3A_99 : vector<256x1024xi32>
    %iota3A_101 = tpu.iota {dimensions = array<i32: 1>} : vector<256x1024xi32>
    %eq3A = arith.cmpi eq, %add3A_100, %iota3A_101 : vector<256x1024xi32>
    %jit3A = arith.constant 1.000000e+09 : f32
    %broadcast_in_dim3A_102 = vector.broadcast %jit3A : f32 to vector<256x1024xf32>
    %select_n3A = arith.select %eq3A, %broadcast_in_dim3A_102, %sub3A_96 : vector<256x1024xi1>, vector<256x1024xf32>
    %bitcast_convert_type3A_103 = tpu.bitcast %select_n3A : vector<256x1024xf32> -> vector<256x1024xi32>
    %and3A = arith.constant -1024 : i32
    %and3A_104 = vector.broadcast %and3A : i32 to vector<256x1024xi32>
    %and3A_105 = arith.andi %bitcast_convert_type3A_103, %and3A_104 : vector<256x1024xi32>
    %or3A_106 = arith.ori %and3A_105, %iota3A_101 : vector<256x1024xi32>
    %slice3A_107 = vector.extract_strided_slice %or3A_106 {offsets = [0, 0], sizes = [256, 256], strides = [1, 1]} : vector<256x1024xi32> to vector<256x256xi32>
    %slice3A_108 = vector.extract_strided_slice %or3A_106 {offsets = [0, 256], sizes = [256, 256], strides = [1, 1]} : vector<256x1024xi32> to vector<256x256xi32>
    %slice3A_109 = vector.extract_strided_slice %or3A_106 {offsets = [0, 512], sizes = [256, 256], strides = [1, 1]} : vector<256x1024xi32> to vector<256x256xi32>
    %slice3A_110 = vector.extract_strided_slice %or3A_106 {offsets = [0, 768], sizes = [256, 256], strides = [1, 1]} : vector<256x1024xi32> to vector<256x256xi32>
    %min3A = arith.minsi %slice3A_107, %slice3A_108 : vector<256x256xi32>
    %max3A = arith.maxsi %slice3A_107, %slice3A_108 : vector<256x256xi32>
    %min3A_111 = arith.minsi %slice3A_109, %slice3A_110 : vector<256x256xi32>
    %max3A_112 = arith.maxsi %slice3A_109, %slice3A_110 : vector<256x256xi32>
    %min3A_113 = arith.minsi %min3A, %min3A_111 : vector<256x256xi32>
    %max3A_114 = arith.maxsi %min3A, %min3A_111 : vector<256x256xi32>
    %min3A_115 = arith.minsi %max3A, %max3A_112 : vector<256x256xi32>
    %max3A_116 = arith.maxsi %max3A, %max3A_112 : vector<256x256xi32>
    %min3A_117 = arith.minsi %min3A_115, %max3A_114 : vector<256x256xi32>
    %max3A_118 = arith.maxsi %min3A_115, %max3A_114 : vector<256x256xi32>
    %iota3A_119 = tpu.iota {dimensions = array<i32: 1>} : vector<256x16xi32>
    %broadcast_in_dim3A_120 = arith.constant 0 : i32
    %broadcast_in_dim3A_121 = vector.broadcast %broadcast_in_dim3A_120 : i32 to vector<256x16xi32>
    %reduce_min3A = arith.constant dense<2147483647> : vector<256xi32>
    %reduce_min3A_122 = vector.multi_reduction <minsi>, %min3A_113, %reduce_min3A [1] : vector<256x256xi32> to vector<256xi32>
    %broadcast_in_dim3A_123 = vector.shape_cast %reduce_min3A_122 : vector<256xi32> to vector<256x1xi32>
    %eq3A_124 = arith.constant 0 : i32
    %eq3A_125 = vector.broadcast %eq3A_124 : i32 to vector<256x16xi32>
    %eq3A_126 = arith.cmpi eq, %iota3A_119, %eq3A_125 : vector<256x16xi32>
    %and3A_127 = arith.constant 1023 : i32
    %and3A_128 = vector.broadcast %and3A_127 : i32 to vector<256x1xi32>
    %and3A_129 = arith.andi %broadcast_in_dim3A_123, %and3A_128 : vector<256x1xi32>
    %mul3A_130 = arith.constant 1024 : i32
    %mul3A_131 = arith.muli %arg0, %mul3A_130 : i32
    %add3A_132 = vector.broadcast %mul3A_131 : i32 to vector<256x1xi32>
    %add3A_133 = arith.addi %and3A_129, %add3A_132 : vector<256x1xi32>
    %broadcast_in_dim3A_134 = vector.shape_cast %add3A_133 : vector<256x1xi32> to vector<256x1xi32>
    %broadcast_in_dim3A_135 = vector.broadcast %broadcast_in_dim3A_134 : vector<256x1xi32> to vector<256x16xi32>
    %select_n3A_136 = arith.select %eq3A_126, %broadcast_in_dim3A_135, %broadcast_in_dim3A_121 : vector<256x16xi1>, vector<256x16xi32>
    %eq3A_137 = vector.broadcast %broadcast_in_dim3A_123 : vector<256x1xi32> to vector<256x256xi32>
    %eq3A_138 = arith.cmpi eq, %min3A_113, %eq3A_137 : vector<256x256xi32>
    %select_n3A_139 = arith.select %eq3A_138, %min3A_117, %min3A_113 : vector<256x256xi1>, vector<256x256xi32>
    %select_n3A_140 = arith.select %eq3A_138, %max3A_118, %min3A_117 : vector<256x256xi1>, vector<256x256xi32>
    %select_n3A_141 = arith.select %eq3A_138, %max3A_116, %max3A_118 : vector<256x256xi1>, vector<256x256xi32>
    %jit3A_142 = arith.constant 2147483647 : i32
    %broadcast_in_dim3A_143 = vector.broadcast %jit3A_142 : i32 to vector<256x256xi32>
    %select_n3A_144 = arith.select %eq3A_138, %broadcast_in_dim3A_143, %max3A_116 : vector<256x256xi1>, vector<256x256xi32>
    %reduce_min3A_145 = arith.constant dense<2147483647> : vector<256xi32>
    %reduce_min3A_146 = vector.multi_reduction <minsi>, %select_n3A_139, %reduce_min3A_145 [1] : vector<256x256xi32> to vector<256xi32>
    %broadcast_in_dim3A_147 = vector.shape_cast %reduce_min3A_146 : vector<256xi32> to vector<256x1xi32>
    %eq3A_148 = arith.constant 1 : i32
    %eq3A_149 = vector.broadcast %eq3A_148 : i32 to vector<256x16xi32>
    %eq3A_150 = arith.cmpi eq, %iota3A_119, %eq3A_149 : vector<256x16xi32>
    %and3A_151 = arith.constant 1023 : i32
    %and3A_152 = vector.broadcast %and3A_151 : i32 to vector<256x1xi32>
    %and3A_153 = arith.andi %broadcast_in_dim3A_147, %and3A_152 : vector<256x1xi32>
    %mul3A_154 = arith.constant 1024 : i32
    %mul3A_155 = arith.muli %arg0, %mul3A_154 : i32
    %add3A_156 = vector.broadcast %mul3A_155 : i32 to vector<256x1xi32>
    %add3A_157 = arith.addi %and3A_153, %add3A_156 : vector<256x1xi32>
    %broadcast_in_dim3A_158 = vector.shape_cast %add3A_157 : vector<256x1xi32> to vector<256x1xi32>
    %broadcast_in_dim3A_159 = vector.broadcast %broadcast_in_dim3A_158 : vector<256x1xi32> to vector<256x16xi32>
    %select_n3A_160 = arith.select %eq3A_150, %broadcast_in_dim3A_159, %select_n3A_136 : vector<256x16xi1>, vector<256x16xi32>
    %eq3A_161 = vector.broadcast %broadcast_in_dim3A_147 : vector<256x1xi32> to vector<256x256xi32>
    %eq3A_162 = arith.cmpi eq, %select_n3A_139, %eq3A_161 : vector<256x256xi32>
    %select_n3A_163 = arith.select %eq3A_162, %select_n3A_140, %select_n3A_139 : vector<256x256xi1>, vector<256x256xi32>
    %select_n3A_164 = arith.select %eq3A_162, %select_n3A_141, %select_n3A_140 : vector<256x256xi1>, vector<256x256xi32>
    %select_n3A_165 = arith.select %eq3A_162, %select_n3A_144, %select_n3A_141 : vector<256x256xi1>, vector<256x256xi32>
    %jit3A_166 = arith.constant 2147483647 : i32
    %broadcast_in_dim3A_167 = vector.broadcast %jit3A_166 : i32 to vector<256x256xi32>
    %select_n3A_168 = arith.select %eq3A_162, %broadcast_in_dim3A_167, %select_n3A_144 : vector<256x256xi1>, vector<256x256xi32>
    %reduce_min3A_169 = arith.constant dense<2147483647> : vector<256xi32>
    %reduce_min3A_170 = vector.multi_reduction <minsi>, %select_n3A_163, %reduce_min3A_169 [1] : vector<256x256xi32> to vector<256xi32>
    %broadcast_in_dim3A_171 = vector.shape_cast %reduce_min3A_170 : vector<256xi32> to vector<256x1xi32>
    %eq3A_172 = arith.constant 2 : i32
    %eq3A_173 = vector.broadcast %eq3A_172 : i32 to vector<256x16xi32>
    %eq3A_174 = arith.cmpi eq, %iota3A_119, %eq3A_173 : vector<256x16xi32>
    %and3A_175 = arith.constant 1023 : i32
    %and3A_176 = vector.broadcast %and3A_175 : i32 to vector<256x1xi32>
    %and3A_177 = arith.andi %broadcast_in_dim3A_171, %and3A_176 : vector<256x1xi32>
    %mul3A_178 = arith.constant 1024 : i32
    %mul3A_179 = arith.muli %arg0, %mul3A_178 : i32
    %add3A_180 = vector.broadcast %mul3A_179 : i32 to vector<256x1xi32>
    %add3A_181 = arith.addi %and3A_177, %add3A_180 : vector<256x1xi32>
    %broadcast_in_dim3A_182 = vector.shape_cast %add3A_181 : vector<256x1xi32> to vector<256x1xi32>
    %broadcast_in_dim3A_183 = vector.broadcast %broadcast_in_dim3A_182 : vector<256x1xi32> to vector<256x16xi32>
    %select_n3A_184 = arith.select %eq3A_174, %broadcast_in_dim3A_183, %select_n3A_160 : vector<256x16xi1>, vector<256x16xi32>
    %eq3A_185 = vector.broadcast %broadcast_in_dim3A_171 : vector<256x1xi32> to vector<256x256xi32>
    %eq3A_186 = arith.cmpi eq, %select_n3A_163, %eq3A_185 : vector<256x256xi32>
    %select_n3A_187 = arith.select %eq3A_186, %select_n3A_164, %select_n3A_163 : vector<256x256xi1>, vector<256x256xi32>
    %select_n3A_188 = arith.select %eq3A_186, %select_n3A_165, %select_n3A_164 : vector<256x256xi1>, vector<256x256xi32>
    %select_n3A_189 = arith.select %eq3A_186, %select_n3A_168, %select_n3A_165 : vector<256x256xi1>, vector<256x256xi32>
    %jit3A_190 = arith.constant 2147483647 : i32
    %broadcast_in_dim3A_191 = vector.broadcast %jit3A_190 : i32 to vector<256x256xi32>
    %select_n3A_192 = arith.select %eq3A_186, %broadcast_in_dim3A_191, %select_n3A_168 : vector<256x256xi1>, vector<256x256xi32>
    %reduce_min3A_193 = arith.constant dense<2147483647> : vector<256xi32>
    %reduce_min3A_194 = vector.multi_reduction <minsi>, %select_n3A_187, %reduce_min3A_193 [1] : vector<256x256xi32> to vector<256xi32>
    %broadcast_in_dim3A_195 = vector.shape_cast %reduce_min3A_194 : vector<256xi32> to vector<256x1xi32>
    %eq3A_196 = arith.constant 3 : i32
    %eq3A_197 = vector.broadcast %eq3A_196 : i32 to vector<256x16xi32>
    %eq3A_198 = arith.cmpi eq, %iota3A_119, %eq3A_197 : vector<256x16xi32>
    %and3A_199 = arith.constant 1023 : i32
    %and3A_200 = vector.broadcast %and3A_199 : i32 to vector<256x1xi32>
    %and3A_201 = arith.andi %broadcast_in_dim3A_195, %and3A_200 : vector<256x1xi32>
    %mul3A_202 = arith.constant 1024 : i32
    %mul3A_203 = arith.muli %arg0, %mul3A_202 : i32
    %add3A_204 = vector.broadcast %mul3A_203 : i32 to vector<256x1xi32>
    %add3A_205 = arith.addi %and3A_201, %add3A_204 : vector<256x1xi32>
    %broadcast_in_dim3A_206 = vector.shape_cast %add3A_205 : vector<256x1xi32> to vector<256x1xi32>
    %broadcast_in_dim3A_207 = vector.broadcast %broadcast_in_dim3A_206 : vector<256x1xi32> to vector<256x16xi32>
    %select_n3A_208 = arith.select %eq3A_198, %broadcast_in_dim3A_207, %select_n3A_184 : vector<256x16xi1>, vector<256x16xi32>
    %eq3A_209 = vector.broadcast %broadcast_in_dim3A_195 : vector<256x1xi32> to vector<256x256xi32>
    %eq3A_210 = arith.cmpi eq, %select_n3A_187, %eq3A_209 : vector<256x256xi32>
    %select_n3A_211 = arith.select %eq3A_210, %select_n3A_188, %select_n3A_187 : vector<256x256xi1>, vector<256x256xi32>
    %select_n3A_212 = arith.select %eq3A_210, %select_n3A_189, %select_n3A_188 : vector<256x256xi1>, vector<256x256xi32>
    %select_n3A_213 = arith.select %eq3A_210, %select_n3A_192, %select_n3A_189 : vector<256x256xi1>, vector<256x256xi32>
    %jit3A_214 = arith.constant 2147483647 : i32
    %broadcast_in_dim3A_215 = vector.broadcast %jit3A_214 : i32 to vector<256x256xi32>
    %select_n3A_216 = arith.select %eq3A_210, %broadcast_in_dim3A_215, %select_n3A_192 : vector<256x256xi1>, vector<256x256xi32>
    %reduce_min3A_217 = arith.constant dense<2147483647> : vector<256xi32>
    %reduce_min3A_218 = vector.multi_reduction <minsi>, %select_n3A_211, %reduce_min3A_217 [1] : vector<256x256xi32> to vector<256xi32>
    %broadcast_in_dim3A_219 = vector.shape_cast %reduce_min3A_218 : vector<256xi32> to vector<256x1xi32>
    %eq3A_220 = arith.constant 4 : i32
    %eq3A_221 = vector.broadcast %eq3A_220 : i32 to vector<256x16xi32>
    %eq3A_222 = arith.cmpi eq, %iota3A_119, %eq3A_221 : vector<256x16xi32>
    %and3A_223 = arith.constant 1023 : i32
    %and3A_224 = vector.broadcast %and3A_223 : i32 to vector<256x1xi32>
    %and3A_225 = arith.andi %broadcast_in_dim3A_219, %and3A_224 : vector<256x1xi32>
    %mul3A_226 = arith.constant 1024 : i32
    %mul3A_227 = arith.muli %arg0, %mul3A_226 : i32
    %add3A_228 = vector.broadcast %mul3A_227 : i32 to vector<256x1xi32>
    %add3A_229 = arith.addi %and3A_225, %add3A_228 : vector<256x1xi32>
    %broadcast_in_dim3A_230 = vector.shape_cast %add3A_229 : vector<256x1xi32> to vector<256x1xi32>
    %broadcast_in_dim3A_231 = vector.broadcast %broadcast_in_dim3A_230 : vector<256x1xi32> to vector<256x16xi32>
    %select_n3A_232 = arith.select %eq3A_222, %broadcast_in_dim3A_231, %select_n3A_208 : vector<256x16xi1>, vector<256x16xi32>
    %eq3A_233 = vector.broadcast %broadcast_in_dim3A_219 : vector<256x1xi32> to vector<256x256xi32>
    %eq3A_234 = arith.cmpi eq, %select_n3A_211, %eq3A_233 : vector<256x256xi32>
    %select_n3A_235 = arith.select %eq3A_234, %select_n3A_212, %select_n3A_211 : vector<256x256xi1>, vector<256x256xi32>
    %select_n3A_236 = arith.select %eq3A_234, %select_n3A_213, %select_n3A_212 : vector<256x256xi1>, vector<256x256xi32>
    %select_n3A_237 = arith.select %eq3A_234, %select_n3A_216, %select_n3A_213 : vector<256x256xi1>, vector<256x256xi32>
    %jit3A_238 = arith.constant 2147483647 : i32
    %broadcast_in_dim3A_239 = vector.broadcast %jit3A_238 : i32 to vector<256x256xi32>
    %select_n3A_240 = arith.select %eq3A_234, %broadcast_in_dim3A_239, %select_n3A_216 : vector<256x256xi1>, vector<256x256xi32>
    %reduce_min3A_241 = arith.constant dense<2147483647> : vector<256xi32>
    %reduce_min3A_242 = vector.multi_reduction <minsi>, %select_n3A_235, %reduce_min3A_241 [1] : vector<256x256xi32> to vector<256xi32>
    %broadcast_in_dim3A_243 = vector.shape_cast %reduce_min3A_242 : vector<256xi32> to vector<256x1xi32>
    %eq3A_244 = arith.constant 5 : i32
    %eq3A_245 = vector.broadcast %eq3A_244 : i32 to vector<256x16xi32>
    %eq3A_246 = arith.cmpi eq, %iota3A_119, %eq3A_245 : vector<256x16xi32>
    %and3A_247 = arith.constant 1023 : i32
    %and3A_248 = vector.broadcast %and3A_247 : i32 to vector<256x1xi32>
    %and3A_249 = arith.andi %broadcast_in_dim3A_243, %and3A_248 : vector<256x1xi32>
    %mul3A_250 = arith.constant 1024 : i32
    %mul3A_251 = arith.muli %arg0, %mul3A_250 : i32
    %add3A_252 = vector.broadcast %mul3A_251 : i32 to vector<256x1xi32>
    %add3A_253 = arith.addi %and3A_249, %add3A_252 : vector<256x1xi32>
    %broadcast_in_dim3A_254 = vector.shape_cast %add3A_253 : vector<256x1xi32> to vector<256x1xi32>
    %broadcast_in_dim3A_255 = vector.broadcast %broadcast_in_dim3A_254 : vector<256x1xi32> to vector<256x16xi32>
    %select_n3A_256 = arith.select %eq3A_246, %broadcast_in_dim3A_255, %select_n3A_232 : vector<256x16xi1>, vector<256x16xi32>
    %eq3A_257 = vector.broadcast %broadcast_in_dim3A_243 : vector<256x1xi32> to vector<256x256xi32>
    %eq3A_258 = arith.cmpi eq, %select_n3A_235, %eq3A_257 : vector<256x256xi32>
    %select_n3A_259 = arith.select %eq3A_258, %select_n3A_236, %select_n3A_235 : vector<256x256xi1>, vector<256x256xi32>
    %select_n3A_260 = arith.select %eq3A_258, %select_n3A_237, %select_n3A_236 : vector<256x256xi1>, vector<256x256xi32>
    %select_n3A_261 = arith.select %eq3A_258, %select_n3A_240, %select_n3A_237 : vector<256x256xi1>, vector<256x256xi32>
    %jit3A_262 = arith.constant 2147483647 : i32
    %broadcast_in_dim3A_263 = vector.broadcast %jit3A_262 : i32 to vector<256x256xi32>
    %select_n3A_264 = arith.select %eq3A_258, %broadcast_in_dim3A_263, %select_n3A_240 : vector<256x256xi1>, vector<256x256xi32>
    %reduce_min3A_265 = arith.constant dense<2147483647> : vector<256xi32>
    %reduce_min3A_266 = vector.multi_reduction <minsi>, %select_n3A_259, %reduce_min3A_265 [1] : vector<256x256xi32> to vector<256xi32>
    %broadcast_in_dim3A_267 = vector.shape_cast %reduce_min3A_266 : vector<256xi32> to vector<256x1xi32>
    %eq3A_268 = arith.constant 6 : i32
    %eq3A_269 = vector.broadcast %eq3A_268 : i32 to vector<256x16xi32>
    %eq3A_270 = arith.cmpi eq, %iota3A_119, %eq3A_269 : vector<256x16xi32>
    %and3A_271 = arith.constant 1023 : i32
    %and3A_272 = vector.broadcast %and3A_271 : i32 to vector<256x1xi32>
    %and3A_273 = arith.andi %broadcast_in_dim3A_267, %and3A_272 : vector<256x1xi32>
    %mul3A_274 = arith.constant 1024 : i32
    %mul3A_275 = arith.muli %arg0, %mul3A_274 : i32
    %add3A_276 = vector.broadcast %mul3A_275 : i32 to vector<256x1xi32>
    %add3A_277 = arith.addi %and3A_273, %add3A_276 : vector<256x1xi32>
    %broadcast_in_dim3A_278 = vector.shape_cast %add3A_277 : vector<256x1xi32> to vector<256x1xi32>
    %broadcast_in_dim3A_279 = vector.broadcast %broadcast_in_dim3A_278 : vector<256x1xi32> to vector<256x16xi32>
    %select_n3A_280 = arith.select %eq3A_270, %broadcast_in_dim3A_279, %select_n3A_256 : vector<256x16xi1>, vector<256x16xi32>
    %eq3A_281 = vector.broadcast %broadcast_in_dim3A_267 : vector<256x1xi32> to vector<256x256xi32>
    %eq3A_282 = arith.cmpi eq, %select_n3A_259, %eq3A_281 : vector<256x256xi32>
    %select_n3A_283 = arith.select %eq3A_282, %select_n3A_260, %select_n3A_259 : vector<256x256xi1>, vector<256x256xi32>
    %select_n3A_284 = arith.select %eq3A_282, %select_n3A_261, %select_n3A_260 : vector<256x256xi1>, vector<256x256xi32>
    %select_n3A_285 = arith.select %eq3A_282, %select_n3A_264, %select_n3A_261 : vector<256x256xi1>, vector<256x256xi32>
    %jit3A_286 = arith.constant 2147483647 : i32
    %broadcast_in_dim3A_287 = vector.broadcast %jit3A_286 : i32 to vector<256x256xi32>
    %select_n3A_288 = arith.select %eq3A_282, %broadcast_in_dim3A_287, %select_n3A_264 : vector<256x256xi1>, vector<256x256xi32>
    %reduce_min3A_289 = arith.constant dense<2147483647> : vector<256xi32>
    %reduce_min3A_290 = vector.multi_reduction <minsi>, %select_n3A_283, %reduce_min3A_289 [1] : vector<256x256xi32> to vector<256xi32>
    %broadcast_in_dim3A_291 = vector.shape_cast %reduce_min3A_290 : vector<256xi32> to vector<256x1xi32>
    %eq3A_292 = arith.constant 7 : i32
    %eq3A_293 = vector.broadcast %eq3A_292 : i32 to vector<256x16xi32>
    %eq3A_294 = arith.cmpi eq, %iota3A_119, %eq3A_293 : vector<256x16xi32>
    %and3A_295 = arith.constant 1023 : i32
    %and3A_296 = vector.broadcast %and3A_295 : i32 to vector<256x1xi32>
    %and3A_297 = arith.andi %broadcast_in_dim3A_291, %and3A_296 : vector<256x1xi32>
    %mul3A_298 = arith.constant 1024 : i32
    %mul3A_299 = arith.muli %arg0, %mul3A_298 : i32
    %add3A_300 = vector.broadcast %mul3A_299 : i32 to vector<256x1xi32>
    %add3A_301 = arith.addi %and3A_297, %add3A_300 : vector<256x1xi32>
    %broadcast_in_dim3A_302 = vector.shape_cast %add3A_301 : vector<256x1xi32> to vector<256x1xi32>
    %broadcast_in_dim3A_303 = vector.broadcast %broadcast_in_dim3A_302 : vector<256x1xi32> to vector<256x16xi32>
    %select_n3A_304 = arith.select %eq3A_294, %broadcast_in_dim3A_303, %select_n3A_280 : vector<256x16xi1>, vector<256x16xi32>
    %eq3A_305 = vector.broadcast %broadcast_in_dim3A_291 : vector<256x1xi32> to vector<256x256xi32>
    %eq3A_306 = arith.cmpi eq, %select_n3A_283, %eq3A_305 : vector<256x256xi32>
    %select_n3A_307 = arith.select %eq3A_306, %select_n3A_284, %select_n3A_283 : vector<256x256xi1>, vector<256x256xi32>
    %select_n3A_308 = arith.select %eq3A_306, %select_n3A_285, %select_n3A_284 : vector<256x256xi1>, vector<256x256xi32>
    %select_n3A_309 = arith.select %eq3A_306, %select_n3A_288, %select_n3A_285 : vector<256x256xi1>, vector<256x256xi32>
    %jit3A_310 = arith.constant 2147483647 : i32
    %broadcast_in_dim3A_311 = vector.broadcast %jit3A_310 : i32 to vector<256x256xi32>
    %select_n3A_312 = arith.select %eq3A_306, %broadcast_in_dim3A_311, %select_n3A_288 : vector<256x256xi1>, vector<256x256xi32>
    %reduce_min3A_313 = arith.constant dense<2147483647> : vector<256xi32>
    %reduce_min3A_314 = vector.multi_reduction <minsi>, %select_n3A_307, %reduce_min3A_313 [1] : vector<256x256xi32> to vector<256xi32>
    %broadcast_in_dim3A_315 = vector.shape_cast %reduce_min3A_314 : vector<256xi32> to vector<256x1xi32>
    %eq3A_316 = arith.constant 8 : i32
    %eq3A_317 = vector.broadcast %eq3A_316 : i32 to vector<256x16xi32>
    %eq3A_318 = arith.cmpi eq, %iota3A_119, %eq3A_317 : vector<256x16xi32>
    %and3A_319 = arith.constant 1023 : i32
    %and3A_320 = vector.broadcast %and3A_319 : i32 to vector<256x1xi32>
    %and3A_321 = arith.andi %broadcast_in_dim3A_315, %and3A_320 : vector<256x1xi32>
    %mul3A_322 = arith.constant 1024 : i32
    %mul3A_323 = arith.muli %arg0, %mul3A_322 : i32
    %add3A_324 = vector.broadcast %mul3A_323 : i32 to vector<256x1xi32>
    %add3A_325 = arith.addi %and3A_321, %add3A_324 : vector<256x1xi32>
    %broadcast_in_dim3A_326 = vector.shape_cast %add3A_325 : vector<256x1xi32> to vector<256x1xi32>
    %broadcast_in_dim3A_327 = vector.broadcast %broadcast_in_dim3A_326 : vector<256x1xi32> to vector<256x16xi32>
    %select_n3A_328 = arith.select %eq3A_318, %broadcast_in_dim3A_327, %select_n3A_304 : vector<256x16xi1>, vector<256x16xi32>
    %eq3A_329 = vector.broadcast %broadcast_in_dim3A_315 : vector<256x1xi32> to vector<256x256xi32>
    %eq3A_330 = arith.cmpi eq, %select_n3A_307, %eq3A_329 : vector<256x256xi32>
    %select_n3A_331 = arith.select %eq3A_330, %select_n3A_308, %select_n3A_307 : vector<256x256xi1>, vector<256x256xi32>
    %select_n3A_332 = arith.select %eq3A_330, %select_n3A_309, %select_n3A_308 : vector<256x256xi1>, vector<256x256xi32>
    %select_n3A_333 = arith.select %eq3A_330, %select_n3A_312, %select_n3A_309 : vector<256x256xi1>, vector<256x256xi32>
    %jit3A_334 = arith.constant 2147483647 : i32
    %broadcast_in_dim3A_335 = vector.broadcast %jit3A_334 : i32 to vector<256x256xi32>
    %select_n3A_336 = arith.select %eq3A_330, %broadcast_in_dim3A_335, %select_n3A_312 : vector<256x256xi1>, vector<256x256xi32>
    %reduce_min3A_337 = arith.constant dense<2147483647> : vector<256xi32>
    %reduce_min3A_338 = vector.multi_reduction <minsi>, %select_n3A_331, %reduce_min3A_337 [1] : vector<256x256xi32> to vector<256xi32>
    %broadcast_in_dim3A_339 = vector.shape_cast %reduce_min3A_338 : vector<256xi32> to vector<256x1xi32>
    %eq3A_340 = arith.constant 9 : i32
    %eq3A_341 = vector.broadcast %eq3A_340 : i32 to vector<256x16xi32>
    %eq3A_342 = arith.cmpi eq, %iota3A_119, %eq3A_341 : vector<256x16xi32>
    %and3A_343 = arith.constant 1023 : i32
    %and3A_344 = vector.broadcast %and3A_343 : i32 to vector<256x1xi32>
    %and3A_345 = arith.andi %broadcast_in_dim3A_339, %and3A_344 : vector<256x1xi32>
    %mul3A_346 = arith.constant 1024 : i32
    %mul3A_347 = arith.muli %arg0, %mul3A_346 : i32
    %add3A_348 = vector.broadcast %mul3A_347 : i32 to vector<256x1xi32>
    %add3A_349 = arith.addi %and3A_345, %add3A_348 : vector<256x1xi32>
    %broadcast_in_dim3A_350 = vector.shape_cast %add3A_349 : vector<256x1xi32> to vector<256x1xi32>
    %broadcast_in_dim3A_351 = vector.broadcast %broadcast_in_dim3A_350 : vector<256x1xi32> to vector<256x16xi32>
    %select_n3A_352 = arith.select %eq3A_342, %broadcast_in_dim3A_351, %select_n3A_328 : vector<256x16xi1>, vector<256x16xi32>
    %eq3A_353 = vector.broadcast %broadcast_in_dim3A_339 : vector<256x1xi32> to vector<256x256xi32>
    %eq3A_354 = arith.cmpi eq, %select_n3A_331, %eq3A_353 : vector<256x256xi32>
    %select_n3A_355 = arith.select %eq3A_354, %select_n3A_332, %select_n3A_331 : vector<256x256xi1>, vector<256x256xi32>
    %select_n3A_356 = arith.select %eq3A_354, %select_n3A_333, %select_n3A_332 : vector<256x256xi1>, vector<256x256xi32>
    %select_n3A_357 = arith.select %eq3A_354, %select_n3A_336, %select_n3A_333 : vector<256x256xi1>, vector<256x256xi32>
    %jit3A_358 = arith.constant 2147483647 : i32
    %broadcast_in_dim3A_359 = vector.broadcast %jit3A_358 : i32 to vector<256x256xi32>
    %select_n3A_360 = arith.select %eq3A_354, %broadcast_in_dim3A_359, %select_n3A_336 : vector<256x256xi1>, vector<256x256xi32>
    %reduce_min3A_361 = arith.constant dense<2147483647> : vector<256xi32>
    %reduce_min3A_362 = vector.multi_reduction <minsi>, %select_n3A_355, %reduce_min3A_361 [1] : vector<256x256xi32> to vector<256xi32>
    %broadcast_in_dim3A_363 = vector.shape_cast %reduce_min3A_362 : vector<256xi32> to vector<256x1xi32>
    %eq3A_364 = arith.constant 10 : i32
    %eq3A_365 = vector.broadcast %eq3A_364 : i32 to vector<256x16xi32>
    %eq3A_366 = arith.cmpi eq, %iota3A_119, %eq3A_365 : vector<256x16xi32>
    %and3A_367 = arith.constant 1023 : i32
    %and3A_368 = vector.broadcast %and3A_367 : i32 to vector<256x1xi32>
    %and3A_369 = arith.andi %broadcast_in_dim3A_363, %and3A_368 : vector<256x1xi32>
    %mul3A_370 = arith.constant 1024 : i32
    %mul3A_371 = arith.muli %arg0, %mul3A_370 : i32
    %add3A_372 = vector.broadcast %mul3A_371 : i32 to vector<256x1xi32>
    %add3A_373 = arith.addi %and3A_369, %add3A_372 : vector<256x1xi32>
    %broadcast_in_dim3A_374 = vector.shape_cast %add3A_373 : vector<256x1xi32> to vector<256x1xi32>
    %broadcast_in_dim3A_375 = vector.broadcast %broadcast_in_dim3A_374 : vector<256x1xi32> to vector<256x16xi32>
    %select_n3A_376 = arith.select %eq3A_366, %broadcast_in_dim3A_375, %select_n3A_352 : vector<256x16xi1>, vector<256x16xi32>
    %eq3A_377 = vector.broadcast %broadcast_in_dim3A_363 : vector<256x1xi32> to vector<256x256xi32>
    %eq3A_378 = arith.cmpi eq, %select_n3A_355, %eq3A_377 : vector<256x256xi32>
    %select_n3A_379 = arith.select %eq3A_378, %select_n3A_356, %select_n3A_355 : vector<256x256xi1>, vector<256x256xi32>
    %select_n3A_380 = arith.select %eq3A_378, %select_n3A_357, %select_n3A_356 : vector<256x256xi1>, vector<256x256xi32>
    %select_n3A_381 = arith.select %eq3A_378, %select_n3A_360, %select_n3A_357 : vector<256x256xi1>, vector<256x256xi32>
    %jit3A_382 = arith.constant 2147483647 : i32
    %broadcast_in_dim3A_383 = vector.broadcast %jit3A_382 : i32 to vector<256x256xi32>
    %select_n3A_384 = arith.select %eq3A_378, %broadcast_in_dim3A_383, %select_n3A_360 : vector<256x256xi1>, vector<256x256xi32>
    %reduce_min3A_385 = arith.constant dense<2147483647> : vector<256xi32>
    %reduce_min3A_386 = vector.multi_reduction <minsi>, %select_n3A_379, %reduce_min3A_385 [1] : vector<256x256xi32> to vector<256xi32>
    %broadcast_in_dim3A_387 = vector.shape_cast %reduce_min3A_386 : vector<256xi32> to vector<256x1xi32>
    %eq3A_388 = arith.constant 11 : i32
    %eq3A_389 = vector.broadcast %eq3A_388 : i32 to vector<256x16xi32>
    %eq3A_390 = arith.cmpi eq, %iota3A_119, %eq3A_389 : vector<256x16xi32>
    %and3A_391 = arith.constant 1023 : i32
    %and3A_392 = vector.broadcast %and3A_391 : i32 to vector<256x1xi32>
    %and3A_393 = arith.andi %broadcast_in_dim3A_387, %and3A_392 : vector<256x1xi32>
    %mul3A_394 = arith.constant 1024 : i32
    %mul3A_395 = arith.muli %arg0, %mul3A_394 : i32
    %add3A_396 = vector.broadcast %mul3A_395 : i32 to vector<256x1xi32>
    %add3A_397 = arith.addi %and3A_393, %add3A_396 : vector<256x1xi32>
    %broadcast_in_dim3A_398 = vector.shape_cast %add3A_397 : vector<256x1xi32> to vector<256x1xi32>
    %broadcast_in_dim3A_399 = vector.broadcast %broadcast_in_dim3A_398 : vector<256x1xi32> to vector<256x16xi32>
    %select_n3A_400 = arith.select %eq3A_390, %broadcast_in_dim3A_399, %select_n3A_376 : vector<256x16xi1>, vector<256x16xi32>
    %eq3A_401 = vector.broadcast %broadcast_in_dim3A_387 : vector<256x1xi32> to vector<256x256xi32>
    %eq3A_402 = arith.cmpi eq, %select_n3A_379, %eq3A_401 : vector<256x256xi32>
    %select_n3A_403 = arith.select %eq3A_402, %select_n3A_380, %select_n3A_379 : vector<256x256xi1>, vector<256x256xi32>
    %select_n3A_404 = arith.select %eq3A_402, %select_n3A_381, %select_n3A_380 : vector<256x256xi1>, vector<256x256xi32>
    %select_n3A_405 = arith.select %eq3A_402, %select_n3A_384, %select_n3A_381 : vector<256x256xi1>, vector<256x256xi32>
    %jit3A_406 = arith.constant 2147483647 : i32
    %broadcast_in_dim3A_407 = vector.broadcast %jit3A_406 : i32 to vector<256x256xi32>
    %select_n3A_408 = arith.select %eq3A_402, %broadcast_in_dim3A_407, %select_n3A_384 : vector<256x256xi1>, vector<256x256xi32>
    %reduce_min3A_409 = arith.constant dense<2147483647> : vector<256xi32>
    %reduce_min3A_410 = vector.multi_reduction <minsi>, %select_n3A_403, %reduce_min3A_409 [1] : vector<256x256xi32> to vector<256xi32>
    %broadcast_in_dim3A_411 = vector.shape_cast %reduce_min3A_410 : vector<256xi32> to vector<256x1xi32>
    %eq3A_412 = arith.constant 12 : i32
    %eq3A_413 = vector.broadcast %eq3A_412 : i32 to vector<256x16xi32>
    %eq3A_414 = arith.cmpi eq, %iota3A_119, %eq3A_413 : vector<256x16xi32>
    %and3A_415 = arith.constant 1023 : i32
    %and3A_416 = vector.broadcast %and3A_415 : i32 to vector<256x1xi32>
    %and3A_417 = arith.andi %broadcast_in_dim3A_411, %and3A_416 : vector<256x1xi32>
    %mul3A_418 = arith.constant 1024 : i32
    %mul3A_419 = arith.muli %arg0, %mul3A_418 : i32
    %add3A_420 = vector.broadcast %mul3A_419 : i32 to vector<256x1xi32>
    %add3A_421 = arith.addi %and3A_417, %add3A_420 : vector<256x1xi32>
    %broadcast_in_dim3A_422 = vector.shape_cast %add3A_421 : vector<256x1xi32> to vector<256x1xi32>
    %broadcast_in_dim3A_423 = vector.broadcast %broadcast_in_dim3A_422 : vector<256x1xi32> to vector<256x16xi32>
    %select_n3A_424 = arith.select %eq3A_414, %broadcast_in_dim3A_423, %select_n3A_400 : vector<256x16xi1>, vector<256x16xi32>
    %eq3A_425 = vector.broadcast %broadcast_in_dim3A_411 : vector<256x1xi32> to vector<256x256xi32>
    %eq3A_426 = arith.cmpi eq, %select_n3A_403, %eq3A_425 : vector<256x256xi32>
    %select_n3A_427 = arith.select %eq3A_426, %select_n3A_404, %select_n3A_403 : vector<256x256xi1>, vector<256x256xi32>
    %select_n3A_428 = arith.select %eq3A_426, %select_n3A_405, %select_n3A_404 : vector<256x256xi1>, vector<256x256xi32>
    %select_n3A_429 = arith.select %eq3A_426, %select_n3A_408, %select_n3A_405 : vector<256x256xi1>, vector<256x256xi32>
    %reduce_min3A_430 = arith.constant dense<2147483647> : vector<256xi32>
    %reduce_min3A_431 = vector.multi_reduction <minsi>, %select_n3A_427, %reduce_min3A_430 [1] : vector<256x256xi32> to vector<256xi32>
    %broadcast_in_dim3A_432 = vector.shape_cast %reduce_min3A_431 : vector<256xi32> to vector<256x1xi32>
    %eq3A_433 = arith.constant 13 : i32
    %eq3A_434 = vector.broadcast %eq3A_433 : i32 to vector<256x16xi32>
    %eq3A_435 = arith.cmpi eq, %iota3A_119, %eq3A_434 : vector<256x16xi32>
    %and3A_436 = arith.constant 1023 : i32
    %and3A_437 = vector.broadcast %and3A_436 : i32 to vector<256x1xi32>
    %and3A_438 = arith.andi %broadcast_in_dim3A_432, %and3A_437 : vector<256x1xi32>
    %mul3A_439 = arith.constant 1024 : i32
    %mul3A_440 = arith.muli %arg0, %mul3A_439 : i32
    %add3A_441 = vector.broadcast %mul3A_440 : i32 to vector<256x1xi32>
    %add3A_442 = arith.addi %and3A_438, %add3A_441 : vector<256x1xi32>
    %broadcast_in_dim3A_443 = vector.shape_cast %add3A_442 : vector<256x1xi32> to vector<256x1xi32>
    %broadcast_in_dim3A_444 = vector.broadcast %broadcast_in_dim3A_443 : vector<256x1xi32> to vector<256x16xi32>
    %select_n3A_445 = arith.select %eq3A_435, %broadcast_in_dim3A_444, %select_n3A_424 : vector<256x16xi1>, vector<256x16xi32>
    %eq3A_446 = vector.broadcast %broadcast_in_dim3A_432 : vector<256x1xi32> to vector<256x256xi32>
    %eq3A_447 = arith.cmpi eq, %select_n3A_427, %eq3A_446 : vector<256x256xi32>
    %select_n3A_448 = arith.select %eq3A_447, %select_n3A_428, %select_n3A_427 : vector<256x256xi1>, vector<256x256xi32>
    %select_n3A_449 = arith.select %eq3A_447, %select_n3A_429, %select_n3A_428 : vector<256x256xi1>, vector<256x256xi32>
    %reduce_min3A_450 = arith.constant dense<2147483647> : vector<256xi32>
    %reduce_min3A_451 = vector.multi_reduction <minsi>, %select_n3A_448, %reduce_min3A_450 [1] : vector<256x256xi32> to vector<256xi32>
    %broadcast_in_dim3A_452 = vector.shape_cast %reduce_min3A_451 : vector<256xi32> to vector<256x1xi32>
    %eq3A_453 = arith.constant 14 : i32
    %eq3A_454 = vector.broadcast %eq3A_453 : i32 to vector<256x16xi32>
    %eq3A_455 = arith.cmpi eq, %iota3A_119, %eq3A_454 : vector<256x16xi32>
    %and3A_456 = arith.constant 1023 : i32
    %and3A_457 = vector.broadcast %and3A_456 : i32 to vector<256x1xi32>
    %and3A_458 = arith.andi %broadcast_in_dim3A_452, %and3A_457 : vector<256x1xi32>
    %mul3A_459 = arith.constant 1024 : i32
    %mul3A_460 = arith.muli %arg0, %mul3A_459 : i32
    %add3A_461 = vector.broadcast %mul3A_460 : i32 to vector<256x1xi32>
    %add3A_462 = arith.addi %and3A_458, %add3A_461 : vector<256x1xi32>
    %broadcast_in_dim3A_463 = vector.shape_cast %add3A_462 : vector<256x1xi32> to vector<256x1xi32>
    %broadcast_in_dim3A_464 = vector.broadcast %broadcast_in_dim3A_463 : vector<256x1xi32> to vector<256x16xi32>
    %select_n3A_465 = arith.select %eq3A_455, %broadcast_in_dim3A_464, %select_n3A_445 : vector<256x16xi1>, vector<256x16xi32>
    %eq3A_466 = vector.broadcast %broadcast_in_dim3A_452 : vector<256x1xi32> to vector<256x256xi32>
    %eq3A_467 = arith.cmpi eq, %select_n3A_448, %eq3A_466 : vector<256x256xi32>
    %select_n3A_468 = arith.select %eq3A_467, %select_n3A_449, %select_n3A_448 : vector<256x256xi1>, vector<256x256xi32>
    %reduce_min3A_469 = arith.constant dense<2147483647> : vector<256xi32>
    %reduce_min3A_470 = vector.multi_reduction <minsi>, %select_n3A_468, %reduce_min3A_469 [1] : vector<256x256xi32> to vector<256xi32>
    %broadcast_in_dim3A_471 = vector.shape_cast %reduce_min3A_470 : vector<256xi32> to vector<256x1xi32>
    %eq3A_472 = arith.constant 15 : i32
    %eq3A_473 = vector.broadcast %eq3A_472 : i32 to vector<256x16xi32>
    %eq3A_474 = arith.cmpi eq, %iota3A_119, %eq3A_473 : vector<256x16xi32>
    %and3A_475 = arith.constant 1023 : i32
    %and3A_476 = vector.broadcast %and3A_475 : i32 to vector<256x1xi32>
    %and3A_477 = arith.andi %broadcast_in_dim3A_471, %and3A_476 : vector<256x1xi32>
    %mul3A_478 = arith.constant 1024 : i32
    %mul3A_479 = arith.muli %arg0, %mul3A_478 : i32
    %add3A_480 = vector.broadcast %mul3A_479 : i32 to vector<256x1xi32>
    %add3A_481 = arith.addi %and3A_477, %add3A_480 : vector<256x1xi32>
    %broadcast_in_dim3A_482 = vector.shape_cast %add3A_481 : vector<256x1xi32> to vector<256x1xi32>
    %broadcast_in_dim3A_483 = vector.broadcast %broadcast_in_dim3A_482 : vector<256x1xi32> to vector<256x16xi32>
    %select_n3A_484 = arith.select %eq3A_474, %broadcast_in_dim3A_483, %select_n3A_465 : vector<256x16xi1>, vector<256x16xi32>
    %swap3A_485 = arith.constant 0 : index
    %swap3A_486 = arith.constant 0 : index
    %swap3A_487 = arith.constant 0 : index
    %swap3A_488 = vector.load %arg13[%swap3A_485, %swap3A_486, %swap3A_487] : memref<1x256x16xi32, #tpu.memory_space<vmem>>, vector<1x256x16xi32>
    %swap3A_489 = vector.shape_cast %swap3A_488 : vector<1x256x16xi32> to vector<256x16xi32>
    %swap3A_490 = vector.shape_cast %select_n3A_484 : vector<256x16xi32> to vector<1x256x16xi32>
    tpu.vector_store %arg13[%swap3A_485, %swap3A_486, %swap3A_487], %swap3A_490 {strides = array<i32>} : memref<1x256x16xi32, #tpu.memory_space<vmem>>, vector<1x256x16xi32>,
    return
  }
  func.func @transform_0(%arg0: i32, %arg1: i32) -> (i32, i32, i32) {
    %c0_i32 = arith.constant 0 : i32
    %c0_i32_0 = arith.constant 0 : i32
    return %arg0, %arg1, %c0_i32 : i32, i32, i32
  }
  func.func @transform_1(%arg0: i32, %arg1: i32) -> (i32, i32, i32) {
    %c0_i32 = arith.constant 0 : i32
    %c0_i32_0 = arith.constant 0 : i32
    %c0_i32_1 = arith.constant 0 : i32
    return %arg0, %c0_i32, %c0_i32_0 : i32, i32, i32
  }
  func.func @transform_2(%arg0: i32, %arg1: i32) -> (i32, i32, i32) {
    %c0_i32 = arith.constant 0 : i32
    %c0_i32_0 = arith.constant 0 : i32
    return %arg0, %arg1, %c0_i32 : i32, i32, i32
  }
  func.func @transform_3(%arg0: i32, %arg1: i32) -> (i32, i32) {
    %c0_i32 = arith.constant 0 : i32
    %c0_i32_0 = arith.constant 0 : i32
    %c0_i32_1 = arith.constant 0 : i32
    return %c0_i32, %c0_i32_0 : i32, i32
  }
  func.func @transform_4(%arg0: i32, %arg1: i32) -> (i32, i32) {
    %c0_i32 = arith.constant 0 : i32
    %c0_i32_0 = arith.constant 0 : i32
    %c0_i32_1 = arith.constant 0 : i32
    return %c0_i32, %c0_i32_0 : i32, i32
  }
  func.func @transform_5(%arg0: i32, %arg1: i32) -> (i32, i32) {
    %c0_i32 = arith.constant 0 : i32
    %c0_i32_0 = arith.constant 0 : i32
    %c0_i32_1 = arith.constant 0 : i32
    return %c0_i32, %c0_i32_0 : i32, i32
  }
  func.func @transform_6(%arg0: i32, %arg1: i32) -> (i32, i32) {
    %c0_i32 = arith.constant 0 : i32
    %c0_i32_0 = arith.constant 0 : i32
    %c0_i32_1 = arith.constant 0 : i32
    return %c0_i32, %c0_i32_0 : i32, i32
  }
  func.func @transform_7(%arg0: i32, %arg1: i32) -> (i32, i32) {
    %c0_i32 = arith.constant 0 : i32
    %c0_i32_0 = arith.constant 0 : i32
    %c0_i32_1 = arith.constant 0 : i32
    return %c0_i32, %c0_i32_0 : i32, i32
  }
  func.func @transform_8(%arg0: i32, %arg1: i32) -> (i32, i32, i32) {
    %c0_i32 = arith.constant 0 : i32
    %c0_i32_0 = arith.constant 0 : i32
    return %arg0, %arg1, %c0_i32 : i32, i32, i32
  }
  func.func @transform_9(%arg0: i32, %arg1: i32) -> (i32, i32, i32) {
    %c0_i32 = arith.constant 0 : i32
    %c0_i32_0 = arith.constant 0 : i32
    return %arg0, %arg1, %c0_i32 : i32, i32, i32
  }
  func.func @transform_10(%arg0: i32, %arg1: i32) -> (i32, i32, i32) {
    %c0_i32 = arith.constant 0 : i32
    %c0_i32_0 = arith.constant 0 : i32
    return %arg0, %arg1, %c0_i32 : i32, i32, i32
  }
  func.func @transform_11(%arg0: i32, %arg1: i32) -> (i32, i32, i32) {
    %c0_i32 = arith.constant 0 : i32
    %c0_i32_0 = arith.constant 0 : i32
    return %arg0, %arg1, %c0_i32 : i32, i32, i32
  }
}

module attributes {stable_mosaic.version = 14 : i64} {
  func.func @_kc_body(%arg0: i32, %arg1: memref<256x256xf32, #tpu.memory_space<vmem>>, %arg2: memref<256x256xf32, #tpu.memory_space<vmem>>, %arg3: memref<256x16xf32, #tpu.memory_space<vmem>>, %arg4: memref<4096x128xi32, #tpu.memory_space<vmem>>, %arg5: memref<4096x128xf32, #tpu.memory_space<vmem>>, %arg6: memref<16x256xf32, #tpu.memory_space<vmem>>, %arg7: memref<256x256xf32, #tpu.memory_space<vmem>>, %arg8: memref<256x256xf32, #tpu.memory_space<vmem>>, %arg9: memref<256x1024xf32, #tpu.memory_space<vmem>>, %arg10: memref<1024x256xf32, #tpu.memory_space<vmem>>, %arg11: memref<1x256xf32, #tpu.memory_space<vmem>>, %arg12: memref<1x256xf32, #tpu.memory_space<vmem>>, %arg13: memref<1x256xf32, #tpu.memory_space<vmem>>, %arg14: memref<1x1024xf32, #tpu.memory_space<vmem>>, %arg15: memref<1x256xf32, #tpu.memory_space<vmem>>, %arg16: memref<256x256xf32, #tpu.memory_space<vmem>>) attributes {dimension_semantics = [#tpu.dimension_semantics<arbitrary>], iteration_bounds = array<i64: 8>, scalar_prefetch = 0 : i64, scratch_operands = 0 : i64, tpu.core_type = #tpu.core_type<tc>, window_params = [{transform_indices = @transform_0, window_bounds = array<i64: 256, 256>}, {transform_indices = @transform_1, window_bounds = array<i64: 256, 256>}, {transform_indices = @transform_2, window_bounds = array<i64: 256, 16>}, {transform_indices = @transform_3, window_bounds = array<i64: 4096, 128>}, {transform_indices = @transform_4, window_bounds = array<i64: 4096, 128>}, {pipeline_mode = #tpu.pipeline_mode<synchronous>, transform_indices = @transform_5, window_bounds = array<i64: 16, 256>}, {pipeline_mode = #tpu.pipeline_mode<synchronous>, transform_indices = @transform_6, window_bounds = array<i64: 256, 256>}, {pipeline_mode = #tpu.pipeline_mode<synchronous>, transform_indices = @transform_7, window_bounds = array<i64: 256, 256>}, {pipeline_mode = #tpu.pipeline_mode<synchronous>, transform_indices = @transform_8, window_bounds = array<i64: 256, 1024>}, {pipeline_mode = #tpu.pipeline_mode<synchronous>, transform_indices = @transform_9, window_bounds = array<i64: 1024, 256>}, {pipeline_mode = #tpu.pipeline_mode<synchronous>, transform_indices = @transform_10, window_bounds = array<i64: 1, 256>}, {pipeline_mode = #tpu.pipeline_mode<synchronous>, transform_indices = @transform_11, window_bounds = array<i64: 1, 256>}, {pipeline_mode = #tpu.pipeline_mode<synchronous>, transform_indices = @transform_12, window_bounds = array<i64: 1, 256>}, {pipeline_mode = #tpu.pipeline_mode<synchronous>, transform_indices = @transform_13, window_bounds = array<i64: 1, 1024>}, {pipeline_mode = #tpu.pipeline_mode<synchronous>, transform_indices = @transform_14, window_bounds = array<i64: 1, 256>}, {transform_indices = @transform_15, window_bounds = array<i64: 256, 256>}]} {
    %iota3A = tpu.iota {dimensions = array<i32: 1>} : vector<256x16xi32>
    %eq3A = arith.constant 3 : i32
    %eq3A_0 = vector.broadcast %eq3A : i32 to vector<256x16xi32>
    %eq3A_1 = arith.cmpi eq, %iota3A, %eq3A_0 : vector<256x16xi32>
    %jit3A = arith.constant 1.000000e+00 : f32
    %jit3A_2 = arith.constant 0.000000e+00 : f32
    %broadcast_in_dim3A = vector.broadcast %jit3A : f32 to vector<256x16xf32>
    %broadcast_in_dim3A_3 = vector.broadcast %jit3A_2 : f32 to vector<256x16xf32>
    %select_n3A = arith.select %eq3A_1, %broadcast_in_dim3A, %broadcast_in_dim3A_3 : vector<256x16xi1>, vector<256x16xf32>
    %get3A = arith.constant 0 : index
    %get3A_4 = arith.constant 0 : index
    %get3A_5 = vector.load %arg5[%get3A, %get3A_4] : memref<4096x128xf32, #tpu.memory_space<vmem>>, vector<4096x16xf32>
    %reshape3A = vector.shape_cast %get3A_5 : vector<4096x16xf32> to vector<256x16x16xf32>
    %get3A_6 = arith.constant 0 : index
    %get3A_7 = arith.constant 0 : index
    %get3A_8 = vector.load %arg3[%get3A_6, %get3A_7] : memref<256x16xf32, #tpu.memory_space<vmem>>, vector<256x16xf32>
    %sub3A = arith.subf %get3A_8, %select_n3A : vector<256x16xf32>
    %broadcast_in_dim3A_9 = vector.shape_cast %sub3A : vector<256x16xf32> to vector<256x1x16xf32>
    %sub3A_10 = vector.broadcast %broadcast_in_dim3A_9 : vector<256x1x16xf32> to vector<256x16x16xf32>
    %sub3A_11 = arith.subf %reshape3A, %sub3A_10 : vector<256x16x16xf32>
    %reshape3A_12 = vector.shape_cast %sub3A_11 : vector<256x16x16xf32> to vector<4096x16xf32>
    %get3A_13 = arith.constant 0 : index
    %get3A_14 = arith.constant 0 : index
    %get3A_15 = vector.load %arg6[%get3A_13, %get3A_14] : memref<16x256xf32, #tpu.memory_space<vmem>>, vector<16x256xf32>
    %dot_general3A = arith.constant dense<0.000000e+00> : vector<4096x256xf32>
    %dot_general3A_16 = tpu.matmul %reshape3A_12, %get3A_15, %dot_general3A {dimension_numbers = #tpu.dot_dimension_numbers<[1], [0], [0], [1], [0, 0, 1, 1], [], []>, transpose_lhs_hint = false} : vector<4096x16xf32>, vector<16x256xf32>, vector<4096x256xf32> -> vector<4096x256xf32>
    %erf3A = math.erf %dot_general3A_16 : vector<4096x256xf32>
    %add3A = arith.constant 1.000000e+00 : f32
    %add3A_17 = vector.broadcast %add3A : f32 to vector<4096x256xf32>
    %add3A_18 = arith.addf %add3A_17, %erf3A : vector<4096x256xf32>
    %mul3A = arith.mulf %dot_general3A_16, %add3A_18 : vector<4096x256xf32>
    %get3A_19 = arith.constant 0 : index
    %get3A_20 = arith.constant 0 : index
    %get3A_21 = vector.load %arg7[%get3A_19, %get3A_20] : memref<256x256xf32, #tpu.memory_space<vmem>>, vector<256x256xf32>
    %dot_general3A_22 = arith.constant dense<0.000000e+00> : vector<4096x256xf32>
    %dot_general3A_23 = tpu.matmul %mul3A, %get3A_21, %dot_general3A_22 {dimension_numbers = #tpu.dot_dimension_numbers<[1], [0], [0], [1], [0, 0, 1, 1], [], []>, transpose_lhs_hint = false} : vector<4096x256xf32>, vector<256x256xf32>, vector<4096x256xf32> -> vector<4096x256xf32>
    %get3A_24 = arith.constant 0 : index
    %get3A_25 = arith.constant 0 : index
    %get3A_26 = vector.load %arg4[%get3A_24, %get3A_25] : memref<4096x128xi32, #tpu.memory_space<vmem>>, vector<4096x128xi32>
    %and3A = arith.constant -65536 : i32
    %and3A_27 = vector.broadcast %and3A : i32 to vector<4096x128xi32>
    %and3A_28 = arith.andi %get3A_26, %and3A_27 : vector<4096x128xi32>
    %bitcast_convert_type3A = tpu.bitcast %and3A_28 : vector<4096x128xi32> -> vector<4096x128xf32>
    %shift_left3A = arith.constant 16 : i32
    %shift_left3A_29 = vector.broadcast %shift_left3A : i32 to vector<4096x128xi32>
    %shift_left3A_30 = arith.shli %get3A_26, %shift_left3A_29 : vector<4096x128xi32>
    %bitcast_convert_type3A_31 = tpu.bitcast %shift_left3A_30 : vector<4096x128xi32> -> vector<4096x128xf32>
    %concatenate3A = tpu.concatenate %bitcast_convert_type3A, %bitcast_convert_type3A_31 in 1 : vector<4096x128xf32>, vector<4096x128xf32> -> vector<4096x256xf32>
    %reshape3A_32 = vector.shape_cast %dot_general3A_23 : vector<4096x256xf32> to vector<256x16x256xf32>
    %reshape3A_33 = vector.shape_cast %concatenate3A : vector<4096x256xf32> to vector<256x16x256xf32>
    %add3A_34 = arith.addf %reshape3A_32, %reshape3A_33 : vector<256x16x256xf32>
    %get3A_35 = arith.constant 0 : index
    %get3A_36 = arith.constant 0 : index
    %get3A_37 = vector.load %arg2[%get3A_35, %get3A_36] : memref<256x256xf32, #tpu.memory_space<vmem>>, vector<256x256xf32>
    %broadcast_in_dim3A_38 = vector.shape_cast %get3A_37 : vector<256x256xf32> to vector<256x1x256xf32>
    %add3A_39 = vector.broadcast %broadcast_in_dim3A_38 : vector<256x1x256xf32> to vector<256x16x256xf32>
    %add3A_40 = arith.addf %add3A_34, %add3A_39 : vector<256x16x256xf32>
    %erf3A_41 = math.erf %add3A_40 : vector<256x16x256xf32>
    %add3A_42 = arith.constant 1.000000e+00 : f32
    %add3A_43 = vector.broadcast %add3A_42 : f32 to vector<256x16x256xf32>
    %add3A_44 = arith.addf %add3A_43, %erf3A_41 : vector<256x16x256xf32>
    %mul3A_45 = arith.mulf %add3A_40, %add3A_44 : vector<256x16x256xf32>
    %reduce_sum3A = arith.constant dense<0.000000e+00> : vector<256x256xf32>
    %reduce_sum3A_46 = vector.multi_reduction <add>, %mul3A_45, %reduce_sum3A [1] : vector<256x16x256xf32> to vector<256x256xf32>
    %get3A_47 = arith.constant 0 : index
    %get3A_48 = arith.constant 0 : index
    %get3A_49 = vector.load %arg1[%get3A_47, %get3A_48] : memref<256x256xf32, #tpu.memory_space<vmem>>, vector<256x256xf32>
    %get3A_50 = arith.constant 0 : index
    %get3A_51 = arith.constant 0 : index
    %get3A_52 = vector.load %arg8[%get3A_50, %get3A_51] : memref<256x256xf32, #tpu.memory_space<vmem>>, vector<256x256xf32>
    %dot_general3A_53 = arith.constant dense<0.000000e+00> : vector<256x256xf32>
    %dot_general3A_54 = tpu.matmul %reduce_sum3A_46, %get3A_52, %dot_general3A_53 {dimension_numbers = #tpu.dot_dimension_numbers<[1], [0], [0], [1], [0, 0, 1, 1], [], []>, transpose_lhs_hint = false} : vector<256x256xf32>, vector<256x256xf32>, vector<256x256xf32> -> vector<256x256xf32>
    %add3A_55 = arith.addf %get3A_49, %dot_general3A_54 : vector<256x256xf32>
    %get3A_56 = arith.constant 0 : index
    %get3A_57 = arith.constant 0 : index
    %get3A_58 = vector.load %arg11[%get3A_56, %get3A_57] : memref<1x256xf32, #tpu.memory_space<vmem>>, vector<1x256xf32>
    %add3A_59 = vector.broadcast %get3A_58 : vector<1x256xf32> to vector<256x256xf32>
    %add3A_60 = arith.addf %add3A_55, %add3A_59 : vector<256x256xf32>
    %reduce_sum3A_61 = arith.constant dense<0.000000e+00> : vector<256xf32>
    %reduce_sum3A_62 = vector.multi_reduction <add>, %add3A_60, %reduce_sum3A_61 [1] : vector<256x256xf32> to vector<256xf32>
    %broadcast_in_dim3A_63 = vector.shape_cast %reduce_sum3A_62 : vector<256xf32> to vector<256x1xf32>
    %div3A = arith.constant 2.560000e+02 : f32
    %div3A_64 = vector.broadcast %div3A : f32 to vector<256x1xf32>
    %div3A_65 = arith.divf %broadcast_in_dim3A_63, %div3A_64 : vector<256x1xf32>
    %sub3A_66 = vector.broadcast %div3A_65 : vector<256x1xf32> to vector<256x256xf32>
    %sub3A_67 = arith.subf %add3A_60, %sub3A_66 : vector<256x256xf32>
    %integer_pow3A = arith.mulf %sub3A_67, %sub3A_67 : vector<256x256xf32>
    %reduce_sum3A_68 = arith.constant dense<0.000000e+00> : vector<256xf32>
    %reduce_sum3A_69 = vector.multi_reduction <add>, %integer_pow3A, %reduce_sum3A_68 [1] : vector<256x256xf32> to vector<256xf32>
    %broadcast_in_dim3A_70 = vector.shape_cast %reduce_sum3A_69 : vector<256xf32> to vector<256x1xf32>
    %div3A_71 = arith.constant 2.560000e+02 : f32
    %div3A_72 = vector.broadcast %div3A_71 : f32 to vector<256x1xf32>
    %div3A_73 = arith.divf %broadcast_in_dim3A_70, %div3A_72 : vector<256x1xf32>
    %sub3A_74 = vector.broadcast %div3A_65 : vector<256x1xf32> to vector<256x256xf32>
    %sub3A_75 = arith.subf %add3A_60, %sub3A_74 : vector<256x256xf32>
    %add3A_76 = arith.constant 9.99999974E-6 : f32
    %add3A_77 = vector.broadcast %add3A_76 : f32 to vector<256x1xf32>
    %add3A_78 = arith.addf %div3A_73, %add3A_77 : vector<256x1xf32>
    %sqrt3A = math.sqrt %add3A_78 : vector<256x1xf32>
    %div3A_79 = vector.broadcast %sqrt3A : vector<256x1xf32> to vector<256x256xf32>
    %div3A_80 = arith.divf %sub3A_75, %div3A_79 : vector<256x256xf32>
    %get3A_81 = arith.constant 0 : index
    %get3A_82 = arith.constant 0 : index
    %get3A_83 = vector.load %arg12[%get3A_81, %get3A_82] : memref<1x256xf32, #tpu.memory_space<vmem>>, vector<1x256xf32>
    %mul3A_84 = vector.broadcast %get3A_83 : vector<1x256xf32> to vector<256x256xf32>
    %mul3A_85 = arith.mulf %div3A_80, %mul3A_84 : vector<256x256xf32>
    %get3A_86 = arith.constant 0 : index
    %get3A_87 = arith.constant 0 : index
    %get3A_88 = vector.load %arg13[%get3A_86, %get3A_87] : memref<1x256xf32, #tpu.memory_space<vmem>>, vector<1x256xf32>
    %add3A_89 = vector.broadcast %get3A_88 : vector<1x256xf32> to vector<256x256xf32>
    %add3A_90 = arith.addf %mul3A_85, %add3A_89 : vector<256x256xf32>
    %get3A_91 = arith.constant 0 : index
    %get3A_92 = arith.constant 0 : index
    %get3A_93 = vector.load %arg9[%get3A_91, %get3A_92] : memref<256x1024xf32, #tpu.memory_space<vmem>>, vector<256x1024xf32>
    %dot_general3A_94 = arith.constant dense<0.000000e+00> : vector<256x1024xf32>
    %dot_general3A_95 = tpu.matmul %add3A_90, %get3A_93, %dot_general3A_94 {dimension_numbers = #tpu.dot_dimension_numbers<[1], [0], [0], [1], [0, 0, 1, 1], [], []>, transpose_lhs_hint = false} : vector<256x256xf32>, vector<256x1024xf32>, vector<256x1024xf32> -> vector<256x1024xf32>
    %get3A_96 = arith.constant 0 : index
    %get3A_97 = arith.constant 0 : index
    %get3A_98 = vector.load %arg14[%get3A_96, %get3A_97] : memref<1x1024xf32, #tpu.memory_space<vmem>>, vector<1x1024xf32>
    %add3A_99 = vector.broadcast %get3A_98 : vector<1x1024xf32> to vector<256x1024xf32>
    %add3A_100 = arith.addf %dot_general3A_95, %add3A_99 : vector<256x1024xf32>
    %erf3A_101 = math.erf %add3A_100 : vector<256x1024xf32>
    %add3A_102 = arith.constant 1.000000e+00 : f32
    %add3A_103 = vector.broadcast %add3A_102 : f32 to vector<256x1024xf32>
    %add3A_104 = arith.addf %add3A_103, %erf3A_101 : vector<256x1024xf32>
    %mul3A_105 = arith.mulf %add3A_100, %add3A_104 : vector<256x1024xf32>
    %get3A_106 = arith.constant 0 : index
    %get3A_107 = arith.constant 0 : index
    %get3A_108 = vector.load %arg10[%get3A_106, %get3A_107] : memref<1024x256xf32, #tpu.memory_space<vmem>>, vector<1024x256xf32>
    %dot_general3A_109 = arith.constant dense<0.000000e+00> : vector<256x256xf32>
    %dot_general3A_110 = tpu.matmul %mul3A_105, %get3A_108, %dot_general3A_109 {dimension_numbers = #tpu.dot_dimension_numbers<[1], [0], [0], [1], [0, 0, 1, 1], [], []>, transpose_lhs_hint = false} : vector<256x1024xf32>, vector<1024x256xf32>, vector<256x256xf32> -> vector<256x256xf32>
    %add3A_111 = arith.addf %add3A_60, %dot_general3A_110 : vector<256x256xf32>
    %get3A_112 = arith.constant 0 : index
    %get3A_113 = arith.constant 0 : index
    %get3A_114 = vector.load %arg15[%get3A_112, %get3A_113] : memref<1x256xf32, #tpu.memory_space<vmem>>, vector<1x256xf32>
    %add3A_115 = vector.broadcast %get3A_114 : vector<1x256xf32> to vector<256x256xf32>
    %add3A_116 = arith.addf %add3A_111, %add3A_115 : vector<256x256xf32>
    %swap3A = arith.constant 0 : index
    %swap3A_117 = arith.constant 0 : index
    %swap3A_118 = vector.load %arg16[%swap3A, %swap3A_117] : memref<256x256xf32, #tpu.memory_space<vmem>>, vector<256x256xf32>
    tpu.vector_store %arg16[%swap3A, %swap3A_117], %add3A_116 {strides = array<i32>} : memref<256x256xf32, #tpu.memory_space<vmem>>, vector<256x256xf32>,
    return
  }
  func.func @transform_0(%arg0: i32) -> (i32, i32) {
    %c0_i32 = arith.constant 0 : i32
    %c0_i32_0 = arith.constant 0 : i32
    return %arg0, %c0_i32 : i32, i32
  }
  func.func @transform_1(%arg0: i32) -> (i32, i32) {
    %c0_i32 = arith.constant 0 : i32
    %c0_i32_0 = arith.constant 0 : i32
    return %arg0, %c0_i32 : i32, i32
  }
  func.func @transform_2(%arg0: i32) -> (i32, i32) {
    %c0_i32 = arith.constant 0 : i32
    %c0_i32_0 = arith.constant 0 : i32
    return %arg0, %c0_i32 : i32, i32
  }
  func.func @transform_3(%arg0: i32) -> (i32, i32) {
    %c0_i32 = arith.constant 0 : i32
    %c0_i32_0 = arith.constant 0 : i32
    return %arg0, %c0_i32 : i32, i32
  }
  func.func @transform_4(%arg0: i32) -> (i32, i32) {
    %c0_i32 = arith.constant 0 : i32
    %c0_i32_0 = arith.constant 0 : i32
    return %arg0, %c0_i32 : i32, i32
  }
  func.func @transform_5(%arg0: i32) -> (i32, i32) {
    %c0_i32 = arith.constant 0 : i32
    %c0_i32_0 = arith.constant 0 : i32
    %c0_i32_1 = arith.constant 0 : i32
    return %c0_i32, %c0_i32_0 : i32, i32
  }
  func.func @transform_6(%arg0: i32) -> (i32, i32) {
    %c0_i32 = arith.constant 0 : i32
    %c0_i32_0 = arith.constant 0 : i32
    %c0_i32_1 = arith.constant 0 : i32
    return %c0_i32, %c0_i32_0 : i32, i32
  }
  func.func @transform_7(%arg0: i32) -> (i32, i32) {
    %c0_i32 = arith.constant 0 : i32
    %c0_i32_0 = arith.constant 0 : i32
    %c0_i32_1 = arith.constant 0 : i32
    return %c0_i32, %c0_i32_0 : i32, i32
  }
  func.func @transform_8(%arg0: i32) -> (i32, i32) {
    %c0_i32 = arith.constant 0 : i32
    %c0_i32_0 = arith.constant 0 : i32
    %c0_i32_1 = arith.constant 0 : i32
    return %c0_i32, %c0_i32_0 : i32, i32
  }
  func.func @transform_9(%arg0: i32) -> (i32, i32) {
    %c0_i32 = arith.constant 0 : i32
    %c0_i32_0 = arith.constant 0 : i32
    %c0_i32_1 = arith.constant 0 : i32
    return %c0_i32, %c0_i32_0 : i32, i32
  }
  func.func @transform_10(%arg0: i32) -> (i32, i32) {
    %c0_i32 = arith.constant 0 : i32
    %c0_i32_0 = arith.constant 0 : i32
    %c0_i32_1 = arith.constant 0 : i32
    return %c0_i32, %c0_i32_0 : i32, i32
  }
  func.func @transform_11(%arg0: i32) -> (i32, i32) {
    %c0_i32 = arith.constant 0 : i32
    %c0_i32_0 = arith.constant 0 : i32
    %c0_i32_1 = arith.constant 0 : i32
    return %c0_i32, %c0_i32_0 : i32, i32
  }
  func.func @transform_12(%arg0: i32) -> (i32, i32) {
    %c0_i32 = arith.constant 0 : i32
    %c0_i32_0 = arith.constant 0 : i32
    %c0_i32_1 = arith.constant 0 : i32
    return %c0_i32, %c0_i32_0 : i32, i32
  }
  func.func @transform_13(%arg0: i32) -> (i32, i32) {
    %c0_i32 = arith.constant 0 : i32
    %c0_i32_0 = arith.constant 0 : i32
    %c0_i32_1 = arith.constant 0 : i32
    return %c0_i32, %c0_i32_0 : i32, i32
  }
  func.func @transform_14(%arg0: i32) -> (i32, i32) {
    %c0_i32 = arith.constant 0 : i32
    %c0_i32_0 = arith.constant 0 : i32
    %c0_i32_1 = arith.constant 0 : i32
    return %c0_i32, %c0_i32_0 : i32, i32
  }
  func.func @transform_15(%arg0: i32) -> (i32, i32) {
    %c0_i32 = arith.constant 0 : i32
    %c0_i32_0 = arith.constant 0 : i32
    return %arg0, %c0_i32 : i32, i32
  }
}

</mosaic_0001>

<sc_bundles>
// kernel: kernel.12.cloned.1.call-start
scs
__scs_entry_jumppad:
0x0: {  	(pc) =	sbr.rel $0x88, $3  }
0x1: {  	(tag) =	ssettag $0x0;
	lr =	simm.s32 $0x1  }
0x2: {  	[smem:$0x3F8F] =	sst lr;
	_ =	strace $0xD0000000  }
0x3: {  	_ = 	snop  }
0x4: {  	_ = 	snop  }
0x5: {  	_ = 	snop  }
0x6: {  	_ = 	snop  }
0x7: {  	_ = 	snop  }
__scs_overlays_trampoline_lowered:
0x8: {  	[smem:$0x3F9E] =	sst s0  }
0x9: {  	[smem:$0x3F9F] =	sst s1  }
0xa: {  	[smem:$0x3FA0] =	sst s2  }
0xb: {  	[smem:$0x3FA1] =	sst s3  }
0xc: {  	[smem:$0x3FA2] =	sst s4  }
0xd: {  	[smem:$0x3FA3] =	sst s5  }
0xe: {  	[smem:$0x3FA4] =	sst s6  }
0xf: {  	[smem:$0x3FA5] =	sst s7  }
0x10: {  	[smem:$0x3FA6] =	sst s8  }
0x11: {  	[smem:$0x3FA7] =	sst s9;
	s0 =	simm.s32 @!p0 $0x0  }
0x12: {  	s1 =	sld [smem:$0x3F8D];
	s0 =	simm.s32 @p0 $0x1  }
0x13: {  	[smem:$0x3FA8] =	sst s0;
	s0 =	simm.s32 @!p1 $0x0  }
0x14: {  	s2 =	sld [smem:$0x3F8C];
	s0 =	simm.s32 @p1 $0x1  }
0x15: {  	[smem:$0x3FA9] =	sst s0;
	s0 =	simm.s32 @!p2 $0x0  }
0x16: {  	s3 =	sld [smem:$0x3FDB];
	s0 =	simm.s32 @p2 $0x1  }
0x17: {  	s4 =	simm.s32 $0x1BF5;
	[smem:$0x3FAB] =	sst s0  }
0x18: {  	s0 =	sld [smem:$0x3F8E];
	_ =	swait.ge [sflag:s4], $0x0  }
0x19: {  	s7 =	sld [smem:$0x3F8F]  }
0x1a: {  	s8 =	sadd.s32 $0xFFFFE003, lr  }
0x1b: {  	s9 =	sadd.s32 $0xFFFFFEF7, lr;
	s5 =	simm.s32 $0xFFFFFFFF;
	p2 =	slt.u32 s8, $0xFFFFF086  }
0x1c: {  	p1 =	slt.u32 s9, $0xF7A;
	s5 =	simm.s32 @!p2 $0x0  }
0x1d: {  	s5 =	simm.s32 @p1 $0x1;
	p0 =	seq.s32 s7, s2  }
0x1e: {  	s7 =	smul.u32 @!p0 $0xF7A, s2;
	p2 =	seq.s32 @!p0 s5, $0x0  }
0x1f: {  	s9 =	smul.u32 $0xF7A, s1;
	s8 =	simm.s32 @!p0 $0x1BF5;
	p2 =	por !p2, p0  }
0x20: {  	[sflag:s8] =	ssyncset.s32 @!p0 $0xFFFFF086;
	s6 =	sadd.s32 @!p0 s3, s7;
	s7 =	simm.s32 @!p0 $0x108  }
0x21: {  	s3 =	sadd.s32 s3, s9;
	s6 =	sadd.s32 @!p0 $0x88, s6;
	s7 =	simm.s32 @p2 $0x1082  }
0x22: {  	[simem:s7], [sflag:s8] =	dma.local @!p0 [hbm:s6], $0xF7A  }
0x23: {  	s9 =	sor.u32 $0xD0000000, s2;
	s6 =	simm.s32 $0x108;
	_ =	swait.ge @!p0 [sflag:s8], $0x0  }
0x24: {  	s3 =	sadd.s32 $0x88, s3;
	s6 =	simm.s32 @!p1 $0x1082;
	[sflag:s4] =	ssyncset.s32 $0xFFFFF086  }
0x25: {  	[simem:s6], [sflag:s4] =	dma.local [hbm:s3], $0xF7A  }
0x26: {  	[smem:$0x3F8F] =	sst s1;
	(tag) =	ssettag s2;
	_ =	strace s9  }
0x27: {  	s1 =	sld [smem:$0x3F9F]  }
0x28: {  	s2 =	sld [smem:$0x3FA0]  }
0x29: {  	s4 =	sld [smem:$0x3FA2]  }
0x2a: {  	p0 =	seq.s32 s5, $0x0;
	s5 =	sld [smem:$0x3FA3]  }
0x2b: {  	s6 =	sld [smem:$0x3FA4]  }
0x2c: {  	s7 =	sld [smem:$0x3FA5]  }
0x2d: {  	s3 =	simm.s32 $0x108;
	s8 =	sld [smem:$0x3FA6]  }
0x2e: {  	s3 =	simm.s32 @!p0 $0x1082;
	s9 =	sld [smem:$0x3FA7]  }
0x2f: {  	lr =	sadd.s32 s0, s3;
	s0 =	sld [smem:$0x3F9E]  }
0x30: {  	s3 =	sld [smem:$0x3FA1]  }
0x31: {  	[smem:$0x3FAA] =	sst s10  }
0x32: {  	s10 =	sld [smem:$0x3FA8];
	_ =	sdelay $0x3  }
0x33: {  	p0 =	seq.s32 s10, $0x1;
	s10 =	sld [smem:$0x3FAA];
	_ =	sdelay $0x3  }
0x34: {  	[smem:$0x3FAA] =	sst s10  }
0x35: {  	s10 =	sld [smem:$0x3FA9];
	_ =	sdelay $0x3  }
0x36: {  	p1 =	seq.s32 s10, $0x1;
	s10 =	sld [smem:$0x3FAA];
	_ =	sdelay $0x3  }
0x37: {  	[smem:$0x3FAA] =	sst s10  }
0x38: {  	s10 =	sld [smem:$0x3FAB]  }
0x39: {  	_ = 	snop;
	(pc) =	sbr.ind lr, $3  }
0x3a: {  	_ = 	snop  }
0x3b: {  	_ = 	snop  }
0x3c: {  	p2 =	seq.s32 s10, $0x1;
	s10 =	sld [smem:$0x3FAA]  }
0x3d: {  	_ =	shalt  }
0x3e: {  	_ =	shalt  }
0x3f: {  	_ =	shalt  }
0x40: {  	_ =	shalt  }
0x41: {  	_ =	shalt  }
0x42: {  	_ =	shalt  }
0x43: {  	_ =	shalt  }
0x44: {  	_ =	shalt  }
0x45: {  	_ =	shalt  }
0x46: {  	_ =	shalt  }
0x47: {  	_ =	shalt  }
0x48: {  	_ =	shalt  }
0x49: {  	_ =	shalt  }
0x4a: {  	_ =	shalt  }
0x4b: {  	_ =	shalt  }
0x4c: {  	_ =	shalt  }
0x4d: {  	_ =	shalt  }
0x4e: {  	_ =	shalt  }
0x4f: {  	_ =	shalt  }
0x50: {  	_ =	shalt  }
0x51: {  	_ =	shalt  }
0x52: {  	_ =	shalt  }
0x53: {  	_ =	shalt  }
0x54: {  	_ =	shalt  }
0x55: {  	_ =	shalt  }
0x56: {  	_ =	shalt  }
0x57: {  	_ =	shalt  }
0x58: {  	_ =	shalt  }
0x59: {  	_ =	shalt  }
0x5a: {  	_ =	shalt  }
0x5b: {  	_ =	shalt  }
0x5c: {  	_ =	shalt  }
0x5d: {  	_ =	shalt  }
0x5e: {  	_ =	shalt  }
0x5f: {  	_ =	shalt  }
0x60: {  	_ =	shalt  }
0x61: {  	_ =	shalt  }
0x62: {  	_ =	shalt  }
0x63: {  	_ =	shalt  }
0x64: {  	_ =	shalt  }
0x65: {  	_ =	shalt  }
0x66: {  	_ =	shalt  }
0x67: {  	_ =	shalt  }
0x68: {  	_ =	shalt  }
0x69: {  	_ =	shalt  }
0x6a: {  	_ =	shalt  }
0x6b: {  	_ =	shalt  }
0x6c: {  	_ =	shalt  }
0x6d: {  	_ =	shalt  }
0x6e: {  	_ =	shalt  }
0x6f: {  	_ =	shalt  }
0x70: {  	_ =	shalt  }
0x71: {  	_ =	shalt  }
0x72: {  	_ =	shalt  }
0x73: {  	_ =	shalt  }
0x74: {  	_ =	shalt  }
0x75: {  	_ =	shalt  }
0x76: {  	_ =	shalt  }
0x77: {  	_ =	shalt  }
0x78: {  	_ =	shalt  }
0x79: {  	_ =	shalt  }
0x7a: {  	_ =	shalt  }
0x7b: {  	_ =	shalt  }
0x7c: {  	_ =	shalt  }
0x7d: {  	_ =	shalt  }
0x7e: {  	_ =	shalt  }
0x7f: {  	_ =	shalt  }
0x80: {  	_ =	shalt  }
0x81: {  	_ =	shalt  }
0x82: {  	_ =	shalt  }
0x83: {  	_ =	shalt  }
0x84: {  	_ =	shalt  }
0x85: {  	_ =	shalt  }
0x86: {  	_ =	shalt  }
0x87: {  	_ =	shalt  }
.Lfunc_end0:
.L_simem_size_0:
called_computation.1_lowered:
.L_overlay_start_0:
0x88: {  	s2 =	sld [smem:$0x3FD9]  }
0x89: {  	s3 =	sld [smem:$0x3FFE];
	_ =	sdelay $0x1  }
0x8a: {  	s1 =	srdreg.scid  }
0x8b: {  	s0 =	sand.u32 $0x1, s1  }
0x8c: {  	s17 =	sshll.u32 s0, $0xA;
	s2 =	sadd.s32 s3, s2  }
0x8d: {  	s2 =	sadd.s32 s2, s17  }
0x8e: {  	[smem:$0x3FB6] =	sst s2  }
0x8f: {  	_ = 	snop  }
0x90: {  	s18 =	sld [smem:$0x3FD0];
	(tm) =	ssettm $0x1  }
0x91: {  	s19 =	sld [smem:$0x3FFB];
	_ =	sdelay $0x3  }
0x92: {  	_ =	strace s19  }
0x93: {  	s2 =	sld [smem:$0x3FFC];
	_ =	sdelay $0x3  }
0x94: {  	_ =	strace s2  }
0x95: {  	s2 =	sld [smem:$0x3FFD];
	_ =	sdelay $0x3  }
0x96: {  	_ =	strace s2  }
0x97: {  	_ =	strace $0x8FFFFFFF  }
0x98: {  	s20 =	sld [smem:$0x3FDB];
	_ =	sdelay $0x1  }
0x99: {  	s4 =	simm.s32 $_scs_section_size  }
0x9a: {  	s5 =	simm.s32 $_size__tile_overlayer_lowered;
	s6 =	simm.s32 $_tile_overlayer_lowered  }
0x9b: {  	s7 =	simm.s32 $0x1BFF;
	s21 =	sshll.u32 s6, $0x1;
	s4 =	sadd.s32 s4, s20  }
0x9c: {  	s22 =	simm.s32 $0x0;
	s5 =	sshll.u32 s5, $0x1;
	s6 =	sadd.s32 s21, s4  }
0x9d: {  	[timem:s22], [sflag:s7] =	dma.local [hbm:s6], s5  }
0x9e: {  	_ =	swait.ge [sflag:s7], s5  }
0x9f: {  	s5 =	ssub.s32 $0x0, s5;
	[sflag:s7] =	ssyncset.done $0x0  }
0xa0: {  	[sflag:s7] =	ssyncadd.s32 s5;
	_ =	sdelay $0x1  }
0xa1: {  	s23 =	simm.s32 $0x1B8B  }
0xa2: {  	_ =	swait.ge [sflag:s23], $0x1  }
0xa3: {  	[sflag:s23] =	ssyncset.done $0x0  }
0xa4: {  	[sflag:s23] =	ssyncadd.s32 $0xFFFFFFFF  }
0xa5: {  	s5 =	sld [smem:$0x0]  }
0xa6: {  	s6 =	sand.u32 $0xFFFFFFFE, s1  }
0xa7: {  	p0 =	sne.s32 s1, s6  }
0xa8: {  	s6 =	sshll.u32 @p0 s6, $0xE  }
0xa9: {  	s6 =	sadd.s32 @p0 $0x11B8D, s6;
	s7 =	sshll.u32 @p0 s5, $0x11  }
0xaa: {  	s6 =	sor.u32 @p0 s7, s6  }
0xab: {  	[sflag:s6] =	ssyncadd.remote.s32 @p0 $0x1;
	_ =	sdelay $0x1  }
0xac: {  	s6 =	simm.s32 @p0 $0x1B8D  }
0xad: {  	_ =	swait.eq @p0 [sflag:s6], $0x1  }
0xae: {  	[sflag:s6] =	ssyncadd.s32 @p0 $0xFFFFFFFF  }
0xaf: {  	s7 =	sshll.u32 @!p0 s1, $0xE  }
0xb0: {  	s7 =	sor.u32 @!p0 $0x4000, s7;
	s6 =	simm.s32 @!p0 $0x1B8D  }
0xb1: {  	s5 =	sshll.u32 @!p0 s5, $0x11;
	s7 =	sadd.s32 @!p0 $0x11B8D, s7;
	_ =	swait.eq @!p0 [sflag:s6], $0x1  }
0xb2: {  	s5 =	sor.u32 @!p0 s5, s7;
	[sflag:s6] =	ssyncadd.s32 @!p0 $0xFFFFFFFF  }
0xb3: {  	s25 =	simm.s32 $0x1B8E;
	s24 =	sld [smem:$0x3FFE];
	[sflag:s5] =	ssyncadd.remote.s32 @!p0 $0x1  }
0xb4: {  	s26 =	simm.s32 $execute0_lowered;
	[smem:$0x3FD2] =	sst s25  }
0xb5: {  	s6 =	sshll.u32 s26, $0x1;
	_ =	strace $0x80000049;
	[dreg:$0x1] =	wrdreg $0xFFFFFFFF  }
0xb6: {  	s28 =	simm.s32 $_size_execute0_lowered;
	s4 =	sadd.s32 s4, s6;
	[dreg:$0x0] =	wrdreg $0x0  }
0xb7: {  	s6 =	sshll.u32 s28, $0x1;
	[dreg:$0x2] =	wrdreg s4  }
0xb8: {  	[dreg:$0x3] =	wrdreg s6  }
0xb9: {  	[dreg:$0x4] =	wrdreg $0xC0  }
0xba: {  	_ =	task [dreg:s22], $0x5FFFF  }
0xbb: {  	[dreg:$0x1] =	wrdreg $0xFFFFFFFF  }
0xbc: {  	[dreg:$0x0] =	wrdreg $0x60  }
0xbd: {  	[dreg:$0x2] =	wrdreg s18  }
0xbe: {  	[dreg:$0x3] =	wrdreg s24  }
0xbf: {  	[dreg:$0x4] =	wrdreg $0xA  }
0xc0: {  	_ =	task.clear_ibuf [dreg:s22], $0x5FFFF;
	_ =	strace $0x90000049  }
0xc1: {  	s29 =	simm.s32 $0xA;
	_ =	strace $0x8000004B  }
0xc2: {  	_ =	swait.ge [sflag:s29], $0x1  }
0xc3: {  	[sflag:s29] =	ssyncadd.s32 $0xFFFFFFFF  }
0xc4: {  	_ =	strace $0x9000004B  }
0xc5: {  	_ =	sfence  }
0xc6: {  	s30 =	sld [smem:$0x0];
	_ =	sdelay $0x2  }
0xc7: {  	s31 =	sshll.u32 s1, $0xD;
	s1 =	sshrl.u32 s1, $0x2  }
0xc8: {  	s4 =	sand.u32 $0x4000, s31;
	s1 =	sadd.s32 s1, s30  }
0xc9: {  	s0 =	sor.u32 s4, s0;
	s1 =	sshll.u32 s1, $0x11  }
0xca: {  	s0 =	sor.u32 s1, s0  }
0xcb: {  	s0 =	sadd.s32 $0x8F2B, s0  }
0xcc: {  	[sflag:s0] =	ssyncadd.remote.s32 $0x1  }
0xcd: {  	_ =	sfence.sel $0xFFFF  }
0xce: {  	[dreg:$0x0] =	wrdreg $0xFFFFFFFF;
	(pc) =	sbr.abs _section_cstart, $3  }
0xcf: {  	[dreg:$0x1] =	wrdreg $0xFFFFFFFF  }
0xd0: {  	_ =	task.clear_ibuf [dreg:s22], $0x2FFFF;
	_ =	strace $0x9FFFFFFF  }
0xd1: {  	(tm) =	ssettm $0x7FFFFFFF  }
tec
execute0_lowered:
.L_overlay_start_1:
0x0: {  	(tag) =	ssettag $0x1  }
0x1: {  	s3 =	rddreg [dreg:$0x0]  }
0x2: {  	s0 =	rddreg [dreg:$0x1]  }
0x3: {  	s2 =	simm.s32 $0x0;
	s1 =	srdreg.scid;
	s7 =	stileid.u32  }
0x4: {  	p0 =	por $0x0, $0x0;
	[smem:$0x7FF] =	sst s2;
	s4 =	sadd.s32 $0x115400, s0  }
0x5: {  	s5 =	sadd.s32 $0x11D400, s0;
	s1 =	sand.u32 $0x1, s1;
	s6 =	sadd.s32 $0x11E400, s0  }
0x6: {  	s7 =	sshll.u32 s7, $0xB;
	s0 =	sadd.s32 $0x19E400, s0;
	s8 =	sshll.u32 s1, $0xA  }
0x7: {  	_ =	strace $0x8000004A;
	s1 =	ssub.s32 $0x2, s1;
	s7 =	sor.u32 s8, s7  }
0x8: {  	s13 =	sshrl.u32 s1, $0x1;
	s9 =	sshrl.u32 s7, $0x3;
	s10 =	sor.u32 $0x80, s7  }
0x9: {  	s1 =	ssub.s32 s1, s13;
	s17 =	sshll.u32 s7, $0x4;
	s11 =	sor.u32 $0x100, s7  }
0xa: {  	s24 =	sor.u32 $0x180, s7;
	s12 =	sor.u32 $0x200, s7;
	s14 =	sadd.s32 s5, s9  }
0xb: {  	s15 =	sshrl.u32 s10, $0x3;
	s18 =	sadd.s32 s6, s17;
	s19 =	sadd.s32 s0, s17  }
0xc: {  	s20 =	sshrl.u32 s11, $0x3;
	s22 =	sshll.u32 s10, $0x4;
	s26 =	sshrl.u32 s24, $0x3  }
0xd: {  	s11 =	sshll.u32 s11, $0x4;
	s13 =	sshrl.u32 s12, $0x3;
	[dreg:$0x3] =	wrdreg s14  }
0xe: {  	s10 =	sshll.u32 s24, $0x4;
	s8 =	sshll.u32 s12, $0x4;
	[dreg:$0x5] =	wrdreg s18  }
0xf: {  	s12 =	simm.s32 $0xC100;
	s16 =	sadd.s32 s5, s15;
	[dreg:$0x6] =	wrdreg s19  }
0x10: {  	s21 =	sadd.s32 s5, s20;
	s23 =	sadd.s32 s6, s22;
	s25 =	sadd.s32 s0, s22  }
0x11: {  	s9 =	sadd.s32 s5, s26;
	s30 =	sadd.s32 s6, s11;
	s31 =	sadd.s32 s0, s11  }
0x12: {  	s29 =	sadd.s32 s5, s13;
	s26 =	sadd.s32 s6, s10;
	[dreg:$0x4] =	wrdreg s16  }
0x13: {  	s14 =	sor.u32 $0x280, s7;
	s28 =	sadd.s32 s0, s10;
	[dreg:$0x7] =	wrdreg s21  }
0x14: {  	s24 =	sadd.s32 s0, s8;
	s13 =	simm.s32 $0x100;
	[dreg:$0x8] =	wrdreg s23  }
0x15: {  	s11 =	simm.s32 $0x4100;
	s10 =	simm.s32 $0x3;
	[dreg:$0x9] =	wrdreg s25  }
0x16: {  	[dreg:$0xa] =	wrdreg s9;
	s15 =	sshrl.u32 s14, $0x3;
	s23 =	sadd.s32 s6, s8  }
0x17: {  	s16 =	sor.u32 $0x300, s7;
	s9 =	sshll.u32 s14, $0x4;
	s7 =	sor.u32 $0x380, s7  }
0x18: {  	s21 =	smax.u32 s1, $0x1;
	s14 =	simm.s32 $0x8100;
	s1 =	rddreg [dreg:$0x3]  }
0x19: {  	s25 =	sadd.s32 s5, s15;
	s17 =	sshrl.u32 s16, $0x3;
	s19 =	sadd.s32 s0, s9  }
0x1a: {  	s18 =	sshrl.u32 s7, $0x3;
	s20 =	sshll.u32 s16, $0x4;
	p1 =	sne.s32 s21, $0x1  }
.Ltmp0:
0x1b: {  	s7 =	sshll.u32 s7, $0x4;
	s15 =	simm.s32 $0x2;
	(pc) =	sbr.rel @!p1 .LBB2_3-.Ltmp0, $4  }
0x1c: {  	s22 =	sadd.s32 s5, s17;
	s17 =	sadd.s32 s6, s9;
	s16 =	sadd.s32 s5, s18  }
0x1d: {  	s8 =	sadd.s32 s6, s20;
	s9 =	sadd.s32 s0, s20;
	s5 =	sadd.s32 s6, s7  }
0x1e: {  	s6 =	sadd.s32 s0, s7;
	s20 =	simm.s32 $0x5;
	s18 =	simm.s32 $0x80  }
0x1f: {  	s0 =	sadd.s32 $0xFFFFFFFF, s21;
	s21 =	simm.s32 $0x1;
	s7 =	simm.s32 $0x4  }
0x20: {  	[tilespmem:s2], [sflag:$0x5] =	stream.linear.gather [hbm4b:s1+s2], $0x80, $0x38;
	[tilespmem:$0x10100] =	vst v63  }
0x21: {  	_ =	swait.ge [sflag:s20], $0x80  }
0x22: {  	[sflag:s20] =	ssyncset.done $0x0  }
0x23: {  	[sflag:s20] =	ssyncadd.s32 $0xFFFFFF80  }
0x24: {  	[tilespmem:s13], [sflag:$0x1] =	stream.indirect.gather [hbm4b:s3+s18], $0x80, s2, s18, $0xb8;
	[tilespmem:$0x10100] =	vst v63  }
0x25: {  	_ = 	snop  }
0x26: {  	[tilespmem:s14], [sflag:$0x1] =	stream.indirect.gather [hbm4b:s4+s18], $0x80, s2, s18, $0xb8;
	[tilespmem:$0x10100] =	vst v63  }
0x27: {  	s1 =	rddreg [dreg:$0x4]  }
0x28: {  	[tilespmem:s18], [sflag:$0x5] =	stream.linear.gather [hbm4b:s1+s2], $0x80, $0x38;
	[tilespmem:$0x10100] =	vst v63  }
0x29: {  	_ =	swait.ge [sflag:s20], $0x80  }
0x2a: {  	[sflag:s20] =	ssyncset.done $0x0  }
0x2b: {  	[sflag:s20] =	ssyncadd.s32 $0xFFFFFF80  }
0x2c: {  	[tilespmem:s11], [sflag:$0x2] =	stream.indirect.gather [hbm4b:s3+s18], $0x80, s18, s18, $0xb8;
	[tilespmem:$0x10100] =	vst v63  }
0x2d: {  	_ = 	snop  }
0x2e: {  	[tilespmem:s12], [sflag:$0x2] =	stream.indirect.gather [hbm4b:s4+s18], $0x80, s18, s18, $0xb8;
	[tilespmem:$0x10100] =	vst v63  }
0x2f: {  	_ =	swait.ge [sflag:s21], $0x4000  }
0x30: {  	[sflag:s21] =	ssyncset.done $0x0  }
0x31: {  	[sflag:s21] =	ssyncadd.s32 $0xFFFFC000  }
0x32: {  	_ =	swait.ge [sflag:s21], $0x4000  }
0x33: {  	[dreg:$0xb] =	wrdreg s0;
	[sflag:s21] =	ssyncset.done $0x0  }
0x34: {  	s1 =	rddreg [dreg:$0x5];
	[sflag:s21] =	ssyncadd.s32 $0xFFFFC000  }
0x35: {  	[hbm4b:s1+s2] =	stream.linear.scatter [tilespmem:s13], [sflag:$0x3], $0x4000, $0x38;
	[tilespmem:$0x10100] =	vst v63  }
0x36: {  	s0 =	rddreg [dreg:$0x6]  }
0x37: {  	[hbm4b:s0+s2] =	stream.linear.scatter [tilespmem:s14], [sflag:$0x3], $0x4000, $0x38;
	[tilespmem:$0x10100] =	vst v63  }
0x38: {  	_ =	swait.ge [sflag:s10], $0x4000  }
0x39: {  	[sflag:s10] =	ssyncset.done $0x0  }
0x3a: {  	[sflag:s10] =	ssyncadd.s32 $0xFFFFC000  }
0x3b: {  	_ =	swait.ge [sflag:s10], $0x4000  }
0x3c: {  	[sflag:s10] =	ssyncset.done $0x0  }
0x3d: {  	s1 =	rddreg [dreg:$0x7];
	[sflag:s10] =	ssyncadd.s32 $0xFFFFC000  }
0x3e: {  	[tilespmem:s2], [sflag:$0x5] =	stream.linear.gather [hbm4b:s1+s2], $0x80, $0x38;
	[tilespmem:$0x10100] =	vst v63  }
0x3f: {  	_ =	swait.ge [sflag:s20], $0x80  }
0x40: {  	[sflag:s20] =	ssyncset.done $0x0  }
0x41: {  	[sflag:s20] =	ssyncadd.s32 $0xFFFFFF80  }
0x42: {  	[tilespmem:s13], [sflag:$0x1] =	stream.indirect.gather [hbm4b:s3+s18], $0x80, s2, s18, $0xb8;
	[tilespmem:$0x10100] =	vst v63  }
0x43: {  	_ = 	snop  }
0x44: {  	[tilespmem:s14], [sflag:$0x1] =	stream.indirect.gather [hbm4b:s4+s18], $0x80, s2, s18, $0xb8;
	[tilespmem:$0x10100] =	vst v63  }
0x45: {  	_ =	swait.ge [sflag:s15], $0x4000  }
0x46: {  	[sflag:s15] =	ssyncset.done $0x0  }
0x47: {  	[sflag:s15] =	ssyncadd.s32 $0xFFFFC000  }
0x48: {  	_ =	swait.ge [sflag:s15], $0x4000  }
0x49: {  	[sflag:s15] =	ssyncset.done $0x0  }
0x4a: {  	s0 =	rddreg [dreg:$0x8];
	[sflag:s15] =	ssyncadd.s32 $0xFFFFC000  }
0x4b: {  	[hbm4b:s0+s2] =	stream.linear.scatter [tilespmem:s11], [sflag:$0x4], $0x4000, $0x38;
	[tilespmem:$0x10100] =	vst v63  }
0x4c: {  	s1 =	rddreg [dreg:$0x9]  }
0x4d: {  	[hbm4b:s1+s2] =	stream.linear.scatter [tilespmem:s12], [sflag:$0x4], $0x4000, $0x38;
	[tilespmem:$0x10100] =	vst v63  }
0x4e: {  	_ =	swait.ge [sflag:s7], $0x4000  }
0x4f: {  	[sflag:s7] =	ssyncset.done $0x0  }
0x50: {  	[sflag:s7] =	ssyncadd.s32 $0xFFFFC000  }
0x51: {  	_ =	swait.ge [sflag:s7], $0x4000  }
0x52: {  	[sflag:s7] =	ssyncset.done $0x0  }
0x53: {  	s1 =	rddreg [dreg:$0xa];
	[sflag:s7] =	ssyncadd.s32 $0xFFFFC000  }
0x54: {  	[tilespmem:s18], [sflag:$0x5] =	stream.linear.gather [hbm4b:s1+s2], $0x80, $0x38;
	[tilespmem:$0x10100] =	vst v63  }
0x55: {  	_ =	swait.ge [sflag:s20], $0x80  }
0x56: {  	[sflag:s20] =	ssyncset.done $0x0  }
0x57: {  	[sflag:s20] =	ssyncadd.s32 $0xFFFFFF80  }
0x58: {  	[tilespmem:s11], [sflag:$0x2] =	stream.indirect.gather [hbm4b:s3+s18], $0x80, s18, s18, $0xb8;
	[tilespmem:$0x10100] =	vst v63  }
0x59: {  	_ = 	snop  }
0x5a: {  	[tilespmem:s12], [sflag:$0x2] =	stream.indirect.gather [hbm4b:s4+s18], $0x80, s18, s18, $0xb8;
	[tilespmem:$0x10100] =	vst v63  }
0x5b: {  	_ =	swait.ge [sflag:s21], $0x4000  }
0x5c: {  	[sflag:s21] =	ssyncset.done $0x0  }
0x5d: {  	[sflag:s21] =	ssyncadd.s32 $0xFFFFC000  }
0x5e: {  	_ =	swait.ge [sflag:s21], $0x4000  }
0x5f: {  	[sflag:s21] =	ssyncset.done $0x0  }
0x60: {  	[sflag:s21] =	ssyncadd.s32 $0xFFFFC000  }
0x61: {  	[hbm4b:s30+s2] =	stream.linear.scatter [tilespmem:s13], [sflag:$0x3], $0x4000, $0x38;
	[tilespmem:$0x10100] =	vst v63  }
0x62: {  	_ = 	snop  }
0x63: {  	[hbm4b:s31+s2] =	stream.linear.scatter [tilespmem:s14], [sflag:$0x3], $0x4000, $0x38;
	[tilespmem:$0x10100] =	vst v63  }
0x64: {  	_ =	swait.ge [sflag:s10], $0x4000  }
0x65: {  	[sflag:s10] =	ssyncset.done $0x0  }
0x66: {  	[sflag:s10] =	ssyncadd.s32 $0xFFFFC000  }
0x67: {  	_ =	swait.ge [sflag:s10], $0x4000  }
0x68: {  	[sflag:s10] =	ssyncset.done $0x0  }
0x69: {  	[sflag:s10] =	ssyncadd.s32 $0xFFFFC000  }
0x6a: {  	[tilespmem:s2], [sflag:$0x5] =	stream.linear.gather [hbm4b:s29+s2], $0x80, $0x38;
	[tilespmem:$0x10100] =	vst v63  }
0x6b: {  	_ =	swait.ge [sflag:s20], $0x80  }
0x6c: {  	[sflag:s20] =	ssyncset.done $0x0  }
0x6d: {  	[sflag:s20] =	ssyncadd.s32 $0xFFFFFF80  }
0x6e: {  	[tilespmem:s13], [sflag:$0x1] =	stream.indirect.gather [hbm4b:s3+s18], $0x80, s2, s18, $0xb8;
	[tilespmem:$0x10100] =	vst v63  }
0x6f: {  	_ = 	snop  }
0x70: {  	[tilespmem:s14], [sflag:$0x1] =	stream.indirect.gather [hbm4b:s4+s18], $0x80, s2, s18, $0xb8;
	[tilespmem:$0x10100] =	vst v63  }
0x71: {  	_ =	swait.ge [sflag:s15], $0x4000  }
0x72: {  	[sflag:s15] =	ssyncset.done $0x0  }
0x73: {  	[sflag:s15] =	ssyncadd.s32 $0xFFFFC000  }
0x74: {  	_ =	swait.ge [sflag:s15], $0x4000  }
0x75: {  	[sflag:s15] =	ssyncset.done $0x0  }
0x76: {  	[sflag:s15] =	ssyncadd.s32 $0xFFFFC000  }
0x77: {  	[hbm4b:s26+s2] =	stream.linear.scatter [tilespmem:s11], [sflag:$0x4], $0x4000, $0x38;
	[tilespmem:$0x10100] =	vst v63  }
0x78: {  	_ = 	snop  }
0x79: {  	[hbm4b:s28+s2] =	stream.linear.scatter [tilespmem:s12], [sflag:$0x4], $0x4000, $0x38;
	[tilespmem:$0x10100] =	vst v63  }
0x7a: {  	_ =	swait.ge [sflag:s7], $0x4000  }
0x7b: {  	[sflag:s7] =	ssyncset.done $0x0  }
0x7c: {  	[sflag:s7] =	ssyncadd.s32 $0xFFFFC000  }
0x7d: {  	_ =	swait.ge [sflag:s7], $0x4000  }
0x7e: {  	[sflag:s7] =	ssyncset.done $0x0  }
0x7f: {  	[sflag:s7] =	ssyncadd.s32 $0xFFFFC000  }
0x80: {  	[tilespmem:s18], [sflag:$0x5] =	stream.linear.gather [hbm4b:s25+s2], $0x80, $0x38;
	[tilespmem:$0x10100] =	vst v63  }
0x81: {  	_ =	swait.ge [sflag:s20], $0x80  }
0x82: {  	[sflag:s20] =	ssyncset.done $0x0  }
0x83: {  	[sflag:s20] =	ssyncadd.s32 $0xFFFFFF80  }
0x84: {  	[tilespmem:s11], [sflag:$0x2] =	stream.indirect.gather [hbm4b:s3+s18], $0x80, s18, s18, $0xb8;
	[tilespmem:$0x10100] =	vst v63  }
0x85: {  	_ = 	snop  }
0x86: {  	[tilespmem:s12], [sflag:$0x2] =	stream.indirect.gather [hbm4b:s4+s18], $0x80, s18, s18, $0xb8;
	[tilespmem:$0x10100] =	vst v63  }
0x87: {  	_ =	swait.ge [sflag:s21], $0x4000  }
0x88: {  	[sflag:s21] =	ssyncset.done $0x0  }
0x89: {  	[sflag:s21] =	ssyncadd.s32 $0xFFFFC000  }
0x8a: {  	_ =	swait.ge [sflag:s21], $0x4000  }
0x8b: {  	[sflag:s21] =	ssyncset.done $0x0  }
0x8c: {  	[sflag:s21] =	ssyncadd.s32 $0xFFFFC000  }
0x8d: {  	[hbm4b:s23+s2] =	stream.linear.scatter [tilespmem:s13], [sflag:$0x3], $0x4000, $0x38;
	[tilespmem:$0x10100] =	vst v63  }
0x8e: {  	_ = 	snop  }
0x8f: {  	[hbm4b:s24+s2] =	stream.linear.scatter [tilespmem:s14], [sflag:$0x3], $0x4000, $0x38;
	[tilespmem:$0x10100] =	vst v63  }
0x90: {  	_ =	swait.ge [sflag:s10], $0x4000  }
0x91: {  	[sflag:s10] =	ssyncset.done $0x0  }
0x92: {  	[sflag:s10] =	ssyncadd.s32 $0xFFFFC000  }
0x93: {  	_ =	swait.ge [sflag:s10], $0x4000  }
0x94: {  	[sflag:s10] =	ssyncset.done $0x0  }
0x95: {  	[sflag:s10] =	ssyncadd.s32 $0xFFFFC000  }
0x96: {  	[tilespmem:s2], [sflag:$0x5] =	stream.linear.gather [hbm4b:s22+s2], $0x80, $0x38;
	[tilespmem:$0x10100] =	vst v63  }
0x97: {  	_ =	swait.ge [sflag:s20], $0x80  }
0x98: {  	[sflag:s20] =	ssyncset.done $0x0  }
0x99: {  	[sflag:s20] =	ssyncadd.s32 $0xFFFFFF80  }
0x9a: {  	[tilespmem:s13], [sflag:$0x1] =	stream.indirect.gather [hbm4b:s3+s18], $0x80, s2, s18, $0xb8;
	[tilespmem:$0x10100] =	vst v63  }
0x9b: {  	_ = 	snop  }
0x9c: {  	[tilespmem:s14], [sflag:$0x1] =	stream.indirect.gather [hbm4b:s4+s18], $0x80, s2, s18, $0xb8;
	[tilespmem:$0x10100] =	vst v63  }
0x9d: {  	_ =	swait.ge [sflag:s15], $0x4000  }
0x9e: {  	[sflag:s15] =	ssyncset.done $0x0  }
0x9f: {  	[sflag:s15] =	ssyncadd.s32 $0xFFFFC000  }
0xa0: {  	_ =	swait.ge [sflag:s15], $0x4000  }
0xa1: {  	[sflag:s15] =	ssyncset.done $0x0  }
0xa2: {  	[sflag:s15] =	ssyncadd.s32 $0xFFFFC000  }
0xa3: {  	[hbm4b:s17+s2] =	stream.linear.scatter [tilespmem:s11], [sflag:$0x4], $0x4000, $0x38;
	[tilespmem:$0x10100] =	vst v63  }
0xa4: {  	_ = 	snop  }
0xa5: {  	[hbm4b:s19+s2] =	stream.linear.scatter [tilespmem:s12], [sflag:$0x4], $0x4000, $0x38;
	[tilespmem:$0x10100] =	vst v63  }
0xa6: {  	_ =	swait.ge [sflag:s7], $0x4000  }
0xa7: {  	[sflag:s7] =	ssyncset.done $0x0  }
0xa8: {  	[sflag:s7] =	ssyncadd.s32 $0xFFFFC000  }
0xa9: {  	_ =	swait.ge [sflag:s7], $0x4000  }
0xaa: {  	[sflag:s7] =	ssyncset.done $0x0  }
0xab: {  	[sflag:s7] =	ssyncadd.s32 $0xFFFFC000  }
0xac: {  	[tilespmem:s18], [sflag:$0x5] =	stream.linear.gather [hbm4b:s16+s2], $0x80, $0x38;
	[tilespmem:$0x10100] =	vst v63  }
0xad: {  	_ =	swait.ge [sflag:s20], $0x80  }
0xae: {  	[sflag:s20] =	ssyncset.done $0x0  }
0xaf: {  	[sflag:s20] =	ssyncadd.s32 $0xFFFFFF80  }
0xb0: {  	[tilespmem:s11], [sflag:$0x2] =	stream.indirect.gather [hbm4b:s3+s18], $0x80, s18, s18, $0xb8;
	[tilespmem:$0x10100] =	vst v63  }
0xb1: {  	_ = 	snop  }
0xb2: {  	[tilespmem:s12], [sflag:$0x2] =	stream.indirect.gather [hbm4b:s4+s18], $0x80, s18, s18, $0xb8;
	[tilespmem:$0x10100] =	vst v63  }
0xb3: {  	_ =	swait.ge [sflag:s21], $0x4000  }
0xb4: {  	[sflag:s21] =	ssyncset.done $0x0  }
0xb5: {  	[sflag:s21] =	ssyncadd.s32 $0xFFFFC000  }
0xb6: {  	_ =	swait.ge [sflag:s21], $0x4000  }
0xb7: {  	[sflag:s21] =	ssyncset.done $0x0  }
0xb8: {  	[sflag:s21] =	ssyncadd.s32 $0xFFFFC000  }
0xb9: {  	[hbm4b:s8+s2] =	stream.linear.scatter [tilespmem:s13], [sflag:$0x3], $0x4000, $0x38;
	[tilespmem:$0x10100] =	vst v63  }
0xba: {  	_ = 	snop  }
0xbb: {  	[hbm4b:s9+s2] =	stream.linear.scatter [tilespmem:s14], [sflag:$0x3], $0x4000, $0x38;
	[tilespmem:$0x10100] =	vst v63  }
0xbc: {  	_ =	swait.ge [sflag:s15], $0x4000  }
0xbd: {  	[sflag:s15] =	ssyncset.done $0x0  }
0xbe: {  	[sflag:s15] =	ssyncadd.s32 $0xFFFFC000  }
0xbf: {  	_ =	swait.ge [sflag:s15], $0x4000  }
0xc0: {  	[sflag:s15] =	ssyncset.done $0x0  }
0xc1: {  	[sflag:s15] =	ssyncadd.s32 $0xFFFFC000  }
0xc2: {  	[hbm4b:s5+s2] =	stream.linear.scatter [tilespmem:s11], [sflag:$0x4], $0x4000, $0x38;
	[tilespmem:$0x10100] =	vst v63  }
0xc3: {  	_ = 	snop  }
0xc4: {  	[hbm4b:s6+s2] =	stream.linear.scatter [tilespmem:s12], [sflag:$0x4], $0x4000, $0x38;
	[tilespmem:$0x10100] =	vst v63  }
0xc5: {  	_ =	swait.ge [sflag:s10], $0x4000  }
0xc6: {  	[sflag:s10] =	ssyncset.done $0x0  }
0xc7: {  	[sflag:s10] =	ssyncadd.s32 $0xFFFFC000  }
0xc8: {  	_ =	swait.ge [sflag:s10], $0x4000  }
0xc9: {  	[sflag:s10] =	ssyncset.done $0x0  }
0xca: {  	[sflag:s10] =	ssyncadd.s32 $0xFFFFC000  }
0xcb: {  	_ =	swait.ge [sflag:s7], $0x4000  }
0xcc: {  	s1 =	rddreg [dreg:$0xb]  }
0xcd: {  	p1 =	sne.s32 s1, $0x1  }
.Ltmp1:
0xce: {  	_ = 	snop;
	(pc) =	sbr.rel @!p1 .LBB2_3-.Ltmp1, $4  }
0xcf: {  	[sflag:s7] =	ssyncset.done $0x0  }
0xd0: {  	[sflag:s7] =	ssyncadd.s32 $0xFFFFC000  }
0xd1: {  	p0 =	por $0x1, $0x1;
	_ =	swait.ge [sflag:s7], $0x4000  }
0xd2: {  	s0 =	sadd.s32 $0xFFFFFFFF, s1;
	s1 =	rddreg [dreg:$0x3];
	[sflag:s7] =	ssyncset.done $0x0  }
.LBB2_2:
0xd3: {  	[sflag:s7] =	ssyncadd.s32 $0xFFFFC000  }
0xd4: {  	[tilespmem:s2], [sflag:$0x5] =	stream.linear.gather [hbm4b:s1+s2], $0x80, $0x38;
	[tilespmem:$0x10100] =	vst v63  }
0xd5: {  	_ =	swait.ge [sflag:s20], $0x80  }
0xd6: {  	[sflag:s20] =	ssyncset.done $0x0  }
0xd7: {  	[sflag:s20] =	ssyncadd.s32 $0xFFFFFF80  }
0xd8: {  	[tilespmem:s13], [sflag:$0x1] =	stream.indirect.gather [hbm4b:s3+s18], $0x80, s2, s18, $0xb8;
	[tilespmem:$0x10100] =	vst v63  }
0xd9: {  	_ = 	snop  }
0xda: {  	[tilespmem:s14], [sflag:$0x1] =	stream.indirect.gather [hbm4b:s4+s18], $0x80, s2, s18, $0xb8;
	[tilespmem:$0x10100] =	vst v63  }
0xdb: {  	s1 =	rddreg [dreg:$0x4]  }
0xdc: {  	[tilespmem:s18], [sflag:$0x5] =	stream.linear.gather [hbm4b:s1+s2], $0x80, $0x38;
	[tilespmem:$0x10100] =	vst v63  }
0xdd: {  	_ =	swait.ge [sflag:s20], $0x80  }
0xde: {  	[sflag:s20] =	ssyncset.done $0x0  }
0xdf: {  	[sflag:s20] =	ssyncadd.s32 $0xFFFFFF80  }
0xe0: {  	[tilespmem:s11], [sflag:$0x2] =	stream.indirect.gather [hbm4b:s3+s18], $0x80, s18, s18, $0xb8;
	[tilespmem:$0x10100] =	vst v63  }
0xe1: {  	s11 =	smov.u32 s31;
	s31 =	smov.u32 s30;
	s30 =	smov.u32 s29  }
0xe2: {  	[tilespmem:s12], [sflag:$0x2] =	stream.indirect.gather [hbm4b:s4+s18], $0x80, s18, s18, $0xb8;
	[tilespmem:$0x10100] =	vst v63  }
0xe3: {  	s29 =	smov.u32 s28;
	s28 =	smov.u32 s26;
	_ =	swait.ge [sflag:s21], $0x4000  }
0xe4: {  	s26 =	smov.u32 s25;
	s25 =	smov.u32 s24;
	[sflag:s21] =	ssyncset.done $0x0  }
0xe5: {  	s24 =	smov.u32 s23;
	s23 =	smov.u32 s22;
	[sflag:s21] =	ssyncadd.s32 $0xFFFFC000  }
0xe6: {  	s22 =	smov.u32 s19;
	s19 =	smov.u32 s17;
	_ =	swait.ge [sflag:s21], $0x4000  }
0xe7: {  	s17 =	smov.u32 s16;
	s16 =	smov.u32 s9;
	[sflag:s21] =	ssyncset.done $0x0  }
0xe8: {  	s9 =	smov.u32 s8;
	s1 =	rddreg [dreg:$0x5];
	[sflag:s21] =	ssyncadd.s32 $0xFFFFC000  }
0xe9: {  	[hbm4b:s1+s2] =	stream.linear.scatter [tilespmem:s13], [sflag:$0x3], $0x4000, $0x38;
	[tilespmem:$0x10100] =	vst v63  }
0xea: {  	s8 =	smov.u32 s6;
	s6 =	smov.u32 s5;
	s5 =	rddreg [dreg:$0x6]  }
0xeb: {  	[hbm4b:s5+s2] =	stream.linear.scatter [tilespmem:s14], [sflag:$0x3], $0x4000, $0x38;
	[tilespmem:$0x10100] =	vst v63  }
0xec: {  	_ =	swait.ge [sflag:s10], $0x4000  }
0xed: {  	[sflag:s10] =	ssyncset.done $0x0  }
0xee: {  	[sflag:s10] =	ssyncadd.s32 $0xFFFFC000  }
0xef: {  	_ =	swait.ge [sflag:s10], $0x4000  }
0xf0: {  	[sflag:s10] =	ssyncset.done $0x0  }
0xf1: {  	s5 =	rddreg [dreg:$0x7];
	[sflag:s10] =	ssyncadd.s32 $0xFFFFC000  }
0xf2: {  	[tilespmem:s2], [sflag:$0x5] =	stream.linear.gather [hbm4b:s5+s2], $0x80, $0x38;
	[tilespmem:$0x10100] =	vst v63  }
0xf3: {  	_ =	swait.ge [sflag:s20], $0x80  }
0xf4: {  	[sflag:s20] =	ssyncset.done $0x0  }
0xf5: {  	[sflag:s20] =	ssyncadd.s32 $0xFFFFFF80  }
0xf6: {  	[tilespmem:s13], [sflag:$0x1] =	stream.indirect.gather [hbm4b:s3+s18], $0x80, s2, s18, $0xb8;
	[tilespmem:$0x10100] =	vst v63  }
0xf7: {  	_ = 	snop  }
0xf8: {  	[tilespmem:s14], [sflag:$0x1] =	stream.indirect.gather [hbm4b:s4+s18], $0x80, s2, s18, $0xb8;
	[tilespmem:$0x10100] =	vst v63  }
0xf9: {  	_ =	swait.ge [sflag:s15], $0x4000  }
0xfa: {  	[sflag:s15] =	ssyncset.done $0x0  }
0xfb: {  	[sflag:s15] =	ssyncadd.s32 $0xFFFFC000  }
0xfc: {  	_ =	swait.ge [sflag:s15], $0x4000  }
0xfd: {  	[sflag:s15] =	ssyncset.done $0x0  }
0xfe: {  	s12 =	simm.s32 $0x4100;
	s1 =	rddreg [dreg:$0x8];
	[sflag:s15] =	ssyncadd.s32 $0xFFFFC000  }
0xff: {  	[hbm4b:s1+s2] =	stream.linear.scatter [tilespmem:s12], [sflag:$0x4], $0x4000, $0x38;
	[tilespmem:$0x10100] =	vst v63  }
0x100: {  	s5 =	rddreg [dreg:$0x9];
	s12 =	simm.s32 $0xC100  }
0x101: {  	[hbm4b:s5+s2] =	stream.linear.scatter [tilespmem:s12], [sflag:$0x4], $0x4000, $0x38;
	[tilespmem:$0x10100] =	vst v63  }
0x102: {  	s5 =	smov.u32 s6;
	s6 =	smov.u32 s8;
	_ =	swait.ge [sflag:s7], $0x4000  }
0x103: {  	s8 =	smov.u32 s9;
	s9 =	smov.u32 s16;
	[sflag:s7] =	ssyncset.done $0x0  }
0x104: {  	s16 =	smov.u32 s17;
	s17 =	smov.u32 s19;
	[sflag:s7] =	ssyncadd.s32 $0xFFFFC000  }
0x105: {  	s19 =	smov.u32 s22;
	s22 =	smov.u32 s23;
	_ =	swait.ge [sflag:s7], $0x4000  }
0x106: {  	s23 =	smov.u32 s24;
	s24 =	smov.u32 s25;
	[sflag:s7] =	ssyncset.done $0x0  }
0x107: {  	s25 =	smov.u32 s26;
	s1 =	rddreg [dreg:$0xa];
	[sflag:s7] =	ssyncadd.s32 $0xFFFFC000  }
0x108: {  	[tilespmem:s18], [sflag:$0x5] =	stream.linear.gather [hbm4b:s1+s2], $0x80, $0x38;
	[tilespmem:$0x10100] =	vst v63  }
0x109: {  	s26 =	smov.u32 s28;
	s28 =	smov.u32 s29;
	_ =	swait.ge [sflag:s20], $0x80  }
0x10a: {  	s29 =	smov.u32 s30;
	s30 =	smov.u32 s31;
	[sflag:s20] =	ssyncset.done $0x0  }
0x10b: {  	s31 =	smov.u32 s11;
	s11 =	simm.s32 $0x4100;
	[sflag:s20] =	ssyncadd.s32 $0xFFFFFF80  }
0x10c: {  	[tilespmem:s11], [sflag:$0x2] =	stream.indirect.gather [hbm4b:s3+s18], $0x80, s18, s18, $0xb8;
	[tilespmem:$0x10100] =	vst v63  }
0x10d: {  	_ = 	snop  }
0x10e: {  	[tilespmem:s12], [sflag:$0x2] =	stream.indirect.gather [hbm4b:s4+s18], $0x80, s18, s18, $0xb8;
	[tilespmem:$0x10100] =	vst v63  }
0x10f: {  	_ =	swait.ge [sflag:s21], $0x4000  }
0x110: {  	[sflag:s21] =	ssyncset.done $0x0  }
0x111: {  	[sflag:s21] =	ssyncadd.s32 $0xFFFFC000  }
0x112: {  	_ =	swait.ge [sflag:s21], $0x4000  }
0x113: {  	[sflag:s21] =	ssyncset.done $0x0  }
0x114: {  	[sflag:s21] =	ssyncadd.s32 $0xFFFFC000  }
0x115: {  	[hbm4b:s30+s2] =	stream.linear.scatter [tilespmem:s13], [sflag:$0x3], $0x4000, $0x38;
	[tilespmem:$0x10100] =	vst v63  }
0x116: {  	_ = 	snop  }
0x117: {  	[hbm4b:s31+s2] =	stream.linear.scatter [tilespmem:s14], [sflag:$0x3], $0x4000, $0x38;
	[tilespmem:$0x10100] =	vst v63  }
0x118: {  	_ =	swait.ge [sflag:s10], $0x4000  }
0x119: {  	[sflag:s10] =	ssyncset.done $0x0  }
0x11a: {  	[sflag:s10] =	ssyncadd.s32 $0xFFFFC000  }
0x11b: {  	_ =	swait.ge [sflag:s10], $0x4000  }
0x11c: {  	[sflag:s10] =	ssyncset.done $0x0  }
0x11d: {  	[sflag:s10] =	ssyncadd.s32 $0xFFFFC000  }
0x11e: {  	[tilespmem:s2], [sflag:$0x5] =	stream.linear.gather [hbm4b:s29+s2], $0x80, $0x38;
	[tilespmem:$0x10100] =	vst v63  }
0x11f: {  	_ =	swait.ge [sflag:s20], $0x80  }
0x120: {  	[sflag:s20] =	ssyncset.done $0x0  }
0x121: {  	[sflag:s20] =	ssyncadd.s32 $0xFFFFFF80  }
0x122: {  	[tilespmem:s13], [sflag:$0x1] =	stream.indirect.gather [hbm4b:s3+s18], $0x80, s2, s18, $0xb8;
	[tilespmem:$0x10100] =	vst v63  }
0x123: {  	_ = 	snop  }
0x124: {  	[tilespmem:s14], [sflag:$0x1] =	stream.indirect.gather [hbm4b:s4+s18], $0x80, s2, s18, $0xb8;
	[tilespmem:$0x10100] =	vst v63  }
0x125: {  	_ =	swait.ge [sflag:s15], $0x4000  }
0x126: {  	[sflag:s15] =	ssyncset.done $0x0  }
0x127: {  	[sflag:s15] =	ssyncadd.s32 $0xFFFFC000  }
0x128: {  	_ =	swait.ge [sflag:s15], $0x4000  }
0x129: {  	[sflag:s15] =	ssyncset.done $0x0  }
0x12a: {  	[sflag:s15] =	ssyncadd.s32 $0xFFFFC000  }
0x12b: {  	[hbm4b:s26+s2] =	stream.linear.scatter [tilespmem:s11], [sflag:$0x4], $0x4000, $0x38;
	[tilespmem:$0x10100] =	vst v63  }
0x12c: {  	_ = 	snop  }
0x12d: {  	[hbm4b:s28+s2] =	stream.linear.scatter [tilespmem:s12], [sflag:$0x4], $0x4000, $0x38;
	[tilespmem:$0x10100] =	vst v63  }
0x12e: {  	_ =	swait.ge [sflag:s7], $0x4000  }
0x12f: {  	[sflag:s7] =	ssyncset.done $0x0  }
0x130: {  	[sflag:s7] =	ssyncadd.s32 $0xFFFFC000  }
0x131: {  	_ =	swait.ge [sflag:s7], $0x4000  }
0x132: {  	[sflag:s7] =	ssyncset.done $0x0  }
0x133: {  	[sflag:s7] =	ssyncadd.s32 $0xFFFFC000  }
0x134: {  	[tilespmem:s18], [sflag:$0x5] =	stream.linear.gather [hbm4b:s25+s2], $0x80, $0x38;
	[tilespmem:$0x10100] =	vst v63  }
0x135: {  	_ =	swait.ge [sflag:s20], $0x80  }
0x136: {  	[sflag:s20] =	ssyncset.done $0x0  }
0x137: {  	[sflag:s20] =	ssyncadd.s32 $0xFFFFFF80  }
0x138: {  	[tilespmem:s11], [sflag:$0x2] =	stream.indirect.gather [hbm4b:s3+s18], $0x80, s18, s18, $0xb8;
	[tilespmem:$0x10100] =	vst v63  }
0x139: {  	_ = 	snop  }
0x13a: {  	[tilespmem:s12], [sflag:$0x2] =	stream.indirect.gather [hbm4b:s4+s18], $0x80, s18, s18, $0xb8;
	[tilespmem:$0x10100] =	vst v63  }
0x13b: {  	_ =	swait.ge [sflag:s21], $0x4000  }
0x13c: {  	[sflag:s21] =	ssyncset.done $0x0  }
0x13d: {  	[sflag:s21] =	ssyncadd.s32 $0xFFFFC000  }
0x13e: {  	_ =	swait.ge [sflag:s21], $0x4000  }
0x13f: {  	[sflag:s21] =	ssyncset.done $0x0  }
0x140: {  	[sflag:s21] =	ssyncadd.s32 $0xFFFFC000  }
0x141: {  	[hbm4b:s23+s2] =	stream.linear.scatter [tilespmem:s13], [sflag:$0x3], $0x4000, $0x38;
	[tilespmem:$0x10100] =	vst v63  }
0x142: {  	_ = 	snop  }
0x143: {  	[hbm4b:s24+s2] =	stream.linear.scatter [tilespmem:s14], [sflag:$0x3], $0x4000, $0x38;
	[tilespmem:$0x10100] =	vst v63  }
0x144: {  	_ =	swait.ge [sflag:s10], $0x4000  }
0x145: {  	[sflag:s10] =	ssyncset.done $0x0  }
0x146: {  	[sflag:s10] =	ssyncadd.s32 $0xFFFFC000  }
0x147: {  	_ =	swait.ge [sflag:s10], $0x4000  }
0x148: {  	[sflag:s10] =	ssyncset.done $0x0  }
0x149: {  	[sflag:s10] =	ssyncadd.s32 $0xFFFFC000  }
0x14a: {  	[tilespmem:s2], [sflag:$0x5] =	stream.linear.gather [hbm4b:s22+s2], $0x80, $0x38;
	[tilespmem:$0x10100] =	vst v63  }
0x14b: {  	_ =	swait.ge [sflag:s20], $0x80  }
0x14c: {  	[sflag:s20] =	ssyncset.done $0x0  }
0x14d: {  	[sflag:s20] =	ssyncadd.s32 $0xFFFFFF80  }
0x14e: {  	[tilespmem:s13], [sflag:$0x1] =	stream.indirect.gather [hbm4b:s3+s18], $0x80, s2, s18, $0xb8;
	[tilespmem:$0x10100] =	vst v63  }
0x14f: {  	_ = 	snop  }
0x150: {  	[tilespmem:s14], [sflag:$0x1] =	stream.indirect.gather [hbm4b:s4+s18], $0x80, s2, s18, $0xb8;
	[tilespmem:$0x10100] =	vst v63  }
0x151: {  	_ =	swait.ge [sflag:s15], $0x4000  }
0x152: {  	[sflag:s15] =	ssyncset.done $0x0  }
0x153: {  	[sflag:s15] =	ssyncadd.s32 $0xFFFFC000  }
0x154: {  	_ =	swait.ge [sflag:s15], $0x4000  }
0x155: {  	[sflag:s15] =	ssyncset.done $0x0  }
0x156: {  	[sflag:s15] =	ssyncadd.s32 $0xFFFFC000  }
0x157: {  	[hbm4b:s17+s2] =	stream.linear.scatter [tilespmem:s11], [sflag:$0x4], $0x4000, $0x38;
	[tilespmem:$0x10100] =	vst v63  }
0x158: {  	_ = 	snop  }
0x159: {  	[hbm4b:s19+s2] =	stream.linear.scatter [tilespmem:s12], [sflag:$0x4], $0x4000, $0x38;
	[tilespmem:$0x10100] =	vst v63  }
0x15a: {  	_ =	swait.ge [sflag:s7], $0x4000  }
0x15b: {  	[sflag:s7] =	ssyncset.done $0x0  }
0x15c: {  	[sflag:s7] =	ssyncadd.s32 $0xFFFFC000  }
0x15d: {  	_ =	swait.ge [sflag:s7], $0x4000  }
0x15e: {  	[sflag:s7] =	ssyncset.done $0x0  }
0x15f: {  	[sflag:s7] =	ssyncadd.s32 $0xFFFFC000  }
0x160: {  	[tilespmem:s18], [sflag:$0x5] =	stream.linear.gather [hbm4b:s16+s2], $0x80, $0x38;
	[tilespmem:$0x10100] =	vst v63  }
0x161: {  	_ =	swait.ge [sflag:s20], $0x80  }
0x162: {  	[sflag:s20] =	ssyncset.done $0x0  }
0x163: {  	[sflag:s20] =	ssyncadd.s32 $0xFFFFFF80  }
0x164: {  	[tilespmem:s11], [sflag:$0x2] =	stream.indirect.gather [hbm4b:s3+s18], $0x80, s18, s18, $0xb8;
	[tilespmem:$0x10100] =	vst v63  }
0x165: {  	_ = 	snop  }
0x166: {  	[tilespmem:s12], [sflag:$0x2] =	stream.indirect.gather [hbm4b:s4+s18], $0x80, s18, s18, $0xb8;
	[tilespmem:$0x10100] =	vst v63  }
0x167: {  	_ =	swait.ge [sflag:s21], $0x4000  }
0x168: {  	[sflag:s21] =	ssyncset.done $0x0  }
0x169: {  	[sflag:s21] =	ssyncadd.s32 $0xFFFFC000  }
0x16a: {  	_ =	swait.ge [sflag:s21], $0x4000  }
0x16b: {  	[sflag:s21] =	ssyncset.done $0x0  }
0x16c: {  	[sflag:s21] =	ssyncadd.s32 $0xFFFFC000  }
0x16d: {  	[hbm4b:s8+s2] =	stream.linear.scatter [tilespmem:s13], [sflag:$0x3], $0x4000, $0x38;
	[tilespmem:$0x10100] =	vst v63  }
0x16e: {  	_ = 	snop  }
0x16f: {  	[hbm4b:s9+s2] =	stream.linear.scatter [tilespmem:s14], [sflag:$0x3], $0x4000, $0x38;
	[tilespmem:$0x10100] =	vst v63  }
0x170: {  	_ =	swait.ge [sflag:s15], $0x4000  }
0x171: {  	[sflag:s15] =	ssyncset.done $0x0  }
0x172: {  	[sflag:s15] =	ssyncadd.s32 $0xFFFFC000  }
0x173: {  	_ =	swait.ge [sflag:s15], $0x4000  }
0x174: {  	[sflag:s15] =	ssyncset.done $0x0  }
0x175: {  	[sflag:s15] =	ssyncadd.s32 $0xFFFFC000  }
0x176: {  	[hbm4b:s5+s2] =	stream.linear.scatter [tilespmem:s11], [sflag:$0x4], $0x4000, $0x38;
	[tilespmem:$0x10100] =	vst v63  }
0x177: {  	_ = 	snop  }
0x178: {  	[hbm4b:s6+s2] =	stream.linear.scatter [tilespmem:s12], [sflag:$0x4], $0x4000, $0x38;
	[tilespmem:$0x10100] =	vst v63  }
0x179: {  	_ =	swait.ge [sflag:s10], $0x4000  }
0x17a: {  	[sflag:s10] =	ssyncset.done $0x0  }
0x17b: {  	[sflag:s10] =	ssyncadd.s32 $0xFFFFC000  }
0x17c: {  	_ =	swait.ge [sflag:s10], $0x4000  }
0x17d: {  	[sflag:s10] =	ssyncset.done $0x0  }
0x17e: {  	p1 =	sne.s32 s0, $0x1;
	[sflag:s10] =	ssyncadd.s32 $0xFFFFC000  }
.Ltmp2:
0x17f: {  	_ =	swait.ge [sflag:s7], $0x4000;
	(pc) =	sbr.rel @p1 .LBB2_2-.Ltmp2, $4  }
0x180: {  	[sflag:s7] =	ssyncset.done $0x0  }
0x181: {  	[sflag:s7] =	ssyncadd.s32 $0xFFFFC000  }
0x182: {  	_ =	swait.ge [sflag:s7], $0x4000  }
0x183: {  	s0 =	sadd.s32 $0xFFFFFFFF, s0;
	s1 =	rddreg [dreg:$0x3];
	[sflag:s7] =	ssyncset.done $0x0  }
.LBB2_3:
0x184: {  	[sflag:s7] =	ssyncadd.s32 @p0 $0xFFFFC000  }
0x185: {  	[tilespmem:s2], [sflag:$0x5] =	stream.linear.gather [hbm4b:s1+s2], $0x80, $0x38;
	[tilespmem:$0x10100] =	vst v63  }
0x186: {  	_ =	swait.ge [sflag:s20], $0x80  }
0x187: {  	[sflag:s20] =	ssyncset.done $0x0  }
0x188: {  	[sflag:s20] =	ssyncadd.s32 $0xFFFFFF80  }
0x189: {  	[tilespmem:s13], [sflag:$0x1] =	stream.indirect.gather [hbm4b:s3+s18], $0x80, s2, s18, $0xb8;
	[tilespmem:$0x10100] =	vst v63  }
0x18a: {  	_ = 	snop  }
0x18b: {  	[tilespmem:s14], [sflag:$0x1] =	stream.indirect.gather [hbm4b:s4+s18], $0x80, s2, s18, $0xb8;
	[tilespmem:$0x10100] =	vst v63  }
0x18c: {  	s0 =	rddreg [dreg:$0x4]  }
0x18d: {  	[tilespmem:s18], [sflag:$0x5] =	stream.linear.gather [hbm4b:s0+s2], $0x80, $0x38;
	[tilespmem:$0x10100] =	vst v63  }
0x18e: {  	_ =	swait.ge [sflag:s20], $0x80  }
0x18f: {  	[sflag:s20] =	ssyncset.done $0x0  }
0x190: {  	[sflag:s20] =	ssyncadd.s32 $0xFFFFFF80  }
0x191: {  	[tilespmem:s11], [sflag:$0x2] =	stream.indirect.gather [hbm4b:s3+s18], $0x80, s18, s18, $0xb8;
	[tilespmem:$0x10100] =	vst v63  }
0x192: {  	_ = 	snop  }
0x193: {  	[tilespmem:s12], [sflag:$0x2] =	stream.indirect.gather [hbm4b:s4+s18], $0x80, s18, s18, $0xb8;
	[tilespmem:$0x10100] =	vst v63  }
0x194: {  	_ =	swait.ge [sflag:s21], $0x4000  }
0x195: {  	[sflag:s21] =	ssyncset.done $0x0  }
0x196: {  	[sflag:s21] =	ssyncadd.s32 $0xFFFFC000  }
0x197: {  	_ =	swait.ge [sflag:s21], $0x4000  }
0x198: {  	[sflag:s21] =	ssyncset.done $0x0  }
0x199: {  	s0 =	rddreg [dreg:$0x5];
	[sflag:s21] =	ssyncadd.s32 $0xFFFFC000  }
0x19a: {  	[hbm4b:s0+s2] =	stream.linear.scatter [tilespmem:s13], [sflag:$0x3], $0x4000, $0x38;
	[tilespmem:$0x10100] =	vst v63  }
0x19b: {  	s1 =	rddreg [dreg:$0x6]  }
0x19c: {  	[hbm4b:s1+s2] =	stream.linear.scatter [tilespmem:s14], [sflag:$0x3], $0x4000, $0x38;
	[tilespmem:$0x10100] =	vst v63  }
0x19d: {  	_ =	swait.ge [sflag:s10], $0x4000  }
0x19e: {  	[sflag:s10] =	ssyncset.done $0x0  }
0x19f: {  	[sflag:s10] =	ssyncadd.s32 $0xFFFFC000  }
0x1a0: {  	_ =	swait.ge [sflag:s10], $0x4000  }
0x1a1: {  	[sflag:s10] =	ssyncset.done $0x0  }
0x1a2: {  	s1 =	rddreg [dreg:$0x7];
	[sflag:s10] =	ssyncadd.s32 $0xFFFFC000  }
0x1a3: {  	[tilespmem:s2], [sflag:$0x5] =	stream.linear.gather [hbm4b:s1+s2], $0x80, $0x38;
	[tilespmem:$0x10100] =	vst v63  }
0x1a4: {  	_ =	swait.ge [sflag:s20], $0x80  }
0x1a5: {  	[sflag:s20] =	ssyncset.done $0x0  }
0x1a6: {  	[sflag:s20] =	ssyncadd.s32 $0xFFFFFF80  }
0x1a7: {  	[tilespmem:s13], [sflag:$0x1] =	stream.indirect.gather [hbm4b:s3+s18], $0x80, s2, s18, $0xb8;
	[tilespmem:$0x10100] =	vst v63  }
0x1a8: {  	_ = 	snop  }
0x1a9: {  	[tilespmem:s14], [sflag:$0x1] =	stream.indirect.gather [hbm4b:s4+s18], $0x80, s2, s18, $0xb8;
	[tilespmem:$0x10100] =	vst v63  }
0x1aa: {  	_ =	swait.ge [sflag:s15], $0x4000  }
0x1ab: {  	[sflag:s15] =	ssyncset.done $0x0  }
0x1ac: {  	[sflag:s15] =	ssyncadd.s32 $0xFFFFC000  }
0x1ad: {  	_ =	swait.ge [sflag:s15], $0x4000  }
0x1ae: {  	[sflag:s15] =	ssyncset.done $0x0  }
0x1af: {  	s0 =	rddreg [dreg:$0x8];
	[sflag:s15] =	ssyncadd.s32 $0xFFFFC000  }
0x1b0: {  	[hbm4b:s0+s2] =	stream.linear.scatter [tilespmem:s11], [sflag:$0x4], $0x4000, $0x38;
	[tilespmem:$0x10100] =	vst v63  }
0x1b1: {  	s1 =	rddreg [dreg:$0x9]  }
0x1b2: {  	[hbm4b:s1+s2] =	stream.linear.scatter [tilespmem:s12], [sflag:$0x4], $0x4000, $0x38;
	[tilespmem:$0x10100] =	vst v63  }
0x1b3: {  	_ =	swait.ge [sflag:s7], $0x4000  }
0x1b4: {  	[sflag:s7] =	ssyncset.done $0x0  }
0x1b5: {  	[sflag:s7] =	ssyncadd.s32 $0xFFFFC000  }
0x1b6: {  	_ =	swait.ge [sflag:s7], $0x4000  }
0x1b7: {  	[sflag:s7] =	ssyncset.done $0x0  }
0x1b8: {  	s1 =	rddreg [dreg:$0xa];
	[sflag:s7] =	ssyncadd.s32 $0xFFFFC000  }
0x1b9: {  	[tilespmem:s18], [sflag:$0x5] =	stream.linear.gather [hbm4b:s1+s2], $0x80, $0x38;
	[tilespmem:$0x10100] =	vst v63  }
0x1ba: {  	_ =	swait.ge [sflag:s20], $0x80  }
0x1bb: {  	[sflag:s20] =	ssyncset.done $0x0  }
0x1bc: {  	[sflag:s20] =	ssyncadd.s32 $0xFFFFFF80  }
0x1bd: {  	[tilespmem:s11], [sflag:$0x2] =	stream.indirect.gather [hbm4b:s3+s18], $0x80, s18, s18, $0xb8;
	[tilespmem:$0x10100] =	vst v63  }
0x1be: {  	_ = 	snop  }
0x1bf: {  	[tilespmem:s12], [sflag:$0x2] =	stream.indirect.gather [hbm4b:s4+s18], $0x80, s18, s18, $0xb8;
	[tilespmem:$0x10100] =	vst v63  }
0x1c0: {  	_ =	swait.ge [sflag:s21], $0x4000  }
0x1c1: {  	[sflag:s21] =	ssyncset.done $0x0  }
0x1c2: {  	[sflag:s21] =	ssyncadd.s32 $0xFFFFC000  }
0x1c3: {  	_ =	swait.ge [sflag:s21], $0x4000  }
0x1c4: {  	[sflag:s21] =	ssyncset.done $0x0  }
0x1c5: {  	[sflag:s21] =	ssyncadd.s32 $0xFFFFC000  }
0x1c6: {  	[hbm4b:s30+s2] =	stream.linear.scatter [tilespmem:s13], [sflag:$0x3], $0x4000, $0x38;
	[tilespmem:$0x10100] =	vst v63  }
0x1c7: {  	_ = 	snop  }
0x1c8: {  	[hbm4b:s31+s2] =	stream.linear.scatter [tilespmem:s14], [sflag:$0x3], $0x4000, $0x38;
	[tilespmem:$0x10100] =	vst v63  }
0x1c9: {  	_ =	swait.ge [sflag:s10], $0x4000  }
0x1ca: {  	[sflag:s10] =	ssyncset.done $0x0  }
0x1cb: {  	[sflag:s10] =	ssyncadd.s32 $0xFFFFC000  }
0x1cc: {  	_ =	swait.ge [sflag:s10], $0x4000  }
0x1cd: {  	[sflag:s10] =	ssyncset.done $0x0  }
0x1ce: {  	[sflag:s10] =	ssyncadd.s32 $0xFFFFC000  }
0x1cf: {  	[tilespmem:s2], [sflag:$0x5] =	stream.linear.gather [hbm4b:s29+s2], $0x80, $0x38;
	[tilespmem:$0x10100] =	vst v63  }
0x1d0: {  	_ =	swait.ge [sflag:s20], $0x80  }
0x1d1: {  	[sflag:s20] =	ssyncset.done $0x0  }
0x1d2: {  	[sflag:s20] =	ssyncadd.s32 $0xFFFFFF80  }
0x1d3: {  	[tilespmem:s13], [sflag:$0x1] =	stream.indirect.gather [hbm4b:s3+s18], $0x80, s2, s18, $0xb8;
	[tilespmem:$0x10100] =	vst v63  }
0x1d4: {  	_ = 	snop  }
0x1d5: {  	[tilespmem:s14], [sflag:$0x1] =	stream.indirect.gather [hbm4b:s4+s18], $0x80, s2, s18, $0xb8;
	[tilespmem:$0x10100] =	vst v63  }
0x1d6: {  	_ =	swait.ge [sflag:s15], $0x4000  }
0x1d7: {  	[sflag:s15] =	ssyncset.done $0x0  }
0x1d8: {  	[sflag:s15] =	ssyncadd.s32 $0xFFFFC000  }
0x1d9: {  	_ =	swait.ge [sflag:s15], $0x4000  }
0x1da: {  	[sflag:s15] =	ssyncset.done $0x0  }
0x1db: {  	[sflag:s15] =	ssyncadd.s32 $0xFFFFC000  }
0x1dc: {  	[hbm4b:s26+s2] =	stream.linear.scatter [tilespmem:s11], [sflag:$0x4], $0x4000, $0x38;
	[tilespmem:$0x10100] =	vst v63  }
0x1dd: {  	_ = 	snop  }
0x1de: {  	[hbm4b:s28+s2] =	stream.linear.scatter [tilespmem:s12], [sflag:$0x4], $0x4000, $0x38;
	[tilespmem:$0x10100] =	vst v63  }
0x1df: {  	_ =	swait.ge [sflag:s7], $0x4000  }
0x1e0: {  	[sflag:s7] =	ssyncset.done $0x0  }
0x1e1: {  	[sflag:s7] =	ssyncadd.s32 $0xFFFFC000  }
0x1e2: {  	_ =	swait.ge [sflag:s7], $0x4000  }
0x1e3: {  	[sflag:s7] =	ssyncset.done $0x0  }
0x1e4: {  	[sflag:s7] =	ssyncadd.s32 $0xFFFFC000  }
0x1e5: {  	[tilespmem:s18], [sflag:$0x5] =	stream.linear.gather [hbm4b:s25+s2], $0x80, $0x38;
	[tilespmem:$0x10100] =	vst v63  }
0x1e6: {  	_ =	swait.ge [sflag:s20], $0x80  }
0x1e7: {  	[sflag:s20] =	ssyncset.done $0x0  }
0x1e8: {  	[sflag:s20] =	ssyncadd.s32 $0xFFFFFF80  }
0x1e9: {  	[tilespmem:s11], [sflag:$0x2] =	stream.indirect.gather [hbm4b:s3+s18], $0x80, s18, s18, $0xb8;
	[tilespmem:$0x10100] =	vst v63  }
0x1ea: {  	_ = 	snop  }
0x1eb: {  	[tilespmem:s12], [sflag:$0x2] =	stream.indirect.gather [hbm4b:s4+s18], $0x80, s18, s18, $0xb8;
	[tilespmem:$0x10100] =	vst v63  }
0x1ec: {  	_ =	swait.ge [sflag:s21], $0x4000  }
0x1ed: {  	[sflag:s21] =	ssyncset.done $0x0  }
0x1ee: {  	[sflag:s21] =	ssyncadd.s32 $0xFFFFC000  }
0x1ef: {  	_ =	swait.ge [sflag:s21], $0x4000  }
0x1f0: {  	[sflag:s21] =	ssyncset.done $0x0  }
0x1f1: {  	[sflag:s21] =	ssyncadd.s32 $0xFFFFC000  }
0x1f2: {  	[hbm4b:s23+s2] =	stream.linear.scatter [tilespmem:s13], [sflag:$0x3], $0x4000, $0x38;
	[tilespmem:$0x10100] =	vst v63  }
0x1f3: {  	_ = 	snop  }
0x1f4: {  	[hbm4b:s24+s2] =	stream.linear.scatter [tilespmem:s14], [sflag:$0x3], $0x4000, $0x38;
	[tilespmem:$0x10100] =	vst v63  }
0x1f5: {  	_ =	swait.ge [sflag:s10], $0x4000  }
0x1f6: {  	[sflag:s10] =	ssyncset.done $0x0  }
0x1f7: {  	[sflag:s10] =	ssyncadd.s32 $0xFFFFC000  }
0x1f8: {  	_ =	swait.ge [sflag:s10], $0x4000  }
0x1f9: {  	[sflag:s10] =	ssyncset.done $0x0  }
0x1fa: {  	[sflag:s10] =	ssyncadd.s32 $0xFFFFC000  }
0x1fb: {  	[tilespmem:s2], [sflag:$0x5] =	stream.linear.gather [hbm4b:s22+s2], $0x80, $0x38;
	[tilespmem:$0x10100] =	vst v63  }
0x1fc: {  	_ =	swait.ge [sflag:s20], $0x80  }
0x1fd: {  	[sflag:s20] =	ssyncset.done $0x0  }
0x1fe: {  	[sflag:s20] =	ssyncadd.s32 $0xFFFFFF80  }
0x1ff: {  	[tilespmem:s13], [sflag:$0x1] =	stream.indirect.gather [hbm4b:s3+s18], $0x80, s2, s18, $0xb8;
	[tilespmem:$0x10100] =	vst v63  }
0x200: {  	_ = 	snop  }
0x201: {  	[tilespmem:s14], [sflag:$0x1] =	stream.indirect.gather [hbm4b:s4+s18], $0x80, s2, s18, $0xb8;
	[tilespmem:$0x10100] =	vst v63  }
0x202: {  	_ =	swait.ge [sflag:s15], $0x4000  }
0x203: {  	[sflag:s15] =	ssyncset.done $0x0  }
0x204: {  	[sflag:s15] =	ssyncadd.s32 $0xFFFFC000  }
0x205: {  	_ =	swait.ge [sflag:s15], $0x4000  }
0x206: {  	[sflag:s15] =	ssyncset.done $0x0  }
0x207: {  	[sflag:s15] =	ssyncadd.s32 $0xFFFFC000  }
0x208: {  	[hbm4b:s17+s2] =	stream.linear.scatter [tilespmem:s11], [sflag:$0x4], $0x4000, $0x38;
	[tilespmem:$0x10100] =	vst v63  }
0x209: {  	_ = 	snop  }
0x20a: {  	[hbm4b:s19+s2] =	stream.linear.scatter [tilespmem:s12], [sflag:$0x4], $0x4000, $0x38;
	[tilespmem:$0x10100] =	vst v63  }
0x20b: {  	_ =	swait.ge [sflag:s7], $0x4000  }
0x20c: {  	[sflag:s7] =	ssyncset.done $0x0  }
0x20d: {  	[sflag:s7] =	ssyncadd.s32 $0xFFFFC000  }
0x20e: {  	_ =	swait.ge [sflag:s7], $0x4000  }
0x20f: {  	[sflag:s7] =	ssyncset.done $0x0  }
0x210: {  	[sflag:s7] =	ssyncadd.s32 $0xFFFFC000  }
0x211: {  	[tilespmem:s18], [sflag:$0x5] =	stream.linear.gather [hbm4b:s16+s2], $0x80, $0x38;
	[tilespmem:$0x10100] =	vst v63  }
0x212: {  	_ =	swait.ge [sflag:s20], $0x80  }
0x213: {  	[sflag:s20] =	ssyncset.done $0x0  }
0x214: {  	[sflag:s20] =	ssyncadd.s32 $0xFFFFFF80  }
0x215: {  	[tilespmem:s11], [sflag:$0x2] =	stream.indirect.gather [hbm4b:s3+s18], $0x80, s18, s18, $0xb8;
	[tilespmem:$0x10100] =	vst v63  }
0x216: {  	_ = 	snop  }
0x217: {  	[tilespmem:s12], [sflag:$0x2] =	stream.indirect.gather [hbm4b:s4+s18], $0x80, s18, s18, $0xb8;
	[tilespmem:$0x10100] =	vst v63  }
0x218: {  	_ =	swait.ge [sflag:s21], $0x4000  }
0x219: {  	[sflag:s21] =	ssyncset.done $0x0  }
0x21a: {  	[sflag:s21] =	ssyncadd.s32 $0xFFFFC000  }
0x21b: {  	_ =	swait.ge [sflag:s21], $0x4000  }
0x21c: {  	[sflag:s21] =	ssyncset.done $0x0  }
0x21d: {  	[sflag:s21] =	ssyncadd.s32 $0xFFFFC000  }
0x21e: {  	[hbm4b:s8+s2] =	stream.linear.scatter [tilespmem:s13], [sflag:$0x3], $0x4000, $0x38;
	[tilespmem:$0x10100] =	vst v63  }
0x21f: {  	_ = 	snop  }
0x220: {  	[hbm4b:s9+s2] =	stream.linear.scatter [tilespmem:s14], [sflag:$0x3], $0x4000, $0x38;
	[tilespmem:$0x10100] =	vst v63  }
0x221: {  	_ =	swait.ge [sflag:s15], $0x4000  }
0x222: {  	[sflag:s15] =	ssyncset.done $0x0  }
0x223: {  	[sflag:s15] =	ssyncadd.s32 $0xFFFFC000  }
0x224: {  	_ =	swait.ge [sflag:s15], $0x4000  }
0x225: {  	[sflag:s15] =	ssyncset.done $0x0  }
0x226: {  	[sflag:s15] =	ssyncadd.s32 $0xFFFFC000  }
0x227: {  	[hbm4b:s5+s2] =	stream.linear.scatter [tilespmem:s11], [sflag:$0x4], $0x4000, $0x38;
	[tilespmem:$0x10100] =	vst v63  }
0x228: {  	_ = 	snop  }
0x229: {  	[hbm4b:s6+s2] =	stream.linear.scatter [tilespmem:s12], [sflag:$0x4], $0x4000, $0x38;
	[tilespmem:$0x10100] =	vst v63  }
0x22a: {  	_ =	swait.ge [sflag:s10], $0x4000  }
0x22b: {  	[sflag:s10] =	ssyncset.done $0x0  }
0x22c: {  	[sflag:s10] =	ssyncadd.s32 $0xFFFFC000  }
0x22d: {  	_ =	swait.ge [sflag:s10], $0x4000  }
0x22e: {  	[sflag:s10] =	ssyncset.done $0x0  }
0x22f: {  	[sflag:s10] =	ssyncadd.s32 $0xFFFFC000  }
0x230: {  	_ =	swait.ge [sflag:s7], $0x4000  }
0x231: {  	[sflag:s7] =	ssyncset.done $0x0  }
0x232: {  	[sflag:s7] =	ssyncadd.s32 $0xFFFFC000  }
0x233: {  	_ =	swait.ge [sflag:s7], $0x4000  }
0x234: {  	[sflag:s7] =	ssyncset.done $0x0  }
0x235: {  	[sflag:s7] =	ssyncadd.s32 $0xFFFFC000  }
0x236: {  	_ =	sfence.sel $0x180000  }
0x237: {  	[bflag:$0x0] =	sbarrier.arrive $0xFFFF  }
0x238: {  	_ =	strace $0x9000004A  }
0x239: {  	s31 =	stileid.u32;
	[bflag:$0x2] =	sbarrier.arrive $0xFFFF  }
0x23a: {  	p0 =	sne.s32 s31, $0x0;
	s0 =	rddreg [dreg:$0x2]  }
0x23b: {  	s0 =	sadd.s32 @!p0 $0x100000, s0  }
0x23c: {  	[sflag:s0] =	ssyncadd.tile.s32 @!p0 $0x1;
	_ =	shalt  }
.Lfunc_end2:
_tile_overlayer_lowered:
.L_overlay_start_2:
0x23d: {  	(tag) =	ssettag $0x2  }
0x23e: {  	s0 =	rddreg [dreg:$0x0];
	s2 =	stileid.u32  }
0x23f: {  	s1 =	rddreg [dreg:$0x1];
	p0 =	sne.s32 s2, $0x0  }
0x240: {  	s3 =	rddreg [dreg:$0x2];
	[bflag:$0x3] =	sbarrier.arrive $0xFFFF;
	s2 =	simm.s32 @!p0 $0x1C05  }
0x241: {  	[timem:s3], [sflag:s2] =	dma.local @!p0 [hbm:s0], s1  }
0x242: {  	s0 =	simm.s32 @!p0 $0x5  }
0x243: {  	_ =	swait.ge @!p0 [sflag:s0], s1  }
0x244: {  	s1 =	ssub.s32 @!p0 $0x0, s1;
	[sflag:s0] =	ssyncset.done @!p0 $0x0  }
0x245: {  	[sflag:s0] =	ssyncadd.s32 @!p0 s1  }
0x246: {  	[bflag:$0x3] =	sbarrier.arrive $0xFFFF  }
0x247: {  	_ =	shalt  }

// kernel: kernel.9.cloned.1.call-start
scs
__scs_entry_jumppad:
0x0: {  	(pc) =	sbr.rel $0x88, $3  }
0x1: {  	(tag) =	ssettag $0x0;
	lr =	simm.s32 $0x1  }
0x2: {  	[smem:$0x3F8F] =	sst lr;
	_ =	strace $0xD0000000  }
0x3: {  	_ = 	snop  }
0x4: {  	_ = 	snop  }
0x5: {  	_ = 	snop  }
0x6: {  	_ = 	snop  }
0x7: {  	_ = 	snop  }
__scs_overlays_trampoline_lowered:
0x8: {  	[smem:$0x3F9E] =	sst s0  }
0x9: {  	[smem:$0x3F9F] =	sst s1  }
0xa: {  	[smem:$0x3FA0] =	sst s2  }
0xb: {  	[smem:$0x3FA1] =	sst s3  }
0xc: {  	[smem:$0x3FA2] =	sst s4  }
0xd: {  	[smem:$0x3FA3] =	sst s5  }
0xe: {  	[smem:$0x3FA4] =	sst s6  }
0xf: {  	[smem:$0x3FA5] =	sst s7  }
0x10: {  	[smem:$0x3FA6] =	sst s8  }
0x11: {  	[smem:$0x3FA7] =	sst s9;
	s0 =	simm.s32 @!p0 $0x0  }
0x12: {  	s1 =	sld [smem:$0x3F8D];
	s0 =	simm.s32 @p0 $0x1  }
0x13: {  	[smem:$0x3FA8] =	sst s0;
	s0 =	simm.s32 @!p1 $0x0  }
0x14: {  	s2 =	sld [smem:$0x3F8C];
	s0 =	simm.s32 @p1 $0x1  }
0x15: {  	[smem:$0x3FA9] =	sst s0;
	s0 =	simm.s32 @!p2 $0x0  }
0x16: {  	s3 =	sld [smem:$0x3FDB];
	s0 =	simm.s32 @p2 $0x1  }
0x17: {  	s4 =	simm.s32 $0x1BF5;
	[smem:$0x3FAB] =	sst s0  }
0x18: {  	s0 =	sld [smem:$0x3F8E];
	_ =	swait.ge [sflag:s4], $0x0  }
0x19: {  	s7 =	sld [smem:$0x3F8F]  }
0x1a: {  	s8 =	sadd.s32 $0xFFFFE003, lr  }
0x1b: {  	s9 =	sadd.s32 $0xFFFFFEF7, lr;
	s5 =	simm.s32 $0xFFFFFFFF;
	p2 =	slt.u32 s8, $0xFFFFF086  }
0x1c: {  	p1 =	slt.u32 s9, $0xF7A;
	s5 =	simm.s32 @!p2 $0x0  }
0x1d: {  	s5 =	simm.s32 @p1 $0x1;
	p0 =	seq.s32 s7, s2  }
0x1e: {  	s7 =	smul.u32 @!p0 $0xF7A, s2;
	p2 =	seq.s32 @!p0 s5, $0x0  }
0x1f: {  	s9 =	smul.u32 $0xF7A, s1;
	s8 =	simm.s32 @!p0 $0x1BF5;
	p2 =	por !p2, p0  }
0x20: {  	[sflag:s8] =	ssyncset.s32 @!p0 $0xFFFFF086;
	s6 =	sadd.s32 @!p0 s3, s7;
	s7 =	simm.s32 @!p0 $0x108  }
0x21: {  	s3 =	sadd.s32 s3, s9;
	s6 =	sadd.s32 @!p0 $0x88, s6;
	s7 =	simm.s32 @p2 $0x1082  }
0x22: {  	[simem:s7], [sflag:s8] =	dma.local @!p0 [hbm:s6], $0xF7A  }
0x23: {  	s9 =	sor.u32 $0xD0000000, s2;
	s6 =	simm.s32 $0x108;
	_ =	swait.ge @!p0 [sflag:s8], $0x0  }
0x24: {  	s3 =	sadd.s32 $0x88, s3;
	s6 =	simm.s32 @!p1 $0x1082;
	[sflag:s4] =	ssyncset.s32 $0xFFFFF086  }
0x25: {  	[simem:s6], [sflag:s4] =	dma.local [hbm:s3], $0xF7A  }
0x26: {  	[smem:$0x3F8F] =	sst s1;
	(tag) =	ssettag s2;
	_ =	strace s9  }
0x27: {  	s1 =	sld [smem:$0x3F9F]  }
0x28: {  	s2 =	sld [smem:$0x3FA0]  }
0x29: {  	s4 =	sld [smem:$0x3FA2]  }
0x2a: {  	p0 =	seq.s32 s5, $0x0;
	s5 =	sld [smem:$0x3FA3]  }
0x2b: {  	s6 =	sld [smem:$0x3FA4]  }
0x2c: {  	s7 =	sld [smem:$0x3FA5]  }
0x2d: {  	s3 =	simm.s32 $0x108;
	s8 =	sld [smem:$0x3FA6]  }
0x2e: {  	s3 =	simm.s32 @!p0 $0x1082;
	s9 =	sld [smem:$0x3FA7]  }
0x2f: {  	lr =	sadd.s32 s0, s3;
	s0 =	sld [smem:$0x3F9E]  }
0x30: {  	s3 =	sld [smem:$0x3FA1]  }
0x31: {  	[smem:$0x3FAA] =	sst s10  }
0x32: {  	s10 =	sld [smem:$0x3FA8];
	_ =	sdelay $0x3  }
0x33: {  	p0 =	seq.s32 s10, $0x1;
	s10 =	sld [smem:$0x3FAA];
	_ =	sdelay $0x3  }
0x34: {  	[smem:$0x3FAA] =	sst s10  }
0x35: {  	s10 =	sld [smem:$0x3FA9];
	_ =	sdelay $0x3  }
0x36: {  	p1 =	seq.s32 s10, $0x1;
	s10 =	sld [smem:$0x3FAA];
	_ =	sdelay $0x3  }
0x37: {  	[smem:$0x3FAA] =	sst s10  }
0x38: {  	s10 =	sld [smem:$0x3FAB]  }
0x39: {  	_ = 	snop;
	(pc) =	sbr.ind lr, $3  }
0x3a: {  	_ = 	snop  }
0x3b: {  	_ = 	snop  }
0x3c: {  	p2 =	seq.s32 s10, $0x1;
	s10 =	sld [smem:$0x3FAA]  }
0x3d: {  	_ =	shalt  }
0x3e: {  	_ =	shalt  }
0x3f: {  	_ =	shalt  }
0x40: {  	_ =	shalt  }
0x41: {  	_ =	shalt  }
0x42: {  	_ =	shalt  }
0x43: {  	_ =	shalt  }
0x44: {  	_ =	shalt  }
0x45: {  	_ =	shalt  }
0x46: {  	_ =	shalt  }
0x47: {  	_ =	shalt  }
0x48: {  	_ =	shalt  }
0x49: {  	_ =	shalt  }
0x4a: {  	_ =	shalt  }
0x4b: {  	_ =	shalt  }
0x4c: {  	_ =	shalt  }
0x4d: {  	_ =	shalt  }
0x4e: {  	_ =	shalt  }
0x4f: {  	_ =	shalt  }
0x50: {  	_ =	shalt  }
0x51: {  	_ =	shalt  }
0x52: {  	_ =	shalt  }
0x53: {  	_ =	shalt  }
0x54: {  	_ =	shalt  }
0x55: {  	_ =	shalt  }
0x56: {  	_ =	shalt  }
0x57: {  	_ =	shalt  }
0x58: {  	_ =	shalt  }
0x59: {  	_ =	shalt  }
0x5a: {  	_ =	shalt  }
0x5b: {  	_ =	shalt  }
0x5c: {  	_ =	shalt  }
0x5d: {  	_ =	shalt  }
0x5e: {  	_ =	shalt  }
0x5f: {  	_ =	shalt  }
0x60: {  	_ =	shalt  }
0x61: {  	_ =	shalt  }
0x62: {  	_ =	shalt  }
0x63: {  	_ =	shalt  }
0x64: {  	_ =	shalt  }
0x65: {  	_ =	shalt  }
0x66: {  	_ =	shalt  }
0x67: {  	_ =	shalt  }
0x68: {  	_ =	shalt  }
0x69: {  	_ =	shalt  }
0x6a: {  	_ =	shalt  }
0x6b: {  	_ =	shalt  }
0x6c: {  	_ =	shalt  }
0x6d: {  	_ =	shalt  }
0x6e: {  	_ =	shalt  }
0x6f: {  	_ =	shalt  }
0x70: {  	_ =	shalt  }
0x71: {  	_ =	shalt  }
0x72: {  	_ =	shalt  }
0x73: {  	_ =	shalt  }
0x74: {  	_ =	shalt  }
0x75: {  	_ =	shalt  }
0x76: {  	_ =	shalt  }
0x77: {  	_ =	shalt  }
0x78: {  	_ =	shalt  }
0x79: {  	_ =	shalt  }
0x7a: {  	_ =	shalt  }
0x7b: {  	_ =	shalt  }
0x7c: {  	_ =	shalt  }
0x7d: {  	_ =	shalt  }
0x7e: {  	_ =	shalt  }
0x7f: {  	_ =	shalt  }
0x80: {  	_ =	shalt  }
0x81: {  	_ =	shalt  }
0x82: {  	_ =	shalt  }
0x83: {  	_ =	shalt  }
0x84: {  	_ =	shalt  }
0x85: {  	_ =	shalt  }
0x86: {  	_ =	shalt  }
0x87: {  	_ =	shalt  }
.Lfunc_end0:
.L_simem_size_0:
called_computation_lowered:
.L_overlay_start_0:
0x88: {  	s2 =	sld [smem:$0x3FD9]  }
0x89: {  	s3 =	sld [smem:$0x3FFE];
	_ =	sdelay $0x1  }
0x8a: {  	s1 =	srdreg.scid  }
0x8b: {  	s0 =	sand.u32 $0x1, s1  }
0x8c: {  	s16 =	sshll.u32 s0, $0xA;
	s2 =	sadd.s32 s3, s2  }
0x8d: {  	s2 =	sadd.s32 s2, s16  }
0x8e: {  	[smem:$0x3FB6] =	sst s2  }
0x8f: {  	_ = 	snop  }
0x90: {  	(tm) =	ssettm $0x1  }
0x91: {  	s17 =	sld [smem:$0x3FFB];
	_ =	sdelay $0x3  }
0x92: {  	_ =	strace s17  }
0x93: {  	s2 =	sld [smem:$0x3FFC];
	_ =	sdelay $0x3  }
0x94: {  	_ =	strace s2  }
0x95: {  	s2 =	sld [smem:$0x3FFD];
	_ =	sdelay $0x3  }
0x96: {  	_ =	strace s2  }
0x97: {  	_ =	strace $0x8FFFFFFF  }
0x98: {  	s18 =	sld [smem:$0x3FDB];
	_ =	sdelay $0x1  }
0x99: {  	s19 =	simm.s32 $_scs_section_size  }
0x9a: {  	s4 =	simm.s32 $_size__tile_overlayer_lowered;
	s5 =	simm.s32 $_tile_overlayer_lowered  }
0x9b: {  	s22 =	simm.s32 $0x1BFF;
	s21 =	sshll.u32 s5, $0x1;
	s2 =	sadd.s32 s19, s18  }
0x9c: {  	s6 =	simm.s32 $0x0;
	s20 =	sshll.u32 s4, $0x1;
	s4 =	sadd.s32 s21, s2  }
0x9d: {  	[timem:s6], [sflag:s22] =	dma.local [hbm:s4], s20  }
0x9e: {  	_ =	swait.ge [sflag:s22], s20  }
0x9f: {  	s3 =	ssub.s32 $0x0, s20;
	[sflag:s22] =	ssyncset.done $0x0  }
0xa0: {  	[sflag:s22] =	ssyncadd.s32 s3;
	_ =	sdelay $0x1  }
0xa1: {  	s23 =	simm.s32 $0x1B8B  }
0xa2: {  	_ =	swait.ge [sflag:s23], $0x1  }
0xa3: {  	[sflag:s23] =	ssyncset.done $0x0  }
0xa4: {  	s25 =	simm.s32 $0x1B8E;
	s24 =	sld [smem:$0x3FFE];
	[sflag:s23] =	ssyncadd.s32 $0xFFFFFFFF  }
0xa5: {  	s26 =	simm.s32 $execute0_lowered;
	[smem:$0x3FD2] =	sst s25  }
0xa6: {  	s4 =	sshll.u32 s26, $0x1;
	_ =	strace $0x80000046;
	[dreg:$0x1] =	wrdreg $0xFFFFFFFF  }
0xa7: {  	s28 =	simm.s32 $_size_execute0_lowered;
	s2 =	sadd.s32 s2, s4;
	[dreg:$0x0] =	wrdreg $0x0  }
0xa8: {  	s4 =	sshll.u32 s28, $0x1;
	[dreg:$0x2] =	wrdreg s2  }
0xa9: {  	[dreg:$0x3] =	wrdreg s4  }
0xaa: {  	[dreg:$0x4] =	wrdreg $0xC0  }
0xab: {  	_ =	task [dreg:s6], $0x5FFFF  }
0xac: {  	[dreg:$0x1] =	wrdreg $0xFFFFFFFF  }
0xad: {  	[dreg:$0x0] =	wrdreg $0x60  }
0xae: {  	[dreg:$0x2] =	wrdreg s24  }
0xaf: {  	[dreg:$0x3] =	wrdreg $0x9  }
0xb0: {  	_ =	task.clear_ibuf [dreg:s6], $0x4FFFF;
	_ =	strace $0x90000046  }
0xb1: {  	s29 =	simm.s32 $0x9;
	_ =	strace $0x80000048  }
0xb2: {  	_ =	swait.ge [sflag:s29], $0x1  }
0xb3: {  	[sflag:s29] =	ssyncadd.s32 $0xFFFFFFFF  }
0xb4: {  	_ =	strace $0x90000048  }
0xb5: {  	_ =	sfence  }
0xb6: {  	s30 =	sld [smem:$0x0];
	_ =	sdelay $0x2  }
0xb7: {  	s31 =	sshll.u32 s1, $0xD;
	s1 =	sshrl.u32 s1, $0x2  }
0xb8: {  	s3 =	sand.u32 $0x4000, s31;
	s1 =	sadd.s32 s1, s30  }
0xb9: {  	s0 =	sor.u32 s3, s0;
	s1 =	sshll.u32 s1, $0x11  }
0xba: {  	s0 =	sor.u32 s1, s0  }
0xbb: {  	s0 =	sadd.s32 $0x8F2B, s0  }
0xbc: {  	[sflag:s0] =	ssyncadd.remote.s32 $0x1  }
0xbd: {  	_ =	sfence.sel $0xFFFF  }
0xbe: {  	[dreg:$0x0] =	wrdreg $0xFFFFFFFF;
	(pc) =	sbr.abs _section_cstart, $3  }
0xbf: {  	[dreg:$0x1] =	wrdreg $0xFFFFFFFF  }
0xc0: {  	_ =	task.clear_ibuf [dreg:s6], $0x2FFFF;
	_ =	strace $0x9FFFFFFF  }
0xc1: {  	(tm) =	ssettm $0x7FFFFFFF  }
tec
execute0_lowered:
.L_overlay_start_1:
0x0: {  	(tag) =	ssettag $0x1  }
0x1: {  	s0 =	rddreg [dreg:$0x0];
	s2 =	simm.s32 $0x0  }
0x2: {  	s1 =	srdreg.scid;
	s7 =	stileid.u32;
	p0 =	por $0x0, $0x0  }
0x3: {  	[smem:$0x7FF] =	sst s2;
	s3 =	sadd.s32 $0xC400, s0;
	s4 =	sadd.s32 $0x4400, s0  }
0x4: {  	s5 =	sadd.s32 $0x14400, s0;
	s1 =	sand.u32 $0x1, s1;
	s6 =	sadd.s32 $0x15400, s0  }
0x5: {  	s7 =	sshll.u32 s7, $0xB;
	s0 =	sadd.s32 $0x95400, s0;
	s8 =	sshll.u32 s1, $0xA  }
0x6: {  	_ =	strace $0x80000047;
	s1 =	ssub.s32 $0x2, s1;
	s7 =	sor.u32 s8, s7  }
0x7: {  	s13 =	sshrl.u32 s1, $0x1;
	s9 =	sshrl.u32 s7, $0x3;
	s10 =	sor.u32 $0x80, s7  }
0x8: {  	s1 =	ssub.s32 s1, s13;
	s17 =	sshll.u32 s7, $0x4;
	s11 =	sor.u32 $0x100, s7  }
0x9: {  	s24 =	sor.u32 $0x180, s7;
	s12 =	sor.u32 $0x200, s7;
	s14 =	sadd.s32 s5, s9  }
0xa: {  	s15 =	sshrl.u32 s10, $0x3;
	s18 =	sadd.s32 s6, s17;
	s19 =	sadd.s32 s0, s17  }
0xb: {  	s20 =	sshrl.u32 s11, $0x3;
	s22 =	sshll.u32 s10, $0x4;
	s26 =	sshrl.u32 s24, $0x3  }
0xc: {  	s11 =	sshll.u32 s11, $0x4;
	s13 =	sshrl.u32 s12, $0x3;
	[dreg:$0x2] =	wrdreg s14  }
0xd: {  	s10 =	sshll.u32 s24, $0x4;
	s8 =	sshll.u32 s12, $0x4;
	[dreg:$0x4] =	wrdreg s18  }
0xe: {  	s12 =	simm.s32 $0xC100;
	s16 =	sadd.s32 s5, s15;
	[dreg:$0x5] =	wrdreg s19  }
0xf: {  	s21 =	sadd.s32 s5, s20;
	s23 =	sadd.s32 s6, s22;
	s25 =	sadd.s32 s0, s22  }
0x10: {  	s9 =	sadd.s32 s5, s26;
	s30 =	sadd.s32 s6, s11;
	s31 =	sadd.s32 s0, s11  }
0x11: {  	s29 =	sadd.s32 s5, s13;
	s26 =	sadd.s32 s6, s10;
	[dreg:$0x3] =	wrdreg s16  }
0x12: {  	s14 =	sor.u32 $0x280, s7;
	s28 =	sadd.s32 s0, s10;
	[dreg:$0x6] =	wrdreg s21  }
0x13: {  	s24 =	sadd.s32 s0, s8;
	s13 =	simm.s32 $0x100;
	[dreg:$0x7] =	wrdreg s23  }
0x14: {  	s11 =	simm.s32 $0x4100;
	s10 =	simm.s32 $0x3;
	[dreg:$0x8] =	wrdreg s25  }
0x15: {  	[dreg:$0x9] =	wrdreg s9;
	s15 =	sshrl.u32 s14, $0x3;
	s23 =	sadd.s32 s6, s8  }
0x16: {  	s16 =	sor.u32 $0x300, s7;
	s9 =	sshll.u32 s14, $0x4;
	s7 =	sor.u32 $0x380, s7  }
0x17: {  	s21 =	smax.u32 s1, $0x1;
	s14 =	simm.s32 $0x8100;
	s1 =	rddreg [dreg:$0x2]  }
0x18: {  	s25 =	sadd.s32 s5, s15;
	s17 =	sshrl.u32 s16, $0x3;
	s19 =	sadd.s32 s0, s9  }
0x19: {  	s18 =	sshrl.u32 s7, $0x3;
	s20 =	sshll.u32 s16, $0x4;
	p1 =	sne.s32 s21, $0x1  }
.Ltmp0:
0x1a: {  	s7 =	sshll.u32 s7, $0x4;
	s15 =	simm.s32 $0x2;
	(pc) =	sbr.rel @!p1 .LBB2_3-.Ltmp0, $4  }
0x1b: {  	s22 =	sadd.s32 s5, s17;
	s17 =	sadd.s32 s6, s9;
	s16 =	sadd.s32 s5, s18  }
0x1c: {  	s8 =	sadd.s32 s6, s20;
	s9 =	sadd.s32 s0, s20;
	s5 =	sadd.s32 s6, s7  }
0x1d: {  	s6 =	sadd.s32 s0, s7;
	s20 =	simm.s32 $0x5;
	s18 =	simm.s32 $0x80  }
0x1e: {  	s0 =	sadd.s32 $0xFFFFFFFF, s21;
	s21 =	simm.s32 $0x1;
	s7 =	simm.s32 $0x4  }
0x1f: {  	[tilespmem:s2], [sflag:$0x5] =	stream.linear.gather [hbm4b:s1+s2], $0x80, $0x38;
	[tilespmem:$0x10100] =	vst v63  }
0x20: {  	_ =	swait.ge [sflag:s20], $0x80  }
0x21: {  	[sflag:s20] =	ssyncset.done $0x0  }
0x22: {  	[sflag:s20] =	ssyncadd.s32 $0xFFFFFF80  }
0x23: {  	[tilespmem:s13], [sflag:$0x1] =	stream.indirect.gather [hbm4b:s3+s18], $0x80, s2, s18, $0xb8;
	[tilespmem:$0x10100] =	vst v63  }
0x24: {  	_ = 	snop  }
0x25: {  	[tilespmem:s14], [sflag:$0x1] =	stream.indirect.gather [hbm4b:s4+s18], $0x80, s2, s18, $0xb8;
	[tilespmem:$0x10100] =	vst v63  }
0x26: {  	s1 =	rddreg [dreg:$0x3]  }
0x27: {  	[tilespmem:s18], [sflag:$0x5] =	stream.linear.gather [hbm4b:s1+s2], $0x80, $0x38;
	[tilespmem:$0x10100] =	vst v63  }
0x28: {  	_ =	swait.ge [sflag:s20], $0x80  }
0x29: {  	[sflag:s20] =	ssyncset.done $0x0  }
0x2a: {  	[sflag:s20] =	ssyncadd.s32 $0xFFFFFF80  }
0x2b: {  	[tilespmem:s11], [sflag:$0x2] =	stream.indirect.gather [hbm4b:s3+s18], $0x80, s18, s18, $0xb8;
	[tilespmem:$0x10100] =	vst v63  }
0x2c: {  	_ = 	snop  }
0x2d: {  	[tilespmem:s12], [sflag:$0x2] =	stream.indirect.gather [hbm4b:s4+s18], $0x80, s18, s18, $0xb8;
	[tilespmem:$0x10100] =	vst v63  }
0x2e: {  	_ =	swait.ge [sflag:s21], $0x4000  }
0x2f: {  	[sflag:s21] =	ssyncset.done $0x0  }
0x30: {  	[sflag:s21] =	ssyncadd.s32 $0xFFFFC000  }
0x31: {  	_ =	swait.ge [sflag:s21], $0x4000  }
0x32: {  	[dreg:$0xa] =	wrdreg s0;
	[sflag:s21] =	ssyncset.done $0x0  }
0x33: {  	s1 =	rddreg [dreg:$0x4];
	[sflag:s21] =	ssyncadd.s32 $0xFFFFC000  }
0x34: {  	[hbm4b:s1+s2] =	stream.linear.scatter [tilespmem:s13], [sflag:$0x3], $0x4000, $0x38;
	[tilespmem:$0x10100] =	vst v63  }
0x35: {  	s0 =	rddreg [dreg:$0x5]  }
0x36: {  	[hbm4b:s0+s2] =	stream.linear.scatter [tilespmem:s14], [sflag:$0x3], $0x4000, $0x38;
	[tilespmem:$0x10100] =	vst v63  }
0x37: {  	_ =	swait.ge [sflag:s10], $0x4000  }
0x38: {  	[sflag:s10] =	ssyncset.done $0x0  }
0x39: {  	[sflag:s10] =	ssyncadd.s32 $0xFFFFC000  }
0x3a: {  	_ =	swait.ge [sflag:s10], $0x4000  }
0x3b: {  	[sflag:s10] =	ssyncset.done $0x0  }
0x3c: {  	s1 =	rddreg [dreg:$0x6];
	[sflag:s10] =	ssyncadd.s32 $0xFFFFC000  }
0x3d: {  	[tilespmem:s2], [sflag:$0x5] =	stream.linear.gather [hbm4b:s1+s2], $0x80, $0x38;
	[tilespmem:$0x10100] =	vst v63  }
0x3e: {  	_ =	swait.ge [sflag:s20], $0x80  }
0x3f: {  	[sflag:s20] =	ssyncset.done $0x0  }
0x40: {  	[sflag:s20] =	ssyncadd.s32 $0xFFFFFF80  }
0x41: {  	[tilespmem:s13], [sflag:$0x1] =	stream.indirect.gather [hbm4b:s3+s18], $0x80, s2, s18, $0xb8;
	[tilespmem:$0x10100] =	vst v63  }
0x42: {  	_ = 	snop  }
0x43: {  	[tilespmem:s14], [sflag:$0x1] =	stream.indirect.gather [hbm4b:s4+s18], $0x80, s2, s18, $0xb8;
	[tilespmem:$0x10100] =	vst v63  }
0x44: {  	_ =	swait.ge [sflag:s15], $0x4000  }
0x45: {  	[sflag:s15] =	ssyncset.done $0x0  }
0x46: {  	[sflag:s15] =	ssyncadd.s32 $0xFFFFC000  }
0x47: {  	_ =	swait.ge [sflag:s15], $0x4000  }
0x48: {  	[sflag:s15] =	ssyncset.done $0x0  }
0x49: {  	s0 =	rddreg [dreg:$0x7];
	[sflag:s15] =	ssyncadd.s32 $0xFFFFC000  }
0x4a: {  	[hbm4b:s0+s2] =	stream.linear.scatter [tilespmem:s11], [sflag:$0x4], $0x4000, $0x38;
	[tilespmem:$0x10100] =	vst v63  }
0x4b: {  	s1 =	rddreg [dreg:$0x8]  }
0x4c: {  	[hbm4b:s1+s2] =	stream.linear.scatter [tilespmem:s12], [sflag:$0x4], $0x4000, $0x38;
	[tilespmem:$0x10100] =	vst v63  }
0x4d: {  	_ =	swait.ge [sflag:s7], $0x4000  }
0x4e: {  	[sflag:s7] =	ssyncset.done $0x0  }
0x4f: {  	[sflag:s7] =	ssyncadd.s32 $0xFFFFC000  }
0x50: {  	_ =	swait.ge [sflag:s7], $0x4000  }
0x51: {  	[sflag:s7] =	ssyncset.done $0x0  }
0x52: {  	s1 =	rddreg [dreg:$0x9];
	[sflag:s7] =	ssyncadd.s32 $0xFFFFC000  }
0x53: {  	[tilespmem:s18], [sflag:$0x5] =	stream.linear.gather [hbm4b:s1+s2], $0x80, $0x38;
	[tilespmem:$0x10100] =	vst v63  }
0x54: {  	_ =	swait.ge [sflag:s20], $0x80  }
0x55: {  	[sflag:s20] =	ssyncset.done $0x0  }
0x56: {  	[sflag:s20] =	ssyncadd.s32 $0xFFFFFF80  }
0x57: {  	[tilespmem:s11], [sflag:$0x2] =	stream.indirect.gather [hbm4b:s3+s18], $0x80, s18, s18, $0xb8;
	[tilespmem:$0x10100] =	vst v63  }
0x58: {  	_ = 	snop  }
0x59: {  	[tilespmem:s12], [sflag:$0x2] =	stream.indirect.gather [hbm4b:s4+s18], $0x80, s18, s18, $0xb8;
	[tilespmem:$0x10100] =	vst v63  }
0x5a: {  	_ =	swait.ge [sflag:s21], $0x4000  }
0x5b: {  	[sflag:s21] =	ssyncset.done $0x0  }
0x5c: {  	[sflag:s21] =	ssyncadd.s32 $0xFFFFC000  }
0x5d: {  	_ =	swait.ge [sflag:s21], $0x4000  }
0x5e: {  	[sflag:s21] =	ssyncset.done $0x0  }
0x5f: {  	[sflag:s21] =	ssyncadd.s32 $0xFFFFC000  }
0x60: {  	[hbm4b:s30+s2] =	stream.linear.scatter [tilespmem:s13], [sflag:$0x3], $0x4000, $0x38;
	[tilespmem:$0x10100] =	vst v63  }
0x61: {  	_ = 	snop  }
0x62: {  	[hbm4b:s31+s2] =	stream.linear.scatter [tilespmem:s14], [sflag:$0x3], $0x4000, $0x38;
	[tilespmem:$0x10100] =	vst v63  }
0x63: {  	_ =	swait.ge [sflag:s10], $0x4000  }
0x64: {  	[sflag:s10] =	ssyncset.done $0x0  }
0x65: {  	[sflag:s10] =	ssyncadd.s32 $0xFFFFC000  }
0x66: {  	_ =	swait.ge [sflag:s10], $0x4000  }
0x67: {  	[sflag:s10] =	ssyncset.done $0x0  }
0x68: {  	[sflag:s10] =	ssyncadd.s32 $0xFFFFC000  }
0x69: {  	[tilespmem:s2], [sflag:$0x5] =	stream.linear.gather [hbm4b:s29+s2], $0x80, $0x38;
	[tilespmem:$0x10100] =	vst v63  }
0x6a: {  	_ =	swait.ge [sflag:s20], $0x80  }
0x6b: {  	[sflag:s20] =	ssyncset.done $0x0  }
0x6c: {  	[sflag:s20] =	ssyncadd.s32 $0xFFFFFF80  }
0x6d: {  	[tilespmem:s13], [sflag:$0x1] =	stream.indirect.gather [hbm4b:s3+s18], $0x80, s2, s18, $0xb8;
	[tilespmem:$0x10100] =	vst v63  }
0x6e: {  	_ = 	snop  }
0x6f: {  	[tilespmem:s14], [sflag:$0x1] =	stream.indirect.gather [hbm4b:s4+s18], $0x80, s2, s18, $0xb8;
	[tilespmem:$0x10100] =	vst v63  }
0x70: {  	_ =	swait.ge [sflag:s15], $0x4000  }
0x71: {  	[sflag:s15] =	ssyncset.done $0x0  }
0x72: {  	[sflag:s15] =	ssyncadd.s32 $0xFFFFC000  }
0x73: {  	_ =	swait.ge [sflag:s15], $0x4000  }
0x74: {  	[sflag:s15] =	ssyncset.done $0x0  }
0x75: {  	[sflag:s15] =	ssyncadd.s32 $0xFFFFC000  }
0x76: {  	[hbm4b:s26+s2] =	stream.linear.scatter [tilespmem:s11], [sflag:$0x4], $0x4000, $0x38;
	[tilespmem:$0x10100] =	vst v63  }
0x77: {  	_ = 	snop  }
0x78: {  	[hbm4b:s28+s2] =	stream.linear.scatter [tilespmem:s12], [sflag:$0x4], $0x4000, $0x38;
	[tilespmem:$0x10100] =	vst v63  }
0x79: {  	_ =	swait.ge [sflag:s7], $0x4000  }
0x7a: {  	[sflag:s7] =	ssyncset.done $0x0  }
0x7b: {  	[sflag:s7] =	ssyncadd.s32 $0xFFFFC000  }
0x7c: {  	_ =	swait.ge [sflag:s7], $0x4000  }
0x7d: {  	[sflag:s7] =	ssyncset.done $0x0  }
0x7e: {  	[sflag:s7] =	ssyncadd.s32 $0xFFFFC000  }
0x7f: {  	[tilespmem:s18], [sflag:$0x5] =	stream.linear.gather [hbm4b:s25+s2], $0x80, $0x38;
	[tilespmem:$0x10100] =	vst v63  }
0x80: {  	_ =	swait.ge [sflag:s20], $0x80  }
0x81: {  	[sflag:s20] =	ssyncset.done $0x0  }
0x82: {  	[sflag:s20] =	ssyncadd.s32 $0xFFFFFF80  }
0x83: {  	[tilespmem:s11], [sflag:$0x2] =	stream.indirect.gather [hbm4b:s3+s18], $0x80, s18, s18, $0xb8;
	[tilespmem:$0x10100] =	vst v63  }
0x84: {  	_ = 	snop  }
0x85: {  	[tilespmem:s12], [sflag:$0x2] =	stream.indirect.gather [hbm4b:s4+s18], $0x80, s18, s18, $0xb8;
	[tilespmem:$0x10100] =	vst v63  }
0x86: {  	_ =	swait.ge [sflag:s21], $0x4000  }
0x87: {  	[sflag:s21] =	ssyncset.done $0x0  }
0x88: {  	[sflag:s21] =	ssyncadd.s32 $0xFFFFC000  }
0x89: {  	_ =	swait.ge [sflag:s21], $0x4000  }
0x8a: {  	[sflag:s21] =	ssyncset.done $0x0  }
0x8b: {  	[sflag:s21] =	ssyncadd.s32 $0xFFFFC000  }
0x8c: {  	[hbm4b:s23+s2] =	stream.linear.scatter [tilespmem:s13], [sflag:$0x3], $0x4000, $0x38;
	[tilespmem:$0x10100] =	vst v63  }
0x8d: {  	_ = 	snop  }
0x8e: {  	[hbm4b:s24+s2] =	stream.linear.scatter [tilespmem:s14], [sflag:$0x3], $0x4000, $0x38;
	[tilespmem:$0x10100] =	vst v63  }
0x8f: {  	_ =	swait.ge [sflag:s10], $0x4000  }
0x90: {  	[sflag:s10] =	ssyncset.done $0x0  }
0x91: {  	[sflag:s10] =	ssyncadd.s32 $0xFFFFC000  }
0x92: {  	_ =	swait.ge [sflag:s10], $0x4000  }
0x93: {  	[sflag:s10] =	ssyncset.done $0x0  }
0x94: {  	[sflag:s10] =	ssyncadd.s32 $0xFFFFC000  }
0x95: {  	[tilespmem:s2], [sflag:$0x5] =	stream.linear.gather [hbm4b:s22+s2], $0x80, $0x38;
	[tilespmem:$0x10100] =	vst v63  }
0x96: {  	_ =	swait.ge [sflag:s20], $0x80  }
0x97: {  	[sflag:s20] =	ssyncset.done $0x0  }
0x98: {  	[sflag:s20] =	ssyncadd.s32 $0xFFFFFF80  }
0x99: {  	[tilespmem:s13], [sflag:$0x1] =	stream.indirect.gather [hbm4b:s3+s18], $0x80, s2, s18, $0xb8;
	[tilespmem:$0x10100] =	vst v63  }
0x9a: {  	_ = 	snop  }
0x9b: {  	[tilespmem:s14], [sflag:$0x1] =	stream.indirect.gather [hbm4b:s4+s18], $0x80, s2, s18, $0xb8;
	[tilespmem:$0x10100] =	vst v63  }
0x9c: {  	_ =	swait.ge [sflag:s15], $0x4000  }
0x9d: {  	[sflag:s15] =	ssyncset.done $0x0  }
0x9e: {  	[sflag:s15] =	ssyncadd.s32 $0xFFFFC000  }
0x9f: {  	_ =	swait.ge [sflag:s15], $0x4000  }
0xa0: {  	[sflag:s15] =	ssyncset.done $0x0  }
0xa1: {  	[sflag:s15] =	ssyncadd.s32 $0xFFFFC000  }
0xa2: {  	[hbm4b:s17+s2] =	stream.linear.scatter [tilespmem:s11], [sflag:$0x4], $0x4000, $0x38;
	[tilespmem:$0x10100] =	vst v63  }
0xa3: {  	_ = 	snop  }
0xa4: {  	[hbm4b:s19+s2] =	stream.linear.scatter [tilespmem:s12], [sflag:$0x4], $0x4000, $0x38;
	[tilespmem:$0x10100] =	vst v63  }
0xa5: {  	_ =	swait.ge [sflag:s7], $0x4000  }
0xa6: {  	[sflag:s7] =	ssyncset.done $0x0  }
0xa7: {  	[sflag:s7] =	ssyncadd.s32 $0xFFFFC000  }
0xa8: {  	_ =	swait.ge [sflag:s7], $0x4000  }
0xa9: {  	[sflag:s7] =	ssyncset.done $0x0  }
0xaa: {  	[sflag:s7] =	ssyncadd.s32 $0xFFFFC000  }
0xab: {  	[tilespmem:s18], [sflag:$0x5] =	stream.linear.gather [hbm4b:s16+s2], $0x80, $0x38;
	[tilespmem:$0x10100] =	vst v63  }
0xac: {  	_ =	swait.ge [sflag:s20], $0x80  }
0xad: {  	[sflag:s20] =	ssyncset.done $0x0  }
0xae: {  	[sflag:s20] =	ssyncadd.s32 $0xFFFFFF80  }
0xaf: {  	[tilespmem:s11], [sflag:$0x2] =	stream.indirect.gather [hbm4b:s3+s18], $0x80, s18, s18, $0xb8;
	[tilespmem:$0x10100] =	vst v63  }
0xb0: {  	_ = 	snop  }
0xb1: {  	[tilespmem:s12], [sflag:$0x2] =	stream.indirect.gather [hbm4b:s4+s18], $0x80, s18, s18, $0xb8;
	[tilespmem:$0x10100] =	vst v63  }
0xb2: {  	_ =	swait.ge [sflag:s21], $0x4000  }
0xb3: {  	[sflag:s21] =	ssyncset.done $0x0  }
0xb4: {  	[sflag:s21] =	ssyncadd.s32 $0xFFFFC000  }
0xb5: {  	_ =	swait.ge [sflag:s21], $0x4000  }
0xb6: {  	[sflag:s21] =	ssyncset.done $0x0  }
0xb7: {  	[sflag:s21] =	ssyncadd.s32 $0xFFFFC000  }
0xb8: {  	[hbm4b:s8+s2] =	stream.linear.scatter [tilespmem:s13], [sflag:$0x3], $0x4000, $0x38;
	[tilespmem:$0x10100] =	vst v63  }
0xb9: {  	_ = 	snop  }
0xba: {  	[hbm4b:s9+s2] =	stream.linear.scatter [tilespmem:s14], [sflag:$0x3], $0x4000, $0x38;
	[tilespmem:$0x10100] =	vst v63  }
0xbb: {  	_ =	swait.ge [sflag:s15], $0x4000  }
0xbc: {  	[sflag:s15] =	ssyncset.done $0x0  }
0xbd: {  	[sflag:s15] =	ssyncadd.s32 $0xFFFFC000  }
0xbe: {  	_ =	swait.ge [sflag:s15], $0x4000  }
0xbf: {  	[sflag:s15] =	ssyncset.done $0x0  }
0xc0: {  	[sflag:s15] =	ssyncadd.s32 $0xFFFFC000  }
0xc1: {  	[hbm4b:s5+s2] =	stream.linear.scatter [tilespmem:s11], [sflag:$0x4], $0x4000, $0x38;
	[tilespmem:$0x10100] =	vst v63  }
0xc2: {  	_ = 	snop  }
0xc3: {  	[hbm4b:s6+s2] =	stream.linear.scatter [tilespmem:s12], [sflag:$0x4], $0x4000, $0x38;
	[tilespmem:$0x10100] =	vst v63  }
0xc4: {  	_ =	swait.ge [sflag:s10], $0x4000  }
0xc5: {  	[sflag:s10] =	ssyncset.done $0x0  }
0xc6: {  	[sflag:s10] =	ssyncadd.s32 $0xFFFFC000  }
0xc7: {  	_ =	swait.ge [sflag:s10], $0x4000  }
0xc8: {  	[sflag:s10] =	ssyncset.done $0x0  }
0xc9: {  	[sflag:s10] =	ssyncadd.s32 $0xFFFFC000  }
0xca: {  	_ =	swait.ge [sflag:s7], $0x4000  }
0xcb: {  	s1 =	rddreg [dreg:$0xa]  }
0xcc: {  	p1 =	sne.s32 s1, $0x1  }
.Ltmp1:
0xcd: {  	_ = 	snop;
	(pc) =	sbr.rel @!p1 .LBB2_3-.Ltmp1, $4  }
0xce: {  	[sflag:s7] =	ssyncset.done $0x0  }
0xcf: {  	[sflag:s7] =	ssyncadd.s32 $0xFFFFC000  }
0xd0: {  	p0 =	por $0x1, $0x1;
	_ =	swait.ge [sflag:s7], $0x4000  }
0xd1: {  	s0 =	sadd.s32 $0xFFFFFFFF, s1;
	s1 =	rddreg [dreg:$0x2];
	[sflag:s7] =	ssyncset.done $0x0  }
.LBB2_2:
0xd2: {  	[sflag:s7] =	ssyncadd.s32 $0xFFFFC000  }
0xd3: {  	[tilespmem:s2], [sflag:$0x5] =	stream.linear.gather [hbm4b:s1+s2], $0x80, $0x38;
	[tilespmem:$0x10100] =	vst v63  }
0xd4: {  	_ =	swait.ge [sflag:s20], $0x80  }
0xd5: {  	[sflag:s20] =	ssyncset.done $0x0  }
0xd6: {  	[sflag:s20] =	ssyncadd.s32 $0xFFFFFF80  }
0xd7: {  	[tilespmem:s13], [sflag:$0x1] =	stream.indirect.gather [hbm4b:s3+s18], $0x80, s2, s18, $0xb8;
	[tilespmem:$0x10100] =	vst v63  }
0xd8: {  	_ = 	snop  }
0xd9: {  	[tilespmem:s14], [sflag:$0x1] =	stream.indirect.gather [hbm4b:s4+s18], $0x80, s2, s18, $0xb8;
	[tilespmem:$0x10100] =	vst v63  }
0xda: {  	s1 =	rddreg [dreg:$0x3]  }
0xdb: {  	[tilespmem:s18], [sflag:$0x5] =	stream.linear.gather [hbm4b:s1+s2], $0x80, $0x38;
	[tilespmem:$0x10100] =	vst v63  }
0xdc: {  	_ =	swait.ge [sflag:s20], $0x80  }
0xdd: {  	[sflag:s20] =	ssyncset.done $0x0  }
0xde: {  	[sflag:s20] =	ssyncadd.s32 $0xFFFFFF80  }
0xdf: {  	[tilespmem:s11], [sflag:$0x2] =	stream.indirect.gather [hbm4b:s3+s18], $0x80, s18, s18, $0xb8;
	[tilespmem:$0x10100] =	vst v63  }
0xe0: {  	s11 =	smov.u32 s31;
	s31 =	smov.u32 s30;
	s30 =	smov.u32 s29  }
0xe1: {  	[tilespmem:s12], [sflag:$0x2] =	stream.indirect.gather [hbm4b:s4+s18], $0x80, s18, s18, $0xb8;
	[tilespmem:$0x10100] =	vst v63  }
0xe2: {  	s29 =	smov.u32 s28;
	s28 =	smov.u32 s26;
	_ =	swait.ge [sflag:s21], $0x4000  }
0xe3: {  	s26 =	smov.u32 s25;
	s25 =	smov.u32 s24;
	[sflag:s21] =	ssyncset.done $0x0  }
0xe4: {  	s24 =	smov.u32 s23;
	s23 =	smov.u32 s22;
	[sflag:s21] =	ssyncadd.s32 $0xFFFFC000  }
0xe5: {  	s22 =	smov.u32 s19;
	s19 =	smov.u32 s17;
	_ =	swait.ge [sflag:s21], $0x4000  }
0xe6: {  	s17 =	smov.u32 s16;
	s16 =	smov.u32 s9;
	[sflag:s21] =	ssyncset.done $0x0  }
0xe7: {  	s9 =	smov.u32 s8;
	s1 =	rddreg [dreg:$0x4];
	[sflag:s21] =	ssyncadd.s32 $0xFFFFC000  }
0xe8: {  	[hbm4b:s1+s2] =	stream.linear.scatter [tilespmem:s13], [sflag:$0x3], $0x4000, $0x38;
	[tilespmem:$0x10100] =	vst v63  }
0xe9: {  	s8 =	smov.u32 s6;
	s6 =	smov.u32 s5;
	s5 =	rddreg [dreg:$0x5]  }
0xea: {  	[hbm4b:s5+s2] =	stream.linear.scatter [tilespmem:s14], [sflag:$0x3], $0x4000, $0x38;
	[tilespmem:$0x10100] =	vst v63  }
0xeb: {  	_ =	swait.ge [sflag:s10], $0x4000  }
0xec: {  	[sflag:s10] =	ssyncset.done $0x0  }
0xed: {  	[sflag:s10] =	ssyncadd.s32 $0xFFFFC000  }
0xee: {  	_ =	swait.ge [sflag:s10], $0x4000  }
0xef: {  	[sflag:s10] =	ssyncset.done $0x0  }
0xf0: {  	s5 =	rddreg [dreg:$0x6];
	[sflag:s10] =	ssyncadd.s32 $0xFFFFC000  }
0xf1: {  	[tilespmem:s2], [sflag:$0x5] =	stream.linear.gather [hbm4b:s5+s2], $0x80, $0x38;
	[tilespmem:$0x10100] =	vst v63  }
0xf2: {  	_ =	swait.ge [sflag:s20], $0x80  }
0xf3: {  	[sflag:s20] =	ssyncset.done $0x0  }
0xf4: {  	[sflag:s20] =	ssyncadd.s32 $0xFFFFFF80  }
0xf5: {  	[tilespmem:s13], [sflag:$0x1] =	stream.indirect.gather [hbm4b:s3+s18], $0x80, s2, s18, $0xb8;
	[tilespmem:$0x10100] =	vst v63  }
0xf6: {  	_ = 	snop  }
0xf7: {  	[tilespmem:s14], [sflag:$0x1] =	stream.indirect.gather [hbm4b:s4+s18], $0x80, s2, s18, $0xb8;
	[tilespmem:$0x10100] =	vst v63  }
0xf8: {  	_ =	swait.ge [sflag:s15], $0x4000  }
0xf9: {  	[sflag:s15] =	ssyncset.done $0x0  }
0xfa: {  	[sflag:s15] =	ssyncadd.s32 $0xFFFFC000  }
0xfb: {  	_ =	swait.ge [sflag:s15], $0x4000  }
0xfc: {  	[sflag:s15] =	ssyncset.done $0x0  }
0xfd: {  	s12 =	simm.s32 $0x4100;
	s1 =	rddreg [dreg:$0x7];
	[sflag:s15] =	ssyncadd.s32 $0xFFFFC000  }
0xfe: {  	[hbm4b:s1+s2] =	stream.linear.scatter [tilespmem:s12], [sflag:$0x4], $0x4000, $0x38;
	[tilespmem:$0x10100] =	vst v63  }
0xff: {  	s5 =	rddreg [dreg:$0x8];
	s12 =	simm.s32 $0xC100  }
0x100: {  	[hbm4b:s5+s2] =	stream.linear.scatter [tilespmem:s12], [sflag:$0x4], $0x4000, $0x38;
	[tilespmem:$0x10100] =	vst v63  }
0x101: {  	s5 =	smov.u32 s6;
	s6 =	smov.u32 s8;
	_ =	swait.ge [sflag:s7], $0x4000  }
0x102: {  	s8 =	smov.u32 s9;
	s9 =	smov.u32 s16;
	[sflag:s7] =	ssyncset.done $0x0  }
0x103: {  	s16 =	smov.u32 s17;
	s17 =	smov.u32 s19;
	[sflag:s7] =	ssyncadd.s32 $0xFFFFC000  }
0x104: {  	s19 =	smov.u32 s22;
	s22 =	smov.u32 s23;
	_ =	swait.ge [sflag:s7], $0x4000  }
0x105: {  	s23 =	smov.u32 s24;
	s24 =	smov.u32 s25;
	[sflag:s7] =	ssyncset.done $0x0  }
0x106: {  	s25 =	smov.u32 s26;
	s1 =	rddreg [dreg:$0x9];
	[sflag:s7] =	ssyncadd.s32 $0xFFFFC000  }
0x107: {  	[tilespmem:s18], [sflag:$0x5] =	stream.linear.gather [hbm4b:s1+s2], $0x80, $0x38;
	[tilespmem:$0x10100] =	vst v63  }
0x108: {  	s26 =	smov.u32 s28;
	s28 =	smov.u32 s29;
	_ =	swait.ge [sflag:s20], $0x80  }
0x109: {  	s29 =	smov.u32 s30;
	s30 =	smov.u32 s31;
	[sflag:s20] =	ssyncset.done $0x0  }
0x10a: {  	s31 =	smov.u32 s11;
	s11 =	simm.s32 $0x4100;
	[sflag:s20] =	ssyncadd.s32 $0xFFFFFF80  }
0x10b: {  	[tilespmem:s11], [sflag:$0x2] =	stream.indirect.gather [hbm4b:s3+s18], $0x80, s18, s18, $0xb8;
	[tilespmem:$0x10100] =	vst v63  }
0x10c: {  	_ = 	snop  }
0x10d: {  	[tilespmem:s12], [sflag:$0x2] =	stream.indirect.gather [hbm4b:s4+s18], $0x80, s18, s18, $0xb8;
	[tilespmem:$0x10100] =	vst v63  }
0x10e: {  	_ =	swait.ge [sflag:s21], $0x4000  }
0x10f: {  	[sflag:s21] =	ssyncset.done $0x0  }
0x110: {  	[sflag:s21] =	ssyncadd.s32 $0xFFFFC000  }
0x111: {  	_ =	swait.ge [sflag:s21], $0x4000  }
0x112: {  	[sflag:s21] =	ssyncset.done $0x0  }
0x113: {  	[sflag:s21] =	ssyncadd.s32 $0xFFFFC000  }
0x114: {  	[hbm4b:s30+s2] =	stream.linear.scatter [tilespmem:s13], [sflag:$0x3], $0x4000, $0x38;
	[tilespmem:$0x10100] =	vst v63  }
0x115: {  	_ = 	snop  }
0x116: {  	[hbm4b:s31+s2] =	stream.linear.scatter [tilespmem:s14], [sflag:$0x3], $0x4000, $0x38;
	[tilespmem:$0x10100] =	vst v63  }
0x117: {  	_ =	swait.ge [sflag:s10], $0x4000  }
0x118: {  	[sflag:s10] =	ssyncset.done $0x0  }
0x119: {  	[sflag:s10] =	ssyncadd.s32 $0xFFFFC000  }
0x11a: {  	_ =	swait.ge [sflag:s10], $0x4000  }
0x11b: {  	[sflag:s10] =	ssyncset.done $0x0  }
0x11c: {  	[sflag:s10] =	ssyncadd.s32 $0xFFFFC000  }
0x11d: {  	[tilespmem:s2], [sflag:$0x5] =	stream.linear.gather [hbm4b:s29+s2], $0x80, $0x38;
	[tilespmem:$0x10100] =	vst v63  }
0x11e: {  	_ =	swait.ge [sflag:s20], $0x80  }
0x11f: {  	[sflag:s20] =	ssyncset.done $0x0  }
0x120: {  	[sflag:s20] =	ssyncadd.s32 $0xFFFFFF80  }
0x121: {  	[tilespmem:s13], [sflag:$0x1] =	stream.indirect.gather [hbm4b:s3+s18], $0x80, s2, s18, $0xb8;
	[tilespmem:$0x10100] =	vst v63  }
0x122: {  	_ = 	snop  }
0x123: {  	[tilespmem:s14], [sflag:$0x1] =	stream.indirect.gather [hbm4b:s4+s18], $0x80, s2, s18, $0xb8;
	[tilespmem:$0x10100] =	vst v63  }
0x124: {  	_ =	swait.ge [sflag:s15], $0x4000  }
0x125: {  	[sflag:s15] =	ssyncset.done $0x0  }
0x126: {  	[sflag:s15] =	ssyncadd.s32 $0xFFFFC000  }
0x127: {  	_ =	swait.ge [sflag:s15], $0x4000  }
0x128: {  	[sflag:s15] =	ssyncset.done $0x0  }
0x129: {  	[sflag:s15] =	ssyncadd.s32 $0xFFFFC000  }
0x12a: {  	[hbm4b:s26+s2] =	stream.linear.scatter [tilespmem:s11], [sflag:$0x4], $0x4000, $0x38;
	[tilespmem:$0x10100] =	vst v63  }
0x12b: {  	_ = 	snop  }
0x12c: {  	[hbm4b:s28+s2] =	stream.linear.scatter [tilespmem:s12], [sflag:$0x4], $0x4000, $0x38;
	[tilespmem:$0x10100] =	vst v63  }
0x12d: {  	_ =	swait.ge [sflag:s7], $0x4000  }
0x12e: {  	[sflag:s7] =	ssyncset.done $0x0  }
0x12f: {  	[sflag:s7] =	ssyncadd.s32 $0xFFFFC000  }
0x130: {  	_ =	swait.ge [sflag:s7], $0x4000  }
0x131: {  	[sflag:s7] =	ssyncset.done $0x0  }
0x132: {  	[sflag:s7] =	ssyncadd.s32 $0xFFFFC000  }
0x133: {  	[tilespmem:s18], [sflag:$0x5] =	stream.linear.gather [hbm4b:s25+s2], $0x80, $0x38;
	[tilespmem:$0x10100] =	vst v63  }
0x134: {  	_ =	swait.ge [sflag:s20], $0x80  }
0x135: {  	[sflag:s20] =	ssyncset.done $0x0  }
0x136: {  	[sflag:s20] =	ssyncadd.s32 $0xFFFFFF80  }
0x137: {  	[tilespmem:s11], [sflag:$0x2] =	stream.indirect.gather [hbm4b:s3+s18], $0x80, s18, s18, $0xb8;
	[tilespmem:$0x10100] =	vst v63  }
0x138: {  	_ = 	snop  }
0x139: {  	[tilespmem:s12], [sflag:$0x2] =	stream.indirect.gather [hbm4b:s4+s18], $0x80, s18, s18, $0xb8;
	[tilespmem:$0x10100] =	vst v63  }
0x13a: {  	_ =	swait.ge [sflag:s21], $0x4000  }
0x13b: {  	[sflag:s21] =	ssyncset.done $0x0  }
0x13c: {  	[sflag:s21] =	ssyncadd.s32 $0xFFFFC000  }
0x13d: {  	_ =	swait.ge [sflag:s21], $0x4000  }
0x13e: {  	[sflag:s21] =	ssyncset.done $0x0  }
0x13f: {  	[sflag:s21] =	ssyncadd.s32 $0xFFFFC000  }
0x140: {  	[hbm4b:s23+s2] =	stream.linear.scatter [tilespmem:s13], [sflag:$0x3], $0x4000, $0x38;
	[tilespmem:$0x10100] =	vst v63  }
0x141: {  	_ = 	snop  }
0x142: {  	[hbm4b:s24+s2] =	stream.linear.scatter [tilespmem:s14], [sflag:$0x3], $0x4000, $0x38;
	[tilespmem:$0x10100] =	vst v63  }
0x143: {  	_ =	swait.ge [sflag:s10], $0x4000  }
0x144: {  	[sflag:s10] =	ssyncset.done $0x0  }
0x145: {  	[sflag:s10] =	ssyncadd.s32 $0xFFFFC000  }
0x146: {  	_ =	swait.ge [sflag:s10], $0x4000  }
0x147: {  	[sflag:s10] =	ssyncset.done $0x0  }
0x148: {  	[sflag:s10] =	ssyncadd.s32 $0xFFFFC000  }
0x149: {  	[tilespmem:s2], [sflag:$0x5] =	stream.linear.gather [hbm4b:s22+s2], $0x80, $0x38;
	[tilespmem:$0x10100] =	vst v63  }
0x14a: {  	_ =	swait.ge [sflag:s20], $0x80  }
0x14b: {  	[sflag:s20] =	ssyncset.done $0x0  }
0x14c: {  	[sflag:s20] =	ssyncadd.s32 $0xFFFFFF80  }
0x14d: {  	[tilespmem:s13], [sflag:$0x1] =	stream.indirect.gather [hbm4b:s3+s18], $0x80, s2, s18, $0xb8;
	[tilespmem:$0x10100] =	vst v63  }
0x14e: {  	_ = 	snop  }
0x14f: {  	[tilespmem:s14], [sflag:$0x1] =	stream.indirect.gather [hbm4b:s4+s18], $0x80, s2, s18, $0xb8;
	[tilespmem:$0x10100] =	vst v63  }
0x150: {  	_ =	swait.ge [sflag:s15], $0x4000  }
0x151: {  	[sflag:s15] =	ssyncset.done $0x0  }
0x152: {  	[sflag:s15] =	ssyncadd.s32 $0xFFFFC000  }
0x153: {  	_ =	swait.ge [sflag:s15], $0x4000  }
0x154: {  	[sflag:s15] =	ssyncset.done $0x0  }
0x155: {  	[sflag:s15] =	ssyncadd.s32 $0xFFFFC000  }
0x156: {  	[hbm4b:s17+s2] =	stream.linear.scatter [tilespmem:s11], [sflag:$0x4], $0x4000, $0x38;
	[tilespmem:$0x10100] =	vst v63  }
0x157: {  	_ = 	snop  }
0x158: {  	[hbm4b:s19+s2] =	stream.linear.scatter [tilespmem:s12], [sflag:$0x4], $0x4000, $0x38;
	[tilespmem:$0x10100] =	vst v63  }
0x159: {  	_ =	swait.ge [sflag:s7], $0x4000  }
0x15a: {  	[sflag:s7] =	ssyncset.done $0x0  }
0x15b: {  	[sflag:s7] =	ssyncadd.s32 $0xFFFFC000  }
0x15c: {  	_ =	swait.ge [sflag:s7], $0x4000  }
0x15d: {  	[sflag:s7] =	ssyncset.done $0x0  }
0x15e: {  	[sflag:s7] =	ssyncadd.s32 $0xFFFFC000  }
0x15f: {  	[tilespmem:s18], [sflag:$0x5] =	stream.linear.gather [hbm4b:s16+s2], $0x80, $0x38;
	[tilespmem:$0x10100] =	vst v63  }
0x160: {  	_ =	swait.ge [sflag:s20], $0x80  }
0x161: {  	[sflag:s20] =	ssyncset.done $0x0  }
0x162: {  	[sflag:s20] =	ssyncadd.s32 $0xFFFFFF80  }
0x163: {  	[tilespmem:s11], [sflag:$0x2] =	stream.indirect.gather [hbm4b:s3+s18], $0x80, s18, s18, $0xb8;
	[tilespmem:$0x10100] =	vst v63  }
0x164: {  	_ = 	snop  }
0x165: {  	[tilespmem:s12], [sflag:$0x2] =	stream.indirect.gather [hbm4b:s4+s18], $0x80, s18, s18, $0xb8;
	[tilespmem:$0x10100] =	vst v63  }
0x166: {  	_ =	swait.ge [sflag:s21], $0x4000  }
0x167: {  	[sflag:s21] =	ssyncset.done $0x0  }
0x168: {  	[sflag:s21] =	ssyncadd.s32 $0xFFFFC000  }
0x169: {  	_ =	swait.ge [sflag:s21], $0x4000  }
0x16a: {  	[sflag:s21] =	ssyncset.done $0x0  }
0x16b: {  	[sflag:s21] =	ssyncadd.s32 $0xFFFFC000  }
0x16c: {  	[hbm4b:s8+s2] =	stream.linear.scatter [tilespmem:s13], [sflag:$0x3], $0x4000, $0x38;
	[tilespmem:$0x10100] =	vst v63  }
0x16d: {  	_ = 	snop  }
0x16e: {  	[hbm4b:s9+s2] =	stream.linear.scatter [tilespmem:s14], [sflag:$0x3], $0x4000, $0x38;
	[tilespmem:$0x10100] =	vst v63  }
0x16f: {  	_ =	swait.ge [sflag:s15], $0x4000  }
0x170: {  	[sflag:s15] =	ssyncset.done $0x0  }
0x171: {  	[sflag:s15] =	ssyncadd.s32 $0xFFFFC000  }
0x172: {  	_ =	swait.ge [sflag:s15], $0x4000  }
0x173: {  	[sflag:s15] =	ssyncset.done $0x0  }
0x174: {  	[sflag:s15] =	ssyncadd.s32 $0xFFFFC000  }
0x175: {  	[hbm4b:s5+s2] =	stream.linear.scatter [tilespmem:s11], [sflag:$0x4], $0x4000, $0x38;
	[tilespmem:$0x10100] =	vst v63  }
0x176: {  	_ = 	snop  }
0x177: {  	[hbm4b:s6+s2] =	stream.linear.scatter [tilespmem:s12], [sflag:$0x4], $0x4000, $0x38;
	[tilespmem:$0x10100] =	vst v63  }
0x178: {  	_ =	swait.ge [sflag:s10], $0x4000  }
0x179: {  	[sflag:s10] =	ssyncset.done $0x0  }
0x17a: {  	[sflag:s10] =	ssyncadd.s32 $0xFFFFC000  }
0x17b: {  	_ =	swait.ge [sflag:s10], $0x4000  }
0x17c: {  	[sflag:s10] =	ssyncset.done $0x0  }
0x17d: {  	p1 =	sne.s32 s0, $0x1;
	[sflag:s10] =	ssyncadd.s32 $0xFFFFC000  }
.Ltmp2:
0x17e: {  	_ =	swait.ge [sflag:s7], $0x4000;
	(pc) =	sbr.rel @p1 .LBB2_2-.Ltmp2, $4  }
0x17f: {  	[sflag:s7] =	ssyncset.done $0x0  }
0x180: {  	[sflag:s7] =	ssyncadd.s32 $0xFFFFC000  }
0x181: {  	_ =	swait.ge [sflag:s7], $0x4000  }
0x182: {  	s0 =	sadd.s32 $0xFFFFFFFF, s0;
	s1 =	rddreg [dreg:$0x2];
	[sflag:s7] =	ssyncset.done $0x0  }
.LBB2_3:
0x183: {  	[sflag:s7] =	ssyncadd.s32 @p0 $0xFFFFC000  }
0x184: {  	[tilespmem:s2], [sflag:$0x5] =	stream.linear.gather [hbm4b:s1+s2], $0x80, $0x38;
	[tilespmem:$0x10100] =	vst v63  }
0x185: {  	_ =	swait.ge [sflag:s20], $0x80  }
0x186: {  	[sflag:s20] =	ssyncset.done $0x0  }
0x187: {  	[sflag:s20] =	ssyncadd.s32 $0xFFFFFF80  }
0x188: {  	[tilespmem:s13], [sflag:$0x1] =	stream.indirect.gather [hbm4b:s3+s18], $0x80, s2, s18, $0xb8;
	[tilespmem:$0x10100] =	vst v63  }
0x189: {  	_ = 	snop  }
0x18a: {  	[tilespmem:s14], [sflag:$0x1] =	stream.indirect.gather [hbm4b:s4+s18], $0x80, s2, s18, $0xb8;
	[tilespmem:$0x10100] =	vst v63  }
0x18b: {  	s0 =	rddreg [dreg:$0x3]  }
0x18c: {  	[tilespmem:s18], [sflag:$0x5] =	stream.linear.gather [hbm4b:s0+s2], $0x80, $0x38;
	[tilespmem:$0x10100] =	vst v63  }
0x18d: {  	_ =	swait.ge [sflag:s20], $0x80  }
0x18e: {  	[sflag:s20] =	ssyncset.done $0x0  }
0x18f: {  	[sflag:s20] =	ssyncadd.s32 $0xFFFFFF80  }
0x190: {  	[tilespmem:s11], [sflag:$0x2] =	stream.indirect.gather [hbm4b:s3+s18], $0x80, s18, s18, $0xb8;
	[tilespmem:$0x10100] =	vst v63  }
0x191: {  	_ = 	snop  }
0x192: {  	[tilespmem:s12], [sflag:$0x2] =	stream.indirect.gather [hbm4b:s4+s18], $0x80, s18, s18, $0xb8;
	[tilespmem:$0x10100] =	vst v63  }
0x193: {  	_ =	swait.ge [sflag:s21], $0x4000  }
0x194: {  	[sflag:s21] =	ssyncset.done $0x0  }
0x195: {  	[sflag:s21] =	ssyncadd.s32 $0xFFFFC000  }
0x196: {  	_ =	swait.ge [sflag:s21], $0x4000  }
0x197: {  	[sflag:s21] =	ssyncset.done $0x0  }
0x198: {  	s0 =	rddreg [dreg:$0x4];
	[sflag:s21] =	ssyncadd.s32 $0xFFFFC000  }
0x199: {  	[hbm4b:s0+s2] =	stream.linear.scatter [tilespmem:s13], [sflag:$0x3], $0x4000, $0x38;
	[tilespmem:$0x10100] =	vst v63  }
0x19a: {  	s1 =	rddreg [dreg:$0x5]  }
0x19b: {  	[hbm4b:s1+s2] =	stream.linear.scatter [tilespmem:s14], [sflag:$0x3], $0x4000, $0x38;
	[tilespmem:$0x10100] =	vst v63  }
0x19c: {  	_ =	swait.ge [sflag:s10], $0x4000  }
0x19d: {  	[sflag:s10] =	ssyncset.done $0x0  }
0x19e: {  	[sflag:s10] =	ssyncadd.s32 $0xFFFFC000  }
0x19f: {  	_ =	swait.ge [sflag:s10], $0x4000  }
0x1a0: {  	[sflag:s10] =	ssyncset.done $0x0  }
0x1a1: {  	s1 =	rddreg [dreg:$0x6];
	[sflag:s10] =	ssyncadd.s32 $0xFFFFC000  }
0x1a2: {  	[tilespmem:s2], [sflag:$0x5] =	stream.linear.gather [hbm4b:s1+s2], $0x80, $0x38;
	[tilespmem:$0x10100] =	vst v63  }
0x1a3: {  	_ =	swait.ge [sflag:s20], $0x80  }
0x1a4: {  	[sflag:s20] =	ssyncset.done $0x0  }
0x1a5: {  	[sflag:s20] =	ssyncadd.s32 $0xFFFFFF80  }
0x1a6: {  	[tilespmem:s13], [sflag:$0x1] =	stream.indirect.gather [hbm4b:s3+s18], $0x80, s2, s18, $0xb8;
	[tilespmem:$0x10100] =	vst v63  }
0x1a7: {  	_ = 	snop  }
0x1a8: {  	[tilespmem:s14], [sflag:$0x1] =	stream.indirect.gather [hbm4b:s4+s18], $0x80, s2, s18, $0xb8;
	[tilespmem:$0x10100] =	vst v63  }
0x1a9: {  	_ =	swait.ge [sflag:s15], $0x4000  }
0x1aa: {  	[sflag:s15] =	ssyncset.done $0x0  }
0x1ab: {  	[sflag:s15] =	ssyncadd.s32 $0xFFFFC000  }
0x1ac: {  	_ =	swait.ge [sflag:s15], $0x4000  }
0x1ad: {  	[sflag:s15] =	ssyncset.done $0x0  }
0x1ae: {  	s0 =	rddreg [dreg:$0x7];
	[sflag:s15] =	ssyncadd.s32 $0xFFFFC000  }
0x1af: {  	[hbm4b:s0+s2] =	stream.linear.scatter [tilespmem:s11], [sflag:$0x4], $0x4000, $0x38;
	[tilespmem:$0x10100] =	vst v63  }
0x1b0: {  	s1 =	rddreg [dreg:$0x8]  }
0x1b1: {  	[hbm4b:s1+s2] =	stream.linear.scatter [tilespmem:s12], [sflag:$0x4], $0x4000, $0x38;
	[tilespmem:$0x10100] =	vst v63  }
0x1b2: {  	_ =	swait.ge [sflag:s7], $0x4000  }
0x1b3: {  	[sflag:s7] =	ssyncset.done $0x0  }
0x1b4: {  	[sflag:s7] =	ssyncadd.s32 $0xFFFFC000  }
0x1b5: {  	_ =	swait.ge [sflag:s7], $0x4000  }
0x1b6: {  	[sflag:s7] =	ssyncset.done $0x0  }
0x1b7: {  	s1 =	rddreg [dreg:$0x9];
	[sflag:s7] =	ssyncadd.s32 $0xFFFFC000  }
0x1b8: {  	[tilespmem:s18], [sflag:$0x5] =	stream.linear.gather [hbm4b:s1+s2], $0x80, $0x38;
	[tilespmem:$0x10100] =	vst v63  }
0x1b9: {  	_ =	swait.ge [sflag:s20], $0x80  }
0x1ba: {  	[sflag:s20] =	ssyncset.done $0x0  }
0x1bb: {  	[sflag:s20] =	ssyncadd.s32 $0xFFFFFF80  }
0x1bc: {  	[tilespmem:s11], [sflag:$0x2] =	stream.indirect.gather [hbm4b:s3+s18], $0x80, s18, s18, $0xb8;
	[tilespmem:$0x10100] =	vst v63  }
0x1bd: {  	_ = 	snop  }
0x1be: {  	[tilespmem:s12], [sflag:$0x2] =	stream.indirect.gather [hbm4b:s4+s18], $0x80, s18, s18, $0xb8;
	[tilespmem:$0x10100] =	vst v63  }
0x1bf: {  	_ =	swait.ge [sflag:s21], $0x4000  }
0x1c0: {  	[sflag:s21] =	ssyncset.done $0x0  }
0x1c1: {  	[sflag:s21] =	ssyncadd.s32 $0xFFFFC000  }
0x1c2: {  	_ =	swait.ge [sflag:s21], $0x4000  }
0x1c3: {  	[sflag:s21] =	ssyncset.done $0x0  }
0x1c4: {  	[sflag:s21] =	ssyncadd.s32 $0xFFFFC000  }
0x1c5: {  	[hbm4b:s30+s2] =	stream.linear.scatter [tilespmem:s13], [sflag:$0x3], $0x4000, $0x38;
	[tilespmem:$0x10100] =	vst v63  }
0x1c6: {  	_ = 	snop  }
0x1c7: {  	[hbm4b:s31+s2] =	stream.linear.scatter [tilespmem:s14], [sflag:$0x3], $0x4000, $0x38;
	[tilespmem:$0x10100] =	vst v63  }
0x1c8: {  	_ =	swait.ge [sflag:s10], $0x4000  }
0x1c9: {  	[sflag:s10] =	ssyncset.done $0x0  }
0x1ca: {  	[sflag:s10] =	ssyncadd.s32 $0xFFFFC000  }
0x1cb: {  	_ =	swait.ge [sflag:s10], $0x4000  }
0x1cc: {  	[sflag:s10] =	ssyncset.done $0x0  }
0x1cd: {  	[sflag:s10] =	ssyncadd.s32 $0xFFFFC000  }
0x1ce: {  	[tilespmem:s2], [sflag:$0x5] =	stream.linear.gather [hbm4b:s29+s2], $0x80, $0x38;
	[tilespmem:$0x10100] =	vst v63  }
0x1cf: {  	_ =	swait.ge [sflag:s20], $0x80  }
0x1d0: {  	[sflag:s20] =	ssyncset.done $0x0  }
0x1d1: {  	[sflag:s20] =	ssyncadd.s32 $0xFFFFFF80  }
0x1d2: {  	[tilespmem:s13], [sflag:$0x1] =	stream.indirect.gather [hbm4b:s3+s18], $0x80, s2, s18, $0xb8;
	[tilespmem:$0x10100] =	vst v63  }
0x1d3: {  	_ = 	snop  }
0x1d4: {  	[tilespmem:s14], [sflag:$0x1] =	stream.indirect.gather [hbm4b:s4+s18], $0x80, s2, s18, $0xb8;
	[tilespmem:$0x10100] =	vst v63  }
0x1d5: {  	_ =	swait.ge [sflag:s15], $0x4000  }
0x1d6: {  	[sflag:s15] =	ssyncset.done $0x0  }
0x1d7: {  	[sflag:s15] =	ssyncadd.s32 $0xFFFFC000  }
0x1d8: {  	_ =	swait.ge [sflag:s15], $0x4000  }
0x1d9: {  	[sflag:s15] =	ssyncset.done $0x0  }
0x1da: {  	[sflag:s15] =	ssyncadd.s32 $0xFFFFC000  }
0x1db: {  	[hbm4b:s26+s2] =	stream.linear.scatter [tilespmem:s11], [sflag:$0x4], $0x4000, $0x38;
	[tilespmem:$0x10100] =	vst v63  }
0x1dc: {  	_ = 	snop  }
0x1dd: {  	[hbm4b:s28+s2] =	stream.linear.scatter [tilespmem:s12], [sflag:$0x4], $0x4000, $0x38;
	[tilespmem:$0x10100] =	vst v63  }
0x1de: {  	_ =	swait.ge [sflag:s7], $0x4000  }
0x1df: {  	[sflag:s7] =	ssyncset.done $0x0  }
0x1e0: {  	[sflag:s7] =	ssyncadd.s32 $0xFFFFC000  }
0x1e1: {  	_ =	swait.ge [sflag:s7], $0x4000  }
0x1e2: {  	[sflag:s7] =	ssyncset.done $0x0  }
0x1e3: {  	[sflag:s7] =	ssyncadd.s32 $0xFFFFC000  }
0x1e4: {  	[tilespmem:s18], [sflag:$0x5] =	stream.linear.gather [hbm4b:s25+s2], $0x80, $0x38;
	[tilespmem:$0x10100] =	vst v63  }
0x1e5: {  	_ =	swait.ge [sflag:s20], $0x80  }
0x1e6: {  	[sflag:s20] =	ssyncset.done $0x0  }
0x1e7: {  	[sflag:s20] =	ssyncadd.s32 $0xFFFFFF80  }
0x1e8: {  	[tilespmem:s11], [sflag:$0x2] =	stream.indirect.gather [hbm4b:s3+s18], $0x80, s18, s18, $0xb8;
	[tilespmem:$0x10100] =	vst v63  }
0x1e9: {  	_ = 	snop  }
0x1ea: {  	[tilespmem:s12], [sflag:$0x2] =	stream.indirect.gather [hbm4b:s4+s18], $0x80, s18, s18, $0xb8;
	[tilespmem:$0x10100] =	vst v63  }
0x1eb: {  	_ =	swait.ge [sflag:s21], $0x4000  }
0x1ec: {  	[sflag:s21] =	ssyncset.done $0x0  }
0x1ed: {  	[sflag:s21] =	ssyncadd.s32 $0xFFFFC000  }
0x1ee: {  	_ =	swait.ge [sflag:s21], $0x4000  }
0x1ef: {  	[sflag:s21] =	ssyncset.done $0x0  }
0x1f0: {  	[sflag:s21] =	ssyncadd.s32 $0xFFFFC000  }
0x1f1: {  	[hbm4b:s23+s2] =	stream.linear.scatter [tilespmem:s13], [sflag:$0x3], $0x4000, $0x38;
	[tilespmem:$0x10100] =	vst v63  }
0x1f2: {  	_ = 	snop  }
0x1f3: {  	[hbm4b:s24+s2] =	stream.linear.scatter [tilespmem:s14], [sflag:$0x3], $0x4000, $0x38;
	[tilespmem:$0x10100] =	vst v63  }
0x1f4: {  	_ =	swait.ge [sflag:s10], $0x4000  }
0x1f5: {  	[sflag:s10] =	ssyncset.done $0x0  }
0x1f6: {  	[sflag:s10] =	ssyncadd.s32 $0xFFFFC000  }
0x1f7: {  	_ =	swait.ge [sflag:s10], $0x4000  }
0x1f8: {  	[sflag:s10] =	ssyncset.done $0x0  }
0x1f9: {  	[sflag:s10] =	ssyncadd.s32 $0xFFFFC000  }
0x1fa: {  	[tilespmem:s2], [sflag:$0x5] =	stream.linear.gather [hbm4b:s22+s2], $0x80, $0x38;
	[tilespmem:$0x10100] =	vst v63  }
0x1fb: {  	_ =	swait.ge [sflag:s20], $0x80  }
0x1fc: {  	[sflag:s20] =	ssyncset.done $0x0  }
0x1fd: {  	[sflag:s20] =	ssyncadd.s32 $0xFFFFFF80  }
0x1fe: {  	[tilespmem:s13], [sflag:$0x1] =	stream.indirect.gather [hbm4b:s3+s18], $0x80, s2, s18, $0xb8;
	[tilespmem:$0x10100] =	vst v63  }
0x1ff: {  	_ = 	snop  }
0x200: {  	[tilespmem:s14], [sflag:$0x1] =	stream.indirect.gather [hbm4b:s4+s18], $0x80, s2, s18, $0xb8;
	[tilespmem:$0x10100] =	vst v63  }
0x201: {  	_ =	swait.ge [sflag:s15], $0x4000  }
0x202: {  	[sflag:s15] =	ssyncset.done $0x0  }
0x203: {  	[sflag:s15] =	ssyncadd.s32 $0xFFFFC000  }
0x204: {  	_ =	swait.ge [sflag:s15], $0x4000  }
0x205: {  	[sflag:s15] =	ssyncset.done $0x0  }
0x206: {  	[sflag:s15] =	ssyncadd.s32 $0xFFFFC000  }
0x207: {  	[hbm4b:s17+s2] =	stream.linear.scatter [tilespmem:s11], [sflag:$0x4], $0x4000, $0x38;
	[tilespmem:$0x10100] =	vst v63  }
0x208: {  	_ = 	snop  }
0x209: {  	[hbm4b:s19+s2] =	stream.linear.scatter [tilespmem:s12], [sflag:$0x4], $0x4000, $0x38;
	[tilespmem:$0x10100] =	vst v63  }
0x20a: {  	_ =	swait.ge [sflag:s7], $0x4000  }
0x20b: {  	[sflag:s7] =	ssyncset.done $0x0  }
0x20c: {  	[sflag:s7] =	ssyncadd.s32 $0xFFFFC000  }
0x20d: {  	_ =	swait.ge [sflag:s7], $0x4000  }
0x20e: {  	[sflag:s7] =	ssyncset.done $0x0  }
0x20f: {  	[sflag:s7] =	ssyncadd.s32 $0xFFFFC000  }
0x210: {  	[tilespmem:s18], [sflag:$0x5] =	stream.linear.gather [hbm4b:s16+s2], $0x80, $0x38;
	[tilespmem:$0x10100] =	vst v63  }
0x211: {  	_ =	swait.ge [sflag:s20], $0x80  }
0x212: {  	[sflag:s20] =	ssyncset.done $0x0  }
0x213: {  	[sflag:s20] =	ssyncadd.s32 $0xFFFFFF80  }
0x214: {  	[tilespmem:s11], [sflag:$0x2] =	stream.indirect.gather [hbm4b:s3+s18], $0x80, s18, s18, $0xb8;
	[tilespmem:$0x10100] =	vst v63  }
0x215: {  	_ = 	snop  }
0x216: {  	[tilespmem:s12], [sflag:$0x2] =	stream.indirect.gather [hbm4b:s4+s18], $0x80, s18, s18, $0xb8;
	[tilespmem:$0x10100] =	vst v63  }
0x217: {  	_ =	swait.ge [sflag:s21], $0x4000  }
0x218: {  	[sflag:s21] =	ssyncset.done $0x0  }
0x219: {  	[sflag:s21] =	ssyncadd.s32 $0xFFFFC000  }
0x21a: {  	_ =	swait.ge [sflag:s21], $0x4000  }
0x21b: {  	[sflag:s21] =	ssyncset.done $0x0  }
0x21c: {  	[sflag:s21] =	ssyncadd.s32 $0xFFFFC000  }
0x21d: {  	[hbm4b:s8+s2] =	stream.linear.scatter [tilespmem:s13], [sflag:$0x3], $0x4000, $0x38;
	[tilespmem:$0x10100] =	vst v63  }
0x21e: {  	_ = 	snop  }
0x21f: {  	[hbm4b:s9+s2] =	stream.linear.scatter [tilespmem:s14], [sflag:$0x3], $0x4000, $0x38;
	[tilespmem:$0x10100] =	vst v63  }
0x220: {  	_ =	swait.ge [sflag:s15], $0x4000  }
0x221: {  	[sflag:s15] =	ssyncset.done $0x0  }
0x222: {  	[sflag:s15] =	ssyncadd.s32 $0xFFFFC000  }
0x223: {  	_ =	swait.ge [sflag:s15], $0x4000  }
0x224: {  	[sflag:s15] =	ssyncset.done $0x0  }
0x225: {  	[sflag:s15] =	ssyncadd.s32 $0xFFFFC000  }
0x226: {  	[hbm4b:s5+s2] =	stream.linear.scatter [tilespmem:s11], [sflag:$0x4], $0x4000, $0x38;
	[tilespmem:$0x10100] =	vst v63  }
0x227: {  	_ = 	snop  }
0x228: {  	[hbm4b:s6+s2] =	stream.linear.scatter [tilespmem:s12], [sflag:$0x4], $0x4000, $0x38;
	[tilespmem:$0x10100] =	vst v63  }
0x229: {  	_ =	swait.ge [sflag:s10], $0x4000  }
0x22a: {  	[sflag:s10] =	ssyncset.done $0x0  }
0x22b: {  	[sflag:s10] =	ssyncadd.s32 $0xFFFFC000  }
0x22c: {  	_ =	swait.ge [sflag:s10], $0x4000  }
0x22d: {  	[sflag:s10] =	ssyncset.done $0x0  }
0x22e: {  	[sflag:s10] =	ssyncadd.s32 $0xFFFFC000  }
0x22f: {  	_ =	swait.ge [sflag:s7], $0x4000  }
0x230: {  	[sflag:s7] =	ssyncset.done $0x0  }
0x231: {  	[sflag:s7] =	ssyncadd.s32 $0xFFFFC000  }
0x232: {  	_ =	swait.ge [sflag:s7], $0x4000  }
0x233: {  	[sflag:s7] =	ssyncset.done $0x0  }
0x234: {  	[sflag:s7] =	ssyncadd.s32 $0xFFFFC000  }
0x235: {  	_ =	sfence.sel $0x180000  }
0x236: {  	[bflag:$0x0] =	sbarrier.arrive $0xFFFF  }
0x237: {  	_ =	strace $0x90000047  }
0x238: {  	s31 =	stileid.u32;
	[bflag:$0x2] =	sbarrier.arrive $0xFFFF  }
0x239: {  	p0 =	sne.s32 s31, $0x0;
	s0 =	rddreg [dreg:$0x1]  }
0x23a: {  	s0 =	sadd.s32 @!p0 $0x100000, s0  }
0x23b: {  	[sflag:s0] =	ssyncadd.tile.s32 @!p0 $0x1;
	_ =	shalt  }
.Lfunc_end2:
_tile_overlayer_lowered:
.L_overlay_start_2:
0x23c: {  	(tag) =	ssettag $0x2  }
0x23d: {  	s0 =	rddreg [dreg:$0x0];
	s2 =	stileid.u32  }
0x23e: {  	s1 =	rddreg [dreg:$0x1];
	p0 =	sne.s32 s2, $0x0  }
0x23f: {  	s3 =	rddreg [dreg:$0x2];
	[bflag:$0x3] =	sbarrier.arrive $0xFFFF;
	s2 =	simm.s32 @!p0 $0x1C05  }
0x240: {  	[timem:s3], [sflag:s2] =	dma.local @!p0 [hbm:s0], s1  }
0x241: {  	s0 =	simm.s32 @!p0 $0x5  }
0x242: {  	_ =	swait.ge @!p0 [sflag:s0], s1  }
0x243: {  	s1 =	ssub.s32 @!p0 $0x0, s1;
	[sflag:s0] =	ssyncset.done @!p0 $0x0  }
0x244: {  	[sflag:s0] =	ssyncadd.s32 @!p0 s1  }
0x245: {  	[bflag:$0x3] =	sbarrier.arrive $0xFFFF  }
0x246: {  	_ =	shalt  }

</sc_bundles>
